<compile_context>
chip_gen: v7x
topology: tpu7x:2x2x1
jax: 0.10.2.dev20260603
libtpu: 0.0.44.dev20260713+nightly
codegen_flags: <defaults>
</compile_context>

<pallas_src>
import functools

import jax
import jax.numpy as jnp
from jax import lax
from jax.experimental import pallas as pl
from jax.experimental.pallas import tpu as pltpu
from jax.experimental.pallas import tpu_sc as plsc

B = 1024
D = 2048
C = 1000
CPAD = 1024
K = 16
NUM_DROP = 512
IDX_PAD = 128

SC_CORES = 2
SC_SUBCORES = 16
NW = SC_CORES * SC_SUBCORES
RPW = B // NW
CHUNK = 8



def _topk_idx_body(p_ref, y_ref, out_ref):
    p = p_ref[...]
    rb = p.shape[0]
    col = lax.broadcasted_iota(jnp.int32, (rb, CPAD), 1)
    ocol = lax.broadcasted_iota(jnp.int32, (rb, IDX_PAD), 1)
    acc = jnp.broadcast_to(y_ref[...], (rb, IDX_PAD))
    for k in range(K):
        m = jnp.max(p, axis=1, keepdims=True)
        idx = jnp.min(jnp.where(p == m, col, CPAD), axis=1, keepdims=True)
        acc = jnp.where(ocol == k, idx, acc)
        p = jnp.where(col == idx, -jnp.inf, p)
    out_ref[...] = acc


def _topk_indices(p_pad, y2):
    rb = 512
    return pl.pallas_call(
        _topk_idx_body,
        grid=(B // rb,),
        in_specs=[
            pl.BlockSpec((rb, CPAD), lambda i: (i, 0)),
            pl.BlockSpec((rb, 1), lambda i: (i, 0)),
        ],
        out_specs=pl.BlockSpec((rb, IDX_PAD), lambda i: (i, 0)),
        out_shape=jax.ShapeDtypeStruct((B, IDX_PAD), jnp.int32),
    )(p_pad, y2)



def _make_sc_scores_body(rpw):
  def _sc_scores_body(idx_hbm, y_hbm, w_hbm, scores_hbm,
                      idxbuf, yidx, ybuf, wbuf0, wbuf1, srow0, srow1,
                      sem_i, sem_y, sem_w0, sem_w1, sem_s0, sem_s1):
    wid = lax.axis_index("s") * SC_CORES + lax.axis_index("c")
    base = wid * rpw
    wbufs = (wbuf0, wbuf1)
    sem_ws = (sem_w0, sem_w1)
    srows = (srow0, srow1)
    sem_ss = (sem_s0, sem_s1)

    pltpu.async_copy(idx_hbm.at[pl.ds(base, rpw)], idxbuf, sem_i).wait()
    pltpu.async_copy(y_hbm.at[pl.ds(base, rpw)], yidx, sem_i).wait()

    def gather_w(r, slot):
        pltpu.async_copy(
            w_hbm.at[idxbuf.at[r, pl.ds(0, K)]], wbufs[slot], sem_ws[slot])

    gather_w(0, 0)

    def chunk_body(c, carry):
        pltpu.async_copy(
            w_hbm.at[yidx.at[pl.ds(c * CHUNK, CHUNK)]], ybuf, sem_y).wait()

        for i in range(CHUNK):
            r = c * CHUNK + i
            slot = i % 2
            wbuf = wbufs[slot]
            pltpu.make_async_copy(
                w_hbm.at[idxbuf.at[r, pl.ds(0, K)]], wbuf, sem_ws[slot]).wait()
            if i < CHUNK - 1:
                gather_w(r + 1, 1 - slot)
            else:
                @pl.when(c < rpw // CHUNK - 1)
                def _():
                    gather_w(r + 1, 1 - slot)

            srow = srows[slot]
            if i >= 2:
                pltpu.make_async_copy(
                    srow, scores_hbm.at[base + r - 2], sem_ss[slot]).wait()
            else:
                @pl.when(c > 0)
                def _():
                    pltpu.make_async_copy(
                        srow, scores_hbm.at[base + r - 2], sem_ss[slot]).wait()

            def col_body(j, carry2, wbuf=wbuf, srow=srow, i=i):
                sl = pl.ds(j * 16, 16)
                hi = wbuf[0, sl]
                lo = hi
                for k in range(1, K):
                    v = wbuf[k, sl]
                    hi = jnp.maximum(hi, v)
                    lo = jnp.minimum(lo, v)
                wy = ybuf[i, sl]
                srow[sl] = jnp.maximum(hi - wy, wy - lo)
                return carry2

            lax.fori_loop(0, D // 16, col_body, 0)
            pltpu.async_copy(srow, scores_hbm.at[base + r], sem_ss[slot])
        return carry

    lax.fori_loop(0, rpw // CHUNK, chunk_body, 0)
    for i in range(2):
        pltpu.make_async_copy(
            srows[i], scores_hbm.at[base + rpw - 2 + i], sem_ss[i]).wait()


  return _sc_scores_body


@functools.cache
def _sc_scores_kernel(nb):
    rpw = nb // NW
    mesh = plsc.VectorSubcoreMesh(
        core_axis_name="c", subcore_axis_name="s",
        num_cores=SC_CORES, num_subcores=SC_SUBCORES)
    return pl.kernel(
        _make_sc_scores_body(rpw),
        out_type=jax.ShapeDtypeStruct((nb, D), jnp.float32),
        mesh=mesh,
        scratch_types=[
            pltpu.VMEM((rpw, IDX_PAD), jnp.int32),
            pltpu.VMEM((rpw,), jnp.int32),
            pltpu.VMEM((CHUNK, D), jnp.float32),
            pltpu.VMEM((K, D), jnp.float32),
            pltpu.VMEM((K, D), jnp.float32),
            pltpu.VMEM((D,), jnp.float32),
            pltpu.VMEM((D,), jnp.float32),
            pltpu.SemaphoreType.DMA,
            pltpu.SemaphoreType.DMA,
            pltpu.SemaphoreType.DMA,
            pltpu.SemaphoreType.DMA,
            pltpu.SemaphoreType.DMA,
            pltpu.SemaphoreType.DMA,
        ],
    )



def _select_body(s_ref, x_ref, o_ref):
    bits = lax.bitcast_convert_type(s_ref[...], jnp.int32)
    rb = bits.shape[0]

    def round_body(t, prefix):
        cand = prefix | (1 << (30 - t))
        cnt = jnp.sum((bits >= cand).astype(jnp.int32), axis=1, keepdims=True)
        return jnp.where(cnt >= NUM_DROP, cand, prefix)

    prefix = lax.fori_loop(0, 31, round_body, jnp.zeros((rb, 1), jnp.int32))
    o_ref[...] = jnp.where(bits >= prefix, 0.0, x_ref[...])


def _select_mask(scores, x):
    rb = 1024
    nb = scores.shape[0]
    return pl.pallas_call(
        _select_body,
        grid=(nb // rb,),
        in_specs=[
            pl.BlockSpec((rb, D), lambda i: (i, 0)),
            pl.BlockSpec((rb, D), lambda i: (i, 0)),
        ],
        out_specs=pl.BlockSpec((rb, D), lambda i: (i, 0)),
        out_shape=jax.ShapeDtypeStruct((nb, D), jnp.float32),
    )(scores, x)



def kernel(x, y, weight_matrix, prev_output):
    y1 = y.astype(jnp.int32)
    p_pad = jnp.pad(prev_output, ((0, 0), (0, CPAD - C)),
                    constant_values=-jnp.inf)
    idx = _topk_indices(p_pad, y1.reshape(B, 1))
    scores = _sc_scores_kernel(B)(idx, y1, weight_matrix)
    return _select_mask(scores, x)

# --- scband reference (transcript-rebuilt; emitter-appended) ---
"""Pipeline reference for scband-super-label-dropout-68504728371465 (READ-ONLY COPY).

The authoritative reference and input builder live on the scoring server;
editing this copy changes nothing except your own understanding.
"""

import jax, jax.numpy as jnp
import numpy as np

B = 1024
D = 2048
NUM_CLASSES = 1000
K = 16  # num_top_channels
DROP_PERCENT = 0.25
DROP_CERTAINTY = 1.0


def setup_inputs(seed: int = 0) -> dict:
    key = jax.random.key(seed)
    k1, k2, k3, k4 = jax.random.split(key, 4)
    x = jax.random.normal(k1, (B, D), dtype=jnp.float32)
    y = jax.random.randint(k2, (B,), 0, NUM_CLASSES, dtype=jnp.int64)
    # module buffers set externally during training; materialize here
    weight_matrix = jax.random.normal(k3, (NUM_CLASSES, D), dtype=jnp.float32) * 0.02
    prev_output = jax.random.normal(k4, (B, NUM_CLASSES), dtype=jnp.float32)
    return {"x": x, "y": y, "weight_matrix": weight_matrix, "prev_output": prev_output}


def reference(x, y, weight_matrix, prev_output):
    # SuperLabelDropout(drop_percent, num_top_channels) configures ConfusionDropout with
    # use_activations=False, original_method=False, continous_dropout=False, drop_certianty=1.
    # Training-mode forward: mask = get_mask(x, y); return x * mask.
    # top-k confusable classes from previous logits
    _, top_ind = jax.lax.top_k(prev_output, K)                      # [B, K] int
    selected_weight_cols = jnp.take(weight_matrix, top_ind, axis=0)  # [B, K, D]
    # original_method == False branch:
    true_rows = jnp.take(weight_matrix, y, axis=0)                   # [B, D]
    selected_weight_diffs = selected_weight_cols - true_rows[:, None, :]  # [B, K, D]
    # use_activations == False -> stored_scores = selected_weight_diffs
    scores = jnp.abs(selected_weight_diffs)
    scores = jnp.max(scores, axis=1)                                 # [B, D]
    # continous_dropout == False branch:
    num_dropped = int(D * DROP_PERCENT)
    _, dropped_channels = jax.lax.top_k(scores, num_dropped)          # [B, num_dropped]
    # certianty_mask = rand > drop_certianty; with drop_certianty=1 this is all False
    mask = jnp.ones((B, D), dtype=jnp.float32)
    batch_indices = jnp.arange(B)[:, None]
    mask = mask.at[batch_indices, dropped_channels].set(0.0)
    return x * mask

if __name__ == "__main__":
    import jax
    _d = setup_inputs()
    print(jax.jit(kernel)(*tuple(_d.values())))

</pallas_src>

<mosaic_0001>
#map = affine_map<(d0, d1) -> (0, 0)>
#map1 = affine_map<(d0, d1) -> (0)>
module attributes {stable_mosaic.version = 14 : i64} {
  func.func @_sc_scores_body(%arg0: i32, %arg1: i32, %arg2: memref<1024x128xi32, #tpu.memory_space<hbm>>, %arg3: memref<1024xi32, #tpu.memory_space<hbm>>, %arg4: memref<1000x2048xf32, #tpu.memory_space<hbm>>, %arg5: memref<1024x2048xf32, #tpu.memory_space<hbm>>, %arg6: memref<32x128xi32, #tpu.memory_space<vmem>>, %arg7: memref<32xi32, #tpu.memory_space<vmem>>, %arg8: memref<8x2048xf32, #tpu.memory_space<vmem>>, %arg9: memref<16x2048xf32, #tpu.memory_space<vmem>>, %arg10: memref<16x2048xf32, #tpu.memory_space<vmem>>, %arg11: memref<2048xf32, #tpu.memory_space<vmem>>, %arg12: memref<2048xf32, #tpu.memory_space<vmem>>, %arg13: memref<!tpu.dma_semaphore, #tpu.memory_space<semaphore_mem>>, %arg14: memref<!tpu.dma_semaphore, #tpu.memory_space<semaphore_mem>>, %arg15: memref<!tpu.dma_semaphore, #tpu.memory_space<semaphore_mem>>, %arg16: memref<!tpu.dma_semaphore, #tpu.memory_space<semaphore_mem>>, %arg17: memref<!tpu.dma_semaphore, #tpu.memory_space<semaphore_mem>>, %arg18: memref<!tpu.dma_semaphore, #tpu.memory_space<semaphore_mem>>) attributes {dimension_semantics = [#tpu.dimension_semantics<core_parallel>, #tpu.dimension_semantics<subcore_parallel>], iteration_bounds = array<i64: 2, 16>, scalar_prefetch = 0 : i64, scratch_operands = 13 : i64, tpu.core_type = #tpu.core_type<sc_vector_subcore>, window_params = [{transform_indices = #map}, {transform_indices = #map1}, {transform_indices = #map}, {transform_indices = #map}]} {
    %mul3A = arith.constant 2 : i32
    %mul3A_0 = arith.muli %arg1, %mul3A : i32
    %add3A = arith.addi %mul3A_0, %arg0 : i32
    %mul3A_1 = arith.constant 32 : i32
    %mul3A_2 = arith.muli %add3A, %mul3A_1 : i32
    %dma_start3A = arith.constant 0 : i32
    %dma_start3A_3 = tpu.memref_slice %arg2[%mul3A_2, %dma_start3A] : memref<1024x128xi32, #tpu.memory_space<hbm>> -> memref<32x128xi32, #tpu.memory_space<hbm>>
    %dma_start3A_4 = arith.constant 0 : i32
    %dma_start3A_5 = tpu.memref_slice %arg2[%mul3A_2, %dma_start3A_4] : memref<1024x128xi32, #tpu.memory_space<hbm>> -> memref<32x128xi32, #tpu.memory_space<hbm>>
    tpu.enqueue_dma source(%dma_start3A_5 : memref<32x128xi32, #tpu.memory_space<hbm>>) target(%arg6 : memref<32x128xi32, #tpu.memory_space<vmem>>) target_semaphore(%arg13 : memref<!tpu.dma_semaphore, #tpu.memory_space<semaphore_mem>>)
    %dma_wait3A = arith.constant 0 : i32
    %dma_wait3A_6 = tpu.memref_slice %arg2[%mul3A_2, %dma_wait3A] : memref<1024x128xi32, #tpu.memory_space<hbm>> -> memref<32x128xi32, #tpu.memory_space<hbm>>
    %dma_wait3A_7 = arith.constant 0 : i32
    %dma_wait3A_8 = tpu.memref_slice %arg2[%mul3A_2, %dma_wait3A_7] : memref<1024x128xi32, #tpu.memory_space<hbm>> -> memref<32x128xi32, #tpu.memory_space<hbm>>
    tpu.wait_dma2 semaphore(%arg13 : memref<!tpu.dma_semaphore, #tpu.memory_space<semaphore_mem>>) src(%dma_wait3A_8 : memref<32x128xi32, #tpu.memory_space<hbm>>) dst(%arg6 : memref<32x128xi32, #tpu.memory_space<vmem>>)
    %dma_start3A_9 = tpu.memref_slice %arg3[%mul3A_2] : memref<1024xi32, #tpu.memory_space<hbm>> -> memref<32xi32, #tpu.memory_space<hbm>>
    %dma_start3A_10 = tpu.memref_slice %arg3[%mul3A_2] : memref<1024xi32, #tpu.memory_space<hbm>> -> memref<32xi32, #tpu.memory_space<hbm>>
    tpu.enqueue_dma source(%dma_start3A_10 : memref<32xi32, #tpu.memory_space<hbm>>) target(%arg7 : memref<32xi32, #tpu.memory_space<vmem>>) target_semaphore(%arg13 : memref<!tpu.dma_semaphore, #tpu.memory_space<semaphore_mem>>)
    %dma_wait3A_11 = tpu.memref_slice %arg3[%mul3A_2] : memref<1024xi32, #tpu.memory_space<hbm>> -> memref<32xi32, #tpu.memory_space<hbm>>
    %dma_wait3A_12 = tpu.memref_slice %arg3[%mul3A_2] : memref<1024xi32, #tpu.memory_space<hbm>> -> memref<32xi32, #tpu.memory_space<hbm>>
    tpu.wait_dma2 semaphore(%arg13 : memref<!tpu.dma_semaphore, #tpu.memory_space<semaphore_mem>>) src(%dma_wait3A_12 : memref<32xi32, #tpu.memory_space<hbm>>) dst(%arg7 : memref<32xi32, #tpu.memory_space<vmem>>)
    %dma_start3A_13 = arith.constant 0 : i32
    %dma_start3A_14 = arith.constant 0 : i32
    %dma_start3A_15 = tpu.memref_slice %arg6[%dma_start3A_13, %dma_start3A_14] : memref<32x128xi32, #tpu.memory_space<vmem>> -> memref<1x16xi32, #tpu.memory_space<vmem>>
    %dma_start3A_16 = tpu.memref_squeeze %dma_start3A_15 : memref<1x16xi32, #tpu.memory_space<vmem>> -> memref<16xi32, #tpu.memory_space<vmem>>
    %dma_start3A_17 = arith.constant 0 : i32
    %dma_start3A_18 = arith.constant 0 : i32
    %dma_start3A_19 = tpu.memref_slice %arg4[%dma_start3A_17, %dma_start3A_18] : memref<1000x2048xf32, #tpu.memory_space<hbm>> -> memref<1000x2048xf32, #tpu.memory_space<hbm>>
    tpu.enqueue_indirect_dma source(%dma_start3A_19 : memref<1000x2048xf32, #tpu.memory_space<hbm>>) target(%arg9 : memref<16x2048xf32, #tpu.memory_space<vmem>>) offsets(%dma_start3A_16 : memref<16xi32, #tpu.memory_space<vmem>>) semaphore(%arg15 : memref<!tpu.dma_semaphore, #tpu.memory_space<semaphore_mem>>)
    %scan3A = arith.constant 0 : i32
    %scan3A_20 = arith.constant 0 : i32
    %scan3A_21 = arith.constant 4 : i32
    %scan3A_22 = arith.addi %scan3A_20, %scan3A_21 : i32
    %scan3A_23 = arith.constant 1 : i32
    scf.for %scan3A_48 = %scan3A_20 to %scan3A_22 step %scan3A_23  : i32 {
      %mul3A_49 = arith.constant 8 : i32
      %mul3A_50 = arith.muli %scan3A_48, %mul3A_49 : i32
      %dma_start3A_51 = tpu.memref_slice %arg7[%mul3A_50] : memref<32xi32, #tpu.memory_space<vmem>> -> memref<8xi32, #tpu.memory_space<vmem>>
      %dma_start3A_52 = arith.constant 0 : i32
      %dma_start3A_53 = arith.constant 0 : i32
      %dma_start3A_54 = tpu.memref_slice %arg4[%dma_start3A_52, %dma_start3A_53] : memref<1000x2048xf32, #tpu.memory_space<hbm>> -> memref<1000x2048xf32, #tpu.memory_space<hbm>>
      tpu.enqueue_indirect_dma source(%dma_start3A_54 : memref<1000x2048xf32, #tpu.memory_space<hbm>>) target(%arg8 : memref<8x2048xf32, #tpu.memory_space<vmem>>) offsets(%dma_start3A_51 : memref<8xi32, #tpu.memory_space<vmem>>) semaphore(%arg14 : memref<!tpu.dma_semaphore, #tpu.memory_space<semaphore_mem>>)
      %dma_wait3A_55 = tpu.memref_slice %arg7[%mul3A_50] : memref<32xi32, #tpu.memory_space<vmem>> -> memref<8xi32, #tpu.memory_space<vmem>>
      %dma_wait3A_56 = arith.constant 0 : i32
      %dma_wait3A_57 = arith.constant 0 : i32
      %dma_wait3A_58 = tpu.memref_slice %arg4[%dma_wait3A_56, %dma_wait3A_57] : memref<1000x2048xf32, #tpu.memory_space<hbm>> -> memref<1000x2048xf32, #tpu.memory_space<hbm>>
      tpu.wait_indirect_dma semaphore(%arg14 : memref<!tpu.dma_semaphore, #tpu.memory_space<semaphore_mem>>) src(%dma_wait3A_58 : memref<1000x2048xf32, #tpu.memory_space<hbm>>) dst(%arg8 : memref<8x2048xf32, #tpu.memory_space<vmem>>)
      %mul3A_59 = arith.constant 8 : i32
      %mul3A_60 = arith.muli %scan3A_48, %mul3A_59 : i32
      %add3A_61 = arith.constant 0 : i32
      %add3A_62 = arith.addi %mul3A_60, %add3A_61 : i32
      %dma_wait3A_63 = arith.constant 0 : i32
      %dma_wait3A_64 = tpu.memref_slice %arg6[%add3A_62, %dma_wait3A_63] : memref<32x128xi32, #tpu.memory_space<vmem>> -> memref<1x16xi32, #tpu.memory_space<vmem>>
      %dma_wait3A_65 = tpu.memref_squeeze %dma_wait3A_64 : memref<1x16xi32, #tpu.memory_space<vmem>> -> memref<16xi32, #tpu.memory_space<vmem>>
      %dma_wait3A_66 = arith.constant 0 : i32
      %dma_wait3A_67 = arith.constant 0 : i32
      %dma_wait3A_68 = tpu.memref_slice %arg4[%dma_wait3A_66, %dma_wait3A_67] : memref<1000x2048xf32, #tpu.memory_space<hbm>> -> memref<1000x2048xf32, #tpu.memory_space<hbm>>
      tpu.wait_indirect_dma semaphore(%arg15 : memref<!tpu.dma_semaphore, #tpu.memory_space<semaphore_mem>>) src(%dma_wait3A_68 : memref<1000x2048xf32, #tpu.memory_space<hbm>>) dst(%arg9 : memref<16x2048xf32, #tpu.memory_space<vmem>>)
      %add3A_69 = arith.constant 1 : i32
      %add3A_70 = arith.addi %add3A_62, %add3A_69 : i32
      %dma_start3A_71 = arith.constant 0 : i32
      %dma_start3A_72 = tpu.memref_slice %arg6[%add3A_70, %dma_start3A_71] : memref<32x128xi32, #tpu.memory_space<vmem>> -> memref<1x16xi32, #tpu.memory_space<vmem>>
      %dma_start3A_73 = tpu.memref_squeeze %dma_start3A_72 : memref<1x16xi32, #tpu.memory_space<vmem>> -> memref<16xi32, #tpu.memory_space<vmem>>
      %dma_start3A_74 = arith.constant 0 : i32
      %dma_start3A_75 = arith.constant 0 : i32
      %dma_start3A_76 = tpu.memref_slice %arg4[%dma_start3A_74, %dma_start3A_75] : memref<1000x2048xf32, #tpu.memory_space<hbm>> -> memref<1000x2048xf32, #tpu.memory_space<hbm>>
      tpu.enqueue_indirect_dma source(%dma_start3A_76 : memref<1000x2048xf32, #tpu.memory_space<hbm>>) target(%arg10 : memref<16x2048xf32, #tpu.memory_space<vmem>>) offsets(%dma_start3A_73 : memref<16xi32, #tpu.memory_space<vmem>>) semaphore(%arg16 : memref<!tpu.dma_semaphore, #tpu.memory_space<semaphore_mem>>)
      %gt3A = arith.constant 0 : i32
      %gt3A_77 = arith.cmpi sgt, %scan3A_48, %gt3A : i32
      %convert_element_type3A = arith.extui %gt3A_77 : i1 to i32
      %cond3A = arith.constant 0 : i32
      %cond3A_78 = arith.cmpi ne, %convert_element_type3A, %cond3A : i32
      scf.if %cond3A_78 {
        %add3A_364 = arith.addi %mul3A_2, %add3A_62 : i32
        %sub3A_365 = arith.constant 2 : i32
        %sub3A_366 = arith.subi %add3A_364, %sub3A_365 : i32
        %dma_wait3A_367 = arith.constant 0 : i32
        %dma_wait3A_368 = tpu.memref_slice %arg5[%sub3A_366, %dma_wait3A_367] : memref<1024x2048xf32, #tpu.memory_space<hbm>> -> memref<1x2048xf32, #tpu.memory_space<hbm>>
        %dma_wait3A_369 = tpu.memref_squeeze %dma_wait3A_368 : memref<1x2048xf32, #tpu.memory_space<hbm>> -> memref<2048xf32, #tpu.memory_space<hbm>>
        %dma_wait3A_370 = arith.constant 0 : i32
        %dma_wait3A_371 = tpu.memref_slice %arg5[%sub3A_366, %dma_wait3A_370] : memref<1024x2048xf32, #tpu.memory_space<hbm>> -> memref<1x2048xf32, #tpu.memory_space<hbm>>
        %dma_wait3A_372 = tpu.memref_squeeze %dma_wait3A_371 : memref<1x2048xf32, #tpu.memory_space<hbm>> -> memref<2048xf32, #tpu.memory_space<hbm>>
        tpu.wait_dma2 semaphore(%arg17 : memref<!tpu.dma_semaphore, #tpu.memory_space<semaphore_mem>>) src(%arg11 : memref<2048xf32, #tpu.memory_space<vmem>>) dst(%dma_wait3A_372 : memref<2048xf32, #tpu.memory_space<hbm>>)
      } else {
      }
      %scan3A_79 = arith.constant 0 : i32
      %scan3A_80 = arith.constant 0 : i32
      %scan3A_81 = arith.constant 128 : i32
      %scan3A_82 = arith.addi %scan3A_80, %scan3A_81 : i32
      %scan3A_83 = arith.constant 1 : i32
      scf.for %scan3A_364 = %scan3A_80 to %scan3A_82 step %scan3A_83  : i32 {
        %mul3A_365 = arith.constant 16 : i32
        %mul3A_366 = arith.muli %scan3A_364, %mul3A_365 : i32
        %get3A = arith.constant 0 : i32
        %get3A_367 = arith.index_cast %get3A : i32 to index
        %get3A_368 = arith.index_cast %mul3A_366 : i32 to index
        %get3A_369 = tpu.vector_load %arg9[%get3A_367, %get3A_368] {strides = array<i32>} : memref<16x2048xf32, #tpu.memory_space<vmem>>, vector<1x16xf32>,
        %get3A_370 = vector.shape_cast %get3A_369 : vector<1x16xf32> to vector<16xf32>
        %get3A_371 = arith.constant 1 : i32
        %get3A_372 = arith.index_cast %get3A_371 : i32 to index
        %get3A_373 = arith.index_cast %mul3A_366 : i32 to index
        %get3A_374 = tpu.vector_load %arg9[%get3A_372, %get3A_373] {strides = array<i32>} : memref<16x2048xf32, #tpu.memory_space<vmem>>, vector<1x16xf32>,
        %get3A_375 = vector.shape_cast %get3A_374 : vector<1x16xf32> to vector<16xf32>
        %max3A = arith.maximumf %get3A_370, %get3A_375 : vector<16xf32>
        %min3A = arith.minimumf %get3A_370, %get3A_375 : vector<16xf32>
        %get3A_376 = arith.constant 2 : i32
        %get3A_377 = arith.index_cast %get3A_376 : i32 to index
        %get3A_378 = arith.index_cast %mul3A_366 : i32 to index
        %get3A_379 = tpu.vector_load %arg9[%get3A_377, %get3A_378] {strides = array<i32>} : memref<16x2048xf32, #tpu.memory_space<vmem>>, vector<1x16xf32>,
        %get3A_380 = vector.shape_cast %get3A_379 : vector<1x16xf32> to vector<16xf32>
        %max3A_381 = arith.maximumf %max3A, %get3A_380 : vector<16xf32>
        %min3A_382 = arith.minimumf %min3A, %get3A_380 : vector<16xf32>
        %get3A_383 = arith.constant 3 : i32
        %get3A_384 = arith.index_cast %get3A_383 : i32 to index
        %get3A_385 = arith.index_cast %mul3A_366 : i32 to index
        %get3A_386 = tpu.vector_load %arg9[%get3A_384, %get3A_385] {strides = array<i32>} : memref<16x2048xf32, #tpu.memory_space<vmem>>, vector<1x16xf32>,
        %get3A_387 = vector.shape_cast %get3A_386 : vector<1x16xf32> to vector<16xf32>
        %max3A_388 = arith.maximumf %max3A_381, %get3A_387 : vector<16xf32>
        %min3A_389 = arith.minimumf %min3A_382, %get3A_387 : vector<16xf32>
        %get3A_390 = arith.constant 4 : i32
        %get3A_391 = arith.index_cast %get3A_390 : i32 to index
        %get3A_392 = arith.index_cast %mul3A_366 : i32 to index
        %get3A_393 = tpu.vector_load %arg9[%get3A_391, %get3A_392] {strides = array<i32>} : memref<16x2048xf32, #tpu.memory_space<vmem>>, vector<1x16xf32>,
        %get3A_394 = vector.shape_cast %get3A_393 : vector<1x16xf32> to vector<16xf32>
        %max3A_395 = arith.maximumf %max3A_388, %get3A_394 : vector<16xf32>
        %min3A_396 = arith.minimumf %min3A_389, %get3A_394 : vector<16xf32>
        %get3A_397 = arith.constant 5 : i32
        %get3A_398 = arith.index_cast %get3A_397 : i32 to index
        %get3A_399 = arith.index_cast %mul3A_366 : i32 to index
        %get3A_400 = tpu.vector_load %arg9[%get3A_398, %get3A_399] {strides = array<i32>} : memref<16x2048xf32, #tpu.memory_space<vmem>>, vector<1x16xf32>,
        %get3A_401 = vector.shape_cast %get3A_400 : vector<1x16xf32> to vector<16xf32>
        %max3A_402 = arith.maximumf %max3A_395, %get3A_401 : vector<16xf32>
        %min3A_403 = arith.minimumf %min3A_396, %get3A_401 : vector<16xf32>
        %get3A_404 = arith.constant 6 : i32
        %get3A_405 = arith.index_cast %get3A_404 : i32 to index
        %get3A_406 = arith.index_cast %mul3A_366 : i32 to index
        %get3A_407 = tpu.vector_load %arg9[%get3A_405, %get3A_406] {strides = array<i32>} : memref<16x2048xf32, #tpu.memory_space<vmem>>, vector<1x16xf32>,
        %get3A_408 = vector.shape_cast %get3A_407 : vector<1x16xf32> to vector<16xf32>
        %max3A_409 = arith.maximumf %max3A_402, %get3A_408 : vector<16xf32>
        %min3A_410 = arith.minimumf %min3A_403, %get3A_408 : vector<16xf32>
        %get3A_411 = arith.constant 7 : i32
        %get3A_412 = arith.index_cast %get3A_411 : i32 to index
        %get3A_413 = arith.index_cast %mul3A_366 : i32 to index
        %get3A_414 = tpu.vector_load %arg9[%get3A_412, %get3A_413] {strides = array<i32>} : memref<16x2048xf32, #tpu.memory_space<vmem>>, vector<1x16xf32>,
        %get3A_415 = vector.shape_cast %get3A_414 : vector<1x16xf32> to vector<16xf32>
        %max3A_416 = arith.maximumf %max3A_409, %get3A_415 : vector<16xf32>
        %min3A_417 = arith.minimumf %min3A_410, %get3A_415 : vector<16xf32>
        %get3A_418 = arith.constant 8 : i32
        %get3A_419 = arith.index_cast %get3A_418 : i32 to index
        %get3A_420 = arith.index_cast %mul3A_366 : i32 to index
        %get3A_421 = tpu.vector_load %arg9[%get3A_419, %get3A_420] {strides = array<i32>} : memref<16x2048xf32, #tpu.memory_space<vmem>>, vector<1x16xf32>,
        %get3A_422 = vector.shape_cast %get3A_421 : vector<1x16xf32> to vector<16xf32>
        %max3A_423 = arith.maximumf %max3A_416, %get3A_422 : vector<16xf32>
        %min3A_424 = arith.minimumf %min3A_417, %get3A_422 : vector<16xf32>
        %get3A_425 = arith.constant 9 : i32
        %get3A_426 = arith.index_cast %get3A_425 : i32 to index
        %get3A_427 = arith.index_cast %mul3A_366 : i32 to index
        %get3A_428 = tpu.vector_load %arg9[%get3A_426, %get3A_427] {strides = array<i32>} : memref<16x2048xf32, #tpu.memory_space<vmem>>, vector<1x16xf32>,
        %get3A_429 = vector.shape_cast %get3A_428 : vector<1x16xf32> to vector<16xf32>
        %max3A_430 = arith.maximumf %max3A_423, %get3A_429 : vector<16xf32>
        %min3A_431 = arith.minimumf %min3A_424, %get3A_429 : vector<16xf32>
        %get3A_432 = arith.constant 10 : i32
        %get3A_433 = arith.index_cast %get3A_432 : i32 to index
        %get3A_434 = arith.index_cast %mul3A_366 : i32 to index
        %get3A_435 = tpu.vector_load %arg9[%get3A_433, %get3A_434] {strides = array<i32>} : memref<16x2048xf32, #tpu.memory_space<vmem>>, vector<1x16xf32>,
        %get3A_436 = vector.shape_cast %get3A_435 : vector<1x16xf32> to vector<16xf32>
        %max3A_437 = arith.maximumf %max3A_430, %get3A_436 : vector<16xf32>
        %min3A_438 = arith.minimumf %min3A_431, %get3A_436 : vector<16xf32>
        %get3A_439 = arith.constant 11 : i32
        %get3A_440 = arith.index_cast %get3A_439 : i32 to index
        %get3A_441 = arith.index_cast %mul3A_366 : i32 to index
        %get3A_442 = tpu.vector_load %arg9[%get3A_440, %get3A_441] {strides = array<i32>} : memref<16x2048xf32, #tpu.memory_space<vmem>>, vector<1x16xf32>,
        %get3A_443 = vector.shape_cast %get3A_442 : vector<1x16xf32> to vector<16xf32>
        %max3A_444 = arith.maximumf %max3A_437, %get3A_443 : vector<16xf32>
        %min3A_445 = arith.minimumf %min3A_438, %get3A_443 : vector<16xf32>
        %get3A_446 = arith.constant 12 : i32
        %get3A_447 = arith.index_cast %get3A_446 : i32 to index
        %get3A_448 = arith.index_cast %mul3A_366 : i32 to index
        %get3A_449 = tpu.vector_load %arg9[%get3A_447, %get3A_448] {strides = array<i32>} : memref<16x2048xf32, #tpu.memory_space<vmem>>, vector<1x16xf32>,
        %get3A_450 = vector.shape_cast %get3A_449 : vector<1x16xf32> to vector<16xf32>
        %max3A_451 = arith.maximumf %max3A_444, %get3A_450 : vector<16xf32>
        %min3A_452 = arith.minimumf %min3A_445, %get3A_450 : vector<16xf32>
        %get3A_453 = arith.constant 13 : i32
        %get3A_454 = arith.index_cast %get3A_453 : i32 to index
        %get3A_455 = arith.index_cast %mul3A_366 : i32 to index
        %get3A_456 = tpu.vector_load %arg9[%get3A_454, %get3A_455] {strides = array<i32>} : memref<16x2048xf32, #tpu.memory_space<vmem>>, vector<1x16xf32>,
        %get3A_457 = vector.shape_cast %get3A_456 : vector<1x16xf32> to vector<16xf32>
        %max3A_458 = arith.maximumf %max3A_451, %get3A_457 : vector<16xf32>
        %min3A_459 = arith.minimumf %min3A_452, %get3A_457 : vector<16xf32>
        %get3A_460 = arith.constant 14 : i32
        %get3A_461 = arith.index_cast %get3A_460 : i32 to index
        %get3A_462 = arith.index_cast %mul3A_366 : i32 to index
        %get3A_463 = tpu.vector_load %arg9[%get3A_461, %get3A_462] {strides = array<i32>} : memref<16x2048xf32, #tpu.memory_space<vmem>>, vector<1x16xf32>,
        %get3A_464 = vector.shape_cast %get3A_463 : vector<1x16xf32> to vector<16xf32>
        %max3A_465 = arith.maximumf %max3A_458, %get3A_464 : vector<16xf32>
        %min3A_466 = arith.minimumf %min3A_459, %get3A_464 : vector<16xf32>
        %get3A_467 = arith.constant 15 : i32
        %get3A_468 = arith.index_cast %get3A_467 : i32 to index
        %get3A_469 = arith.index_cast %mul3A_366 : i32 to index
        %get3A_470 = tpu.vector_load %arg9[%get3A_468, %get3A_469] {strides = array<i32>} : memref<16x2048xf32, #tpu.memory_space<vmem>>, vector<1x16xf32>,
        %get3A_471 = vector.shape_cast %get3A_470 : vector<1x16xf32> to vector<16xf32>
        %max3A_472 = arith.maximumf %max3A_465, %get3A_471 : vector<16xf32>
        %min3A_473 = arith.minimumf %min3A_466, %get3A_471 : vector<16xf32>
        %get3A_474 = arith.constant 0 : i32
        %get3A_475 = arith.index_cast %get3A_474 : i32 to index
        %get3A_476 = arith.index_cast %mul3A_366 : i32 to index
        %get3A_477 = tpu.vector_load %arg8[%get3A_475, %get3A_476] {strides = array<i32>} : memref<8x2048xf32, #tpu.memory_space<vmem>>, vector<1x16xf32>,
        %get3A_478 = vector.shape_cast %get3A_477 : vector<1x16xf32> to vector<16xf32>
        %sub3A_479 = arith.subf %max3A_472, %get3A_478 : vector<16xf32>
        %sub3A_480 = arith.subf %get3A_478, %min3A_473 : vector<16xf32>
        %max3A_481 = arith.maximumf %sub3A_479, %sub3A_480 : vector<16xf32>
        %swap3A = arith.index_cast %mul3A_366 : i32 to index
        %swap3A_482 = tpu.vector_load %arg11[%swap3A] {strides = array<i32>} : memref<2048xf32, #tpu.memory_space<vmem>>, vector<16xf32>,
        %swap3A_483 = vector.shape_cast %swap3A_482 : vector<16xf32> to vector<16xf32>
        %swap3A_484 = vector.shape_cast %max3A_481 : vector<16xf32> to vector<16xf32>
        tpu.vector_store %arg11[%swap3A], %swap3A_484 {strides = array<i32>} : memref<2048xf32, #tpu.memory_space<vmem>>, vector<16xf32>,
      }
      %scan3A_84 = arith.constant 128 : i32
      %add3A_85 = arith.addi %mul3A_2, %add3A_62 : i32
      %dma_start3A_86 = arith.constant 0 : i32
      %dma_start3A_87 = tpu.memref_slice %arg5[%add3A_85, %dma_start3A_86] : memref<1024x2048xf32, #tpu.memory_space<hbm>> -> memref<1x2048xf32, #tpu.memory_space<hbm>>
      %dma_start3A_88 = tpu.memref_squeeze %dma_start3A_87 : memref<1x2048xf32, #tpu.memory_space<hbm>> -> memref<2048xf32, #tpu.memory_space<hbm>>
      %dma_start3A_89 = arith.constant 0 : i32
      %dma_start3A_90 = tpu.memref_slice %arg5[%add3A_85, %dma_start3A_89] : memref<1024x2048xf32, #tpu.memory_space<hbm>> -> memref<1x2048xf32, #tpu.memory_space<hbm>>
      %dma_start3A_91 = tpu.memref_squeeze %dma_start3A_90 : memref<1x2048xf32, #tpu.memory_space<hbm>> -> memref<2048xf32, #tpu.memory_space<hbm>>
      tpu.enqueue_dma source(%arg11 : memref<2048xf32, #tpu.memory_space<vmem>>) target(%dma_start3A_91 : memref<2048xf32, #tpu.memory_space<hbm>>) target_semaphore(%arg17 : memref<!tpu.dma_semaphore, #tpu.memory_space<semaphore_mem>>)
      %mul3A_92 = arith.constant 8 : i32
      %mul3A_93 = arith.muli %scan3A_48, %mul3A_92 : i32
      %add3A_94 = arith.constant 1 : i32
      %add3A_95 = arith.addi %mul3A_93, %add3A_94 : i32
      %dma_wait3A_96 = arith.constant 0 : i32
      %dma_wait3A_97 = tpu.memref_slice %arg6[%add3A_95, %dma_wait3A_96] : memref<32x128xi32, #tpu.memory_space<vmem>> -> memref<1x16xi32, #tpu.memory_space<vmem>>
      %dma_wait3A_98 = tpu.memref_squeeze %dma_wait3A_97 : memref<1x16xi32, #tpu.memory_space<vmem>> -> memref<16xi32, #tpu.memory_space<vmem>>
      %dma_wait3A_99 = arith.constant 0 : i32
      %dma_wait3A_100 = arith.constant 0 : i32
      %dma_wait3A_101 = tpu.memref_slice %arg4[%dma_wait3A_99, %dma_wait3A_100] : memref<1000x2048xf32, #tpu.memory_space<hbm>> -> memref<1000x2048xf32, #tpu.memory_space<hbm>>
      tpu.wait_indirect_dma semaphore(%arg16 : memref<!tpu.dma_semaphore, #tpu.memory_space<semaphore_mem>>) src(%dma_wait3A_101 : memref<1000x2048xf32, #tpu.memory_space<hbm>>) dst(%arg10 : memref<16x2048xf32, #tpu.memory_space<vmem>>)
      %add3A_102 = arith.constant 1 : i32
      %add3A_103 = arith.addi %add3A_95, %add3A_102 : i32
      %dma_start3A_104 = arith.constant 0 : i32
      %dma_start3A_105 = tpu.memref_slice %arg6[%add3A_103, %dma_start3A_104] : memref<32x128xi32, #tpu.memory_space<vmem>> -> memref<1x16xi32, #tpu.memory_space<vmem>>
      %dma_start3A_106 = tpu.memref_squeeze %dma_start3A_105 : memref<1x16xi32, #tpu.memory_space<vmem>> -> memref<16xi32, #tpu.memory_space<vmem>>
      %dma_start3A_107 = arith.constant 0 : i32
      %dma_start3A_108 = arith.constant 0 : i32
      %dma_start3A_109 = tpu.memref_slice %arg4[%dma_start3A_107, %dma_start3A_108] : memref<1000x2048xf32, #tpu.memory_space<hbm>> -> memref<1000x2048xf32, #tpu.memory_space<hbm>>
      tpu.enqueue_indirect_dma source(%dma_start3A_109 : memref<1000x2048xf32, #tpu.memory_space<hbm>>) target(%arg9 : memref<16x2048xf32, #tpu.memory_space<vmem>>) offsets(%dma_start3A_106 : memref<16xi32, #tpu.memory_space<vmem>>) semaphore(%arg15 : memref<!tpu.dma_semaphore, #tpu.memory_space<semaphore_mem>>)
      %gt3A_110 = arith.constant 0 : i32
      %gt3A_111 = arith.cmpi sgt, %scan3A_48, %gt3A_110 : i32
      %convert_element_type3A_112 = arith.extui %gt3A_111 : i1 to i32
      %cond3A_113 = arith.constant 0 : i32
      %cond3A_114 = arith.cmpi ne, %convert_element_type3A_112, %cond3A_113 : i32
      scf.if %cond3A_114 {
        %add3A_364 = arith.addi %mul3A_2, %add3A_95 : i32
        %sub3A_365 = arith.constant 2 : i32
        %sub3A_366 = arith.subi %add3A_364, %sub3A_365 : i32
        %dma_wait3A_367 = arith.constant 0 : i32
        %dma_wait3A_368 = tpu.memref_slice %arg5[%sub3A_366, %dma_wait3A_367] : memref<1024x2048xf32, #tpu.memory_space<hbm>> -> memref<1x2048xf32, #tpu.memory_space<hbm>>
        %dma_wait3A_369 = tpu.memref_squeeze %dma_wait3A_368 : memref<1x2048xf32, #tpu.memory_space<hbm>> -> memref<2048xf32, #tpu.memory_space<hbm>>
        %dma_wait3A_370 = arith.constant 0 : i32
        %dma_wait3A_371 = tpu.memref_slice %arg5[%sub3A_366, %dma_wait3A_370] : memref<1024x2048xf32, #tpu.memory_space<hbm>> -> memref<1x2048xf32, #tpu.memory_space<hbm>>
        %dma_wait3A_372 = tpu.memref_squeeze %dma_wait3A_371 : memref<1x2048xf32, #tpu.memory_space<hbm>> -> memref<2048xf32, #tpu.memory_space<hbm>>
        tpu.wait_dma2 semaphore(%arg18 : memref<!tpu.dma_semaphore, #tpu.memory_space<semaphore_mem>>) src(%arg12 : memref<2048xf32, #tpu.memory_space<vmem>>) dst(%dma_wait3A_372 : memref<2048xf32, #tpu.memory_space<hbm>>)
      } else {
      }
      %scan3A_115 = arith.constant 0 : i32
      %scan3A_116 = arith.constant 0 : i32
      %scan3A_117 = arith.constant 128 : i32
      %scan3A_118 = arith.addi %scan3A_116, %scan3A_117 : i32
      %scan3A_119 = arith.constant 1 : i32
      scf.for %scan3A_364 = %scan3A_116 to %scan3A_118 step %scan3A_119  : i32 {
        %mul3A_365 = arith.constant 16 : i32
        %mul3A_366 = arith.muli %scan3A_364, %mul3A_365 : i32
        %get3A = arith.constant 0 : i32
        %get3A_367 = arith.index_cast %get3A : i32 to index
        %get3A_368 = arith.index_cast %mul3A_366 : i32 to index
        %get3A_369 = tpu.vector_load %arg10[%get3A_367, %get3A_368] {strides = array<i32>} : memref<16x2048xf32, #tpu.memory_space<vmem>>, vector<1x16xf32>,
        %get3A_370 = vector.shape_cast %get3A_369 : vector<1x16xf32> to vector<16xf32>
        %get3A_371 = arith.constant 1 : i32
        %get3A_372 = arith.index_cast %get3A_371 : i32 to index
        %get3A_373 = arith.index_cast %mul3A_366 : i32 to index
        %get3A_374 = tpu.vector_load %arg10[%get3A_372, %get3A_373] {strides = array<i32>} : memref<16x2048xf32, #tpu.memory_space<vmem>>, vector<1x16xf32>,
        %get3A_375 = vector.shape_cast %get3A_374 : vector<1x16xf32> to vector<16xf32>
        %max3A = arith.maximumf %get3A_370, %get3A_375 : vector<16xf32>
        %min3A = arith.minimumf %get3A_370, %get3A_375 : vector<16xf32>
        %get3A_376 = arith.constant 2 : i32
        %get3A_377 = arith.index_cast %get3A_376 : i32 to index
        %get3A_378 = arith.index_cast %mul3A_366 : i32 to index
        %get3A_379 = tpu.vector_load %arg10[%get3A_377, %get3A_378] {strides = array<i32>} : memref<16x2048xf32, #tpu.memory_space<vmem>>, vector<1x16xf32>,
        %get3A_380 = vector.shape_cast %get3A_379 : vector<1x16xf32> to vector<16xf32>
        %max3A_381 = arith.maximumf %max3A, %get3A_380 : vector<16xf32>
        %min3A_382 = arith.minimumf %min3A, %get3A_380 : vector<16xf32>
        %get3A_383 = arith.constant 3 : i32
        %get3A_384 = arith.index_cast %get3A_383 : i32 to index
        %get3A_385 = arith.index_cast %mul3A_366 : i32 to index
        %get3A_386 = tpu.vector_load %arg10[%get3A_384, %get3A_385] {strides = array<i32>} : memref<16x2048xf32, #tpu.memory_space<vmem>>, vector<1x16xf32>,
        %get3A_387 = vector.shape_cast %get3A_386 : vector<1x16xf32> to vector<16xf32>
        %max3A_388 = arith.maximumf %max3A_381, %get3A_387 : vector<16xf32>
        %min3A_389 = arith.minimumf %min3A_382, %get3A_387 : vector<16xf32>
        %get3A_390 = arith.constant 4 : i32
        %get3A_391 = arith.index_cast %get3A_390 : i32 to index
        %get3A_392 = arith.index_cast %mul3A_366 : i32 to index
        %get3A_393 = tpu.vector_load %arg10[%get3A_391, %get3A_392] {strides = array<i32>} : memref<16x2048xf32, #tpu.memory_space<vmem>>, vector<1x16xf32>,
        %get3A_394 = vector.shape_cast %get3A_393 : vector<1x16xf32> to vector<16xf32>
        %max3A_395 = arith.maximumf %max3A_388, %get3A_394 : vector<16xf32>
        %min3A_396 = arith.minimumf %min3A_389, %get3A_394 : vector<16xf32>
        %get3A_397 = arith.constant 5 : i32
        %get3A_398 = arith.index_cast %get3A_397 : i32 to index
        %get3A_399 = arith.index_cast %mul3A_366 : i32 to index
        %get3A_400 = tpu.vector_load %arg10[%get3A_398, %get3A_399] {strides = array<i32>} : memref<16x2048xf32, #tpu.memory_space<vmem>>, vector<1x16xf32>,
        %get3A_401 = vector.shape_cast %get3A_400 : vector<1x16xf32> to vector<16xf32>
        %max3A_402 = arith.maximumf %max3A_395, %get3A_401 : vector<16xf32>
        %min3A_403 = arith.minimumf %min3A_396, %get3A_401 : vector<16xf32>
        %get3A_404 = arith.constant 6 : i32
        %get3A_405 = arith.index_cast %get3A_404 : i32 to index
        %get3A_406 = arith.index_cast %mul3A_366 : i32 to index
        %get3A_407 = tpu.vector_load %arg10[%get3A_405, %get3A_406] {strides = array<i32>} : memref<16x2048xf32, #tpu.memory_space<vmem>>, vector<1x16xf32>,
        %get3A_408 = vector.shape_cast %get3A_407 : vector<1x16xf32> to vector<16xf32>
        %max3A_409 = arith.maximumf %max3A_402, %get3A_408 : vector<16xf32>
        %min3A_410 = arith.minimumf %min3A_403, %get3A_408 : vector<16xf32>
        %get3A_411 = arith.constant 7 : i32
        %get3A_412 = arith.index_cast %get3A_411 : i32 to index
        %get3A_413 = arith.index_cast %mul3A_366 : i32 to index
        %get3A_414 = tpu.vector_load %arg10[%get3A_412, %get3A_413] {strides = array<i32>} : memref<16x2048xf32, #tpu.memory_space<vmem>>, vector<1x16xf32>,
        %get3A_415 = vector.shape_cast %get3A_414 : vector<1x16xf32> to vector<16xf32>
        %max3A_416 = arith.maximumf %max3A_409, %get3A_415 : vector<16xf32>
        %min3A_417 = arith.minimumf %min3A_410, %get3A_415 : vector<16xf32>
        %get3A_418 = arith.constant 8 : i32
        %get3A_419 = arith.index_cast %get3A_418 : i32 to index
        %get3A_420 = arith.index_cast %mul3A_366 : i32 to index
        %get3A_421 = tpu.vector_load %arg10[%get3A_419, %get3A_420] {strides = array<i32>} : memref<16x2048xf32, #tpu.memory_space<vmem>>, vector<1x16xf32>,
        %get3A_422 = vector.shape_cast %get3A_421 : vector<1x16xf32> to vector<16xf32>
        %max3A_423 = arith.maximumf %max3A_416, %get3A_422 : vector<16xf32>
        %min3A_424 = arith.minimumf %min3A_417, %get3A_422 : vector<16xf32>
        %get3A_425 = arith.constant 9 : i32
        %get3A_426 = arith.index_cast %get3A_425 : i32 to index
        %get3A_427 = arith.index_cast %mul3A_366 : i32 to index
        %get3A_428 = tpu.vector_load %arg10[%get3A_426, %get3A_427] {strides = array<i32>} : memref<16x2048xf32, #tpu.memory_space<vmem>>, vector<1x16xf32>,
        %get3A_429 = vector.shape_cast %get3A_428 : vector<1x16xf32> to vector<16xf32>
        %max3A_430 = arith.maximumf %max3A_423, %get3A_429 : vector<16xf32>
        %min3A_431 = arith.minimumf %min3A_424, %get3A_429 : vector<16xf32>
        %get3A_432 = arith.constant 10 : i32
        %get3A_433 = arith.index_cast %get3A_432 : i32 to index
        %get3A_434 = arith.index_cast %mul3A_366 : i32 to index
        %get3A_435 = tpu.vector_load %arg10[%get3A_433, %get3A_434] {strides = array<i32>} : memref<16x2048xf32, #tpu.memory_space<vmem>>, vector<1x16xf32>,
        %get3A_436 = vector.shape_cast %get3A_435 : vector<1x16xf32> to vector<16xf32>
        %max3A_437 = arith.maximumf %max3A_430, %get3A_436 : vector<16xf32>
        %min3A_438 = arith.minimumf %min3A_431, %get3A_436 : vector<16xf32>
        %get3A_439 = arith.constant 11 : i32
        %get3A_440 = arith.index_cast %get3A_439 : i32 to index
        %get3A_441 = arith.index_cast %mul3A_366 : i32 to index
        %get3A_442 = tpu.vector_load %arg10[%get3A_440, %get3A_441] {strides = array<i32>} : memref<16x2048xf32, #tpu.memory_space<vmem>>, vector<1x16xf32>,
        %get3A_443 = vector.shape_cast %get3A_442 : vector<1x16xf32> to vector<16xf32>
        %max3A_444 = arith.maximumf %max3A_437, %get3A_443 : vector<16xf32>
        %min3A_445 = arith.minimumf %min3A_438, %get3A_443 : vector<16xf32>
        %get3A_446 = arith.constant 12 : i32
        %get3A_447 = arith.index_cast %get3A_446 : i32 to index
        %get3A_448 = arith.index_cast %mul3A_366 : i32 to index
        %get3A_449 = tpu.vector_load %arg10[%get3A_447, %get3A_448] {strides = array<i32>} : memref<16x2048xf32, #tpu.memory_space<vmem>>, vector<1x16xf32>,
        %get3A_450 = vector.shape_cast %get3A_449 : vector<1x16xf32> to vector<16xf32>
        %max3A_451 = arith.maximumf %max3A_444, %get3A_450 : vector<16xf32>
        %min3A_452 = arith.minimumf %min3A_445, %get3A_450 : vector<16xf32>
        %get3A_453 = arith.constant 13 : i32
        %get3A_454 = arith.index_cast %get3A_453 : i32 to index
        %get3A_455 = arith.index_cast %mul3A_366 : i32 to index
        %get3A_456 = tpu.vector_load %arg10[%get3A_454, %get3A_455] {strides = array<i32>} : memref<16x2048xf32, #tpu.memory_space<vmem>>, vector<1x16xf32>,
        %get3A_457 = vector.shape_cast %get3A_456 : vector<1x16xf32> to vector<16xf32>
        %max3A_458 = arith.maximumf %max3A_451, %get3A_457 : vector<16xf32>
        %min3A_459 = arith.minimumf %min3A_452, %get3A_457 : vector<16xf32>
        %get3A_460 = arith.constant 14 : i32
        %get3A_461 = arith.index_cast %get3A_460 : i32 to index
        %get3A_462 = arith.index_cast %mul3A_366 : i32 to index
        %get3A_463 = tpu.vector_load %arg10[%get3A_461, %get3A_462] {strides = array<i32>} : memref<16x2048xf32, #tpu.memory_space<vmem>>, vector<1x16xf32>,
        %get3A_464 = vector.shape_cast %get3A_463 : vector<1x16xf32> to vector<16xf32>
        %max3A_465 = arith.maximumf %max3A_458, %get3A_464 : vector<16xf32>
        %min3A_466 = arith.minimumf %min3A_459, %get3A_464 : vector<16xf32>
        %get3A_467 = arith.constant 15 : i32
        %get3A_468 = arith.index_cast %get3A_467 : i32 to index
        %get3A_469 = arith.index_cast %mul3A_366 : i32 to index
        %get3A_470 = tpu.vector_load %arg10[%get3A_468, %get3A_469] {strides = array<i32>} : memref<16x2048xf32, #tpu.memory_space<vmem>>, vector<1x16xf32>,
        %get3A_471 = vector.shape_cast %get3A_470 : vector<1x16xf32> to vector<16xf32>
        %max3A_472 = arith.maximumf %max3A_465, %get3A_471 : vector<16xf32>
        %min3A_473 = arith.minimumf %min3A_466, %get3A_471 : vector<16xf32>
        %get3A_474 = arith.constant 1 : i32
        %get3A_475 = arith.index_cast %get3A_474 : i32 to index
        %get3A_476 = arith.index_cast %mul3A_366 : i32 to index
        %get3A_477 = tpu.vector_load %arg8[%get3A_475, %get3A_476] {strides = array<i32>} : memref<8x2048xf32, #tpu.memory_space<vmem>>, vector<1x16xf32>,
        %get3A_478 = vector.shape_cast %get3A_477 : vector<1x16xf32> to vector<16xf32>
        %sub3A_479 = arith.subf %max3A_472, %get3A_478 : vector<16xf32>
        %sub3A_480 = arith.subf %get3A_478, %min3A_473 : vector<16xf32>
        %max3A_481 = arith.maximumf %sub3A_479, %sub3A_480 : vector<16xf32>
        %swap3A = arith.index_cast %mul3A_366 : i32 to index
        %swap3A_482 = tpu.vector_load %arg12[%swap3A] {strides = array<i32>} : memref<2048xf32, #tpu.memory_space<vmem>>, vector<16xf32>,
        %swap3A_483 = vector.shape_cast %swap3A_482 : vector<16xf32> to vector<16xf32>
        %swap3A_484 = vector.shape_cast %max3A_481 : vector<16xf32> to vector<16xf32>
        tpu.vector_store %arg12[%swap3A], %swap3A_484 {strides = array<i32>} : memref<2048xf32, #tpu.memory_space<vmem>>, vector<16xf32>,
      }
      %scan3A_120 = arith.constant 128 : i32
      %add3A_121 = arith.addi %mul3A_2, %add3A_95 : i32
      %dma_start3A_122 = arith.constant 0 : i32
      %dma_start3A_123 = tpu.memref_slice %arg5[%add3A_121, %dma_start3A_122] : memref<1024x2048xf32, #tpu.memory_space<hbm>> -> memref<1x2048xf32, #tpu.memory_space<hbm>>
      %dma_start3A_124 = tpu.memref_squeeze %dma_start3A_123 : memref<1x2048xf32, #tpu.memory_space<hbm>> -> memref<2048xf32, #tpu.memory_space<hbm>>
      %dma_start3A_125 = arith.constant 0 : i32
      %dma_start3A_126 = tpu.memref_slice %arg5[%add3A_121, %dma_start3A_125] : memref<1024x2048xf32, #tpu.memory_space<hbm>> -> memref<1x2048xf32, #tpu.memory_space<hbm>>
      %dma_start3A_127 = tpu.memref_squeeze %dma_start3A_126 : memref<1x2048xf32, #tpu.memory_space<hbm>> -> memref<2048xf32, #tpu.memory_space<hbm>>
      tpu.enqueue_dma source(%arg12 : memref<2048xf32, #tpu.memory_space<vmem>>) target(%dma_start3A_127 : memref<2048xf32, #tpu.memory_space<hbm>>) target_semaphore(%arg18 : memref<!tpu.dma_semaphore, #tpu.memory_space<semaphore_mem>>)
      %mul3A_128 = arith.constant 8 : i32
      %mul3A_129 = arith.muli %scan3A_48, %mul3A_128 : i32
      %add3A_130 = arith.constant 2 : i32
      %add3A_131 = arith.addi %mul3A_129, %add3A_130 : i32
      %dma_wait3A_132 = arith.constant 0 : i32
      %dma_wait3A_133 = tpu.memref_slice %arg6[%add3A_131, %dma_wait3A_132] : memref<32x128xi32, #tpu.memory_space<vmem>> -> memref<1x16xi32, #tpu.memory_space<vmem>>
      %dma_wait3A_134 = tpu.memref_squeeze %dma_wait3A_133 : memref<1x16xi32, #tpu.memory_space<vmem>> -> memref<16xi32, #tpu.memory_space<vmem>>
      %dma_wait3A_135 = arith.constant 0 : i32
      %dma_wait3A_136 = arith.constant 0 : i32
      %dma_wait3A_137 = tpu.memref_slice %arg4[%dma_wait3A_135, %dma_wait3A_136] : memref<1000x2048xf32, #tpu.memory_space<hbm>> -> memref<1000x2048xf32, #tpu.memory_space<hbm>>
      tpu.wait_indirect_dma semaphore(%arg15 : memref<!tpu.dma_semaphore, #tpu.memory_space<semaphore_mem>>) src(%dma_wait3A_137 : memref<1000x2048xf32, #tpu.memory_space<hbm>>) dst(%arg9 : memref<16x2048xf32, #tpu.memory_space<vmem>>)
      %add3A_138 = arith.constant 1 : i32
      %add3A_139 = arith.addi %add3A_131, %add3A_138 : i32
      %dma_start3A_140 = arith.constant 0 : i32
      %dma_start3A_141 = tpu.memref_slice %arg6[%add3A_139, %dma_start3A_140] : memref<32x128xi32, #tpu.memory_space<vmem>> -> memref<1x16xi32, #tpu.memory_space<vmem>>
      %dma_start3A_142 = tpu.memref_squeeze %dma_start3A_141 : memref<1x16xi32, #tpu.memory_space<vmem>> -> memref<16xi32, #tpu.memory_space<vmem>>
      %dma_start3A_143 = arith.constant 0 : i32
      %dma_start3A_144 = arith.constant 0 : i32
      %dma_start3A_145 = tpu.memref_slice %arg4[%dma_start3A_143, %dma_start3A_144] : memref<1000x2048xf32, #tpu.memory_space<hbm>> -> memref<1000x2048xf32, #tpu.memory_space<hbm>>
      tpu.enqueue_indirect_dma source(%dma_start3A_145 : memref<1000x2048xf32, #tpu.memory_space<hbm>>) target(%arg10 : memref<16x2048xf32, #tpu.memory_space<vmem>>) offsets(%dma_start3A_142 : memref<16xi32, #tpu.memory_space<vmem>>) semaphore(%arg16 : memref<!tpu.dma_semaphore, #tpu.memory_space<semaphore_mem>>)
      %add3A_146 = arith.addi %mul3A_2, %add3A_131 : i32
      %sub3A_147 = arith.constant 2 : i32
      %sub3A_148 = arith.subi %add3A_146, %sub3A_147 : i32
      %dma_wait3A_149 = arith.constant 0 : i32
      %dma_wait3A_150 = tpu.memref_slice %arg5[%sub3A_148, %dma_wait3A_149] : memref<1024x2048xf32, #tpu.memory_space<hbm>> -> memref<1x2048xf32, #tpu.memory_space<hbm>>
      %dma_wait3A_151 = tpu.memref_squeeze %dma_wait3A_150 : memref<1x2048xf32, #tpu.memory_space<hbm>> -> memref<2048xf32, #tpu.memory_space<hbm>>
      %dma_wait3A_152 = arith.constant 0 : i32
      %dma_wait3A_153 = tpu.memref_slice %arg5[%sub3A_148, %dma_wait3A_152] : memref<1024x2048xf32, #tpu.memory_space<hbm>> -> memref<1x2048xf32, #tpu.memory_space<hbm>>
      %dma_wait3A_154 = tpu.memref_squeeze %dma_wait3A_153 : memref<1x2048xf32, #tpu.memory_space<hbm>> -> memref<2048xf32, #tpu.memory_space<hbm>>
      tpu.wait_dma2 semaphore(%arg17 : memref<!tpu.dma_semaphore, #tpu.memory_space<semaphore_mem>>) src(%arg11 : memref<2048xf32, #tpu.memory_space<vmem>>) dst(%dma_wait3A_154 : memref<2048xf32, #tpu.memory_space<hbm>>)
      %scan3A_155 = arith.constant 0 : i32
      %scan3A_156 = arith.constant 0 : i32
      %scan3A_157 = arith.constant 128 : i32
      %scan3A_158 = arith.addi %scan3A_156, %scan3A_157 : i32
      %scan3A_159 = arith.constant 1 : i32
      scf.for %scan3A_364 = %scan3A_156 to %scan3A_158 step %scan3A_159  : i32 {
        %mul3A_365 = arith.constant 16 : i32
        %mul3A_366 = arith.muli %scan3A_364, %mul3A_365 : i32
        %get3A = arith.constant 0 : i32
        %get3A_367 = arith.index_cast %get3A : i32 to index
        %get3A_368 = arith.index_cast %mul3A_366 : i32 to index
        %get3A_369 = tpu.vector_load %arg9[%get3A_367, %get3A_368] {strides = array<i32>} : memref<16x2048xf32, #tpu.memory_space<vmem>>, vector<1x16xf32>,
        %get3A_370 = vector.shape_cast %get3A_369 : vector<1x16xf32> to vector<16xf32>
        %get3A_371 = arith.constant 1 : i32
        %get3A_372 = arith.index_cast %get3A_371 : i32 to index
        %get3A_373 = arith.index_cast %mul3A_366 : i32 to index
        %get3A_374 = tpu.vector_load %arg9[%get3A_372, %get3A_373] {strides = array<i32>} : memref<16x2048xf32, #tpu.memory_space<vmem>>, vector<1x16xf32>,
        %get3A_375 = vector.shape_cast %get3A_374 : vector<1x16xf32> to vector<16xf32>
        %max3A = arith.maximumf %get3A_370, %get3A_375 : vector<16xf32>
        %min3A = arith.minimumf %get3A_370, %get3A_375 : vector<16xf32>
        %get3A_376 = arith.constant 2 : i32
        %get3A_377 = arith.index_cast %get3A_376 : i32 to index
        %get3A_378 = arith.index_cast %mul3A_366 : i32 to index
        %get3A_379 = tpu.vector_load %arg9[%get3A_377, %get3A_378] {strides = array<i32>} : memref<16x2048xf32, #tpu.memory_space<vmem>>, vector<1x16xf32>,
        %get3A_380 = vector.shape_cast %get3A_379 : vector<1x16xf32> to vector<16xf32>
        %max3A_381 = arith.maximumf %max3A, %get3A_380 : vector<16xf32>
        %min3A_382 = arith.minimumf %min3A, %get3A_380 : vector<16xf32>
        %get3A_383 = arith.constant 3 : i32
        %get3A_384 = arith.index_cast %get3A_383 : i32 to index
        %get3A_385 = arith.index_cast %mul3A_366 : i32 to index
        %get3A_386 = tpu.vector_load %arg9[%get3A_384, %get3A_385] {strides = array<i32>} : memref<16x2048xf32, #tpu.memory_space<vmem>>, vector<1x16xf32>,
        %get3A_387 = vector.shape_cast %get3A_386 : vector<1x16xf32> to vector<16xf32>
        %max3A_388 = arith.maximumf %max3A_381, %get3A_387 : vector<16xf32>
        %min3A_389 = arith.minimumf %min3A_382, %get3A_387 : vector<16xf32>
        %get3A_390 = arith.constant 4 : i32
        %get3A_391 = arith.index_cast %get3A_390 : i32 to index
        %get3A_392 = arith.index_cast %mul3A_366 : i32 to index
        %get3A_393 = tpu.vector_load %arg9[%get3A_391, %get3A_392] {strides = array<i32>} : memref<16x2048xf32, #tpu.memory_space<vmem>>, vector<1x16xf32>,
        %get3A_394 = vector.shape_cast %get3A_393 : vector<1x16xf32> to vector<16xf32>
        %max3A_395 = arith.maximumf %max3A_388, %get3A_394 : vector<16xf32>
        %min3A_396 = arith.minimumf %min3A_389, %get3A_394 : vector<16xf32>
        %get3A_397 = arith.constant 5 : i32
        %get3A_398 = arith.index_cast %get3A_397 : i32 to index
        %get3A_399 = arith.index_cast %mul3A_366 : i32 to index
        %get3A_400 = tpu.vector_load %arg9[%get3A_398, %get3A_399] {strides = array<i32>} : memref<16x2048xf32, #tpu.memory_space<vmem>>, vector<1x16xf32>,
        %get3A_401 = vector.shape_cast %get3A_400 : vector<1x16xf32> to vector<16xf32>
        %max3A_402 = arith.maximumf %max3A_395, %get3A_401 : vector<16xf32>
        %min3A_403 = arith.minimumf %min3A_396, %get3A_401 : vector<16xf32>
        %get3A_404 = arith.constant 6 : i32
        %get3A_405 = arith.index_cast %get3A_404 : i32 to index
        %get3A_406 = arith.index_cast %mul3A_366 : i32 to index
        %get3A_407 = tpu.vector_load %arg9[%get3A_405, %get3A_406] {strides = array<i32>} : memref<16x2048xf32, #tpu.memory_space<vmem>>, vector<1x16xf32>,
        %get3A_408 = vector.shape_cast %get3A_407 : vector<1x16xf32> to vector<16xf32>
        %max3A_409 = arith.maximumf %max3A_402, %get3A_408 : vector<16xf32>
        %min3A_410 = arith.minimumf %min3A_403, %get3A_408 : vector<16xf32>
        %get3A_411 = arith.constant 7 : i32
        %get3A_412 = arith.index_cast %get3A_411 : i32 to index
        %get3A_413 = arith.index_cast %mul3A_366 : i32 to index
        %get3A_414 = tpu.vector_load %arg9[%get3A_412, %get3A_413] {strides = array<i32>} : memref<16x2048xf32, #tpu.memory_space<vmem>>, vector<1x16xf32>,
        %get3A_415 = vector.shape_cast %get3A_414 : vector<1x16xf32> to vector<16xf32>
        %max3A_416 = arith.maximumf %max3A_409, %get3A_415 : vector<16xf32>
        %min3A_417 = arith.minimumf %min3A_410, %get3A_415 : vector<16xf32>
        %get3A_418 = arith.constant 8 : i32
        %get3A_419 = arith.index_cast %get3A_418 : i32 to index
        %get3A_420 = arith.index_cast %mul3A_366 : i32 to index
        %get3A_421 = tpu.vector_load %arg9[%get3A_419, %get3A_420] {strides = array<i32>} : memref<16x2048xf32, #tpu.memory_space<vmem>>, vector<1x16xf32>,
        %get3A_422 = vector.shape_cast %get3A_421 : vector<1x16xf32> to vector<16xf32>
        %max3A_423 = arith.maximumf %max3A_416, %get3A_422 : vector<16xf32>
        %min3A_424 = arith.minimumf %min3A_417, %get3A_422 : vector<16xf32>
        %get3A_425 = arith.constant 9 : i32
        %get3A_426 = arith.index_cast %get3A_425 : i32 to index
        %get3A_427 = arith.index_cast %mul3A_366 : i32 to index
        %get3A_428 = tpu.vector_load %arg9[%get3A_426, %get3A_427] {strides = array<i32>} : memref<16x2048xf32, #tpu.memory_space<vmem>>, vector<1x16xf32>,
        %get3A_429 = vector.shape_cast %get3A_428 : vector<1x16xf32> to vector<16xf32>
        %max3A_430 = arith.maximumf %max3A_423, %get3A_429 : vector<16xf32>
        %min3A_431 = arith.minimumf %min3A_424, %get3A_429 : vector<16xf32>
        %get3A_432 = arith.constant 10 : i32
        %get3A_433 = arith.index_cast %get3A_432 : i32 to index
        %get3A_434 = arith.index_cast %mul3A_366 : i32 to index
        %get3A_435 = tpu.vector_load %arg9[%get3A_433, %get3A_434] {strides = array<i32>} : memref<16x2048xf32, #tpu.memory_space<vmem>>, vector<1x16xf32>,
        %get3A_436 = vector.shape_cast %get3A_435 : vector<1x16xf32> to vector<16xf32>
        %max3A_437 = arith.maximumf %max3A_430, %get3A_436 : vector<16xf32>
        %min3A_438 = arith.minimumf %min3A_431, %get3A_436 : vector<16xf32>
        %get3A_439 = arith.constant 11 : i32
        %get3A_440 = arith.index_cast %get3A_439 : i32 to index
        %get3A_441 = arith.index_cast %mul3A_366 : i32 to index
        %get3A_442 = tpu.vector_load %arg9[%get3A_440, %get3A_441] {strides = array<i32>} : memref<16x2048xf32, #tpu.memory_space<vmem>>, vector<1x16xf32>,
        %get3A_443 = vector.shape_cast %get3A_442 : vector<1x16xf32> to vector<16xf32>
        %max3A_444 = arith.maximumf %max3A_437, %get3A_443 : vector<16xf32>
        %min3A_445 = arith.minimumf %min3A_438, %get3A_443 : vector<16xf32>
        %get3A_446 = arith.constant 12 : i32
        %get3A_447 = arith.index_cast %get3A_446 : i32 to index
        %get3A_448 = arith.index_cast %mul3A_366 : i32 to index
        %get3A_449 = tpu.vector_load %arg9[%get3A_447, %get3A_448] {strides = array<i32>} : memref<16x2048xf32, #tpu.memory_space<vmem>>, vector<1x16xf32>,
        %get3A_450 = vector.shape_cast %get3A_449 : vector<1x16xf32> to vector<16xf32>
        %max3A_451 = arith.maximumf %max3A_444, %get3A_450 : vector<16xf32>
        %min3A_452 = arith.minimumf %min3A_445, %get3A_450 : vector<16xf32>
        %get3A_453 = arith.constant 13 : i32
        %get3A_454 = arith.index_cast %get3A_453 : i32 to index
        %get3A_455 = arith.index_cast %mul3A_366 : i32 to index
        %get3A_456 = tpu.vector_load %arg9[%get3A_454, %get3A_455] {strides = array<i32>} : memref<16x2048xf32, #tpu.memory_space<vmem>>, vector<1x16xf32>,
        %get3A_457 = vector.shape_cast %get3A_456 : vector<1x16xf32> to vector<16xf32>
        %max3A_458 = arith.maximumf %max3A_451, %get3A_457 : vector<16xf32>
        %min3A_459 = arith.minimumf %min3A_452, %get3A_457 : vector<16xf32>
        %get3A_460 = arith.constant 14 : i32
        %get3A_461 = arith.index_cast %get3A_460 : i32 to index
        %get3A_462 = arith.index_cast %mul3A_366 : i32 to index
        %get3A_463 = tpu.vector_load %arg9[%get3A_461, %get3A_462] {strides = array<i32>} : memref<16x2048xf32, #tpu.memory_space<vmem>>, vector<1x16xf32>,
        %get3A_464 = vector.shape_cast %get3A_463 : vector<1x16xf32> to vector<16xf32>
        %max3A_465 = arith.maximumf %max3A_458, %get3A_464 : vector<16xf32>
        %min3A_466 = arith.minimumf %min3A_459, %get3A_464 : vector<16xf32>
        %get3A_467 = arith.constant 15 : i32
        %get3A_468 = arith.index_cast %get3A_467 : i32 to index
        %get3A_469 = arith.index_cast %mul3A_366 : i32 to index
        %get3A_470 = tpu.vector_load %arg9[%get3A_468, %get3A_469] {strides = array<i32>} : memref<16x2048xf32, #tpu.memory_space<vmem>>, vector<1x16xf32>,
        %get3A_471 = vector.shape_cast %get3A_470 : vector<1x16xf32> to vector<16xf32>
        %max3A_472 = arith.maximumf %max3A_465, %get3A_471 : vector<16xf32>
        %min3A_473 = arith.minimumf %min3A_466, %get3A_471 : vector<16xf32>
        %get3A_474 = arith.constant 2 : i32
        %get3A_475 = arith.index_cast %get3A_474 : i32 to index
        %get3A_476 = arith.index_cast %mul3A_366 : i32 to index
        %get3A_477 = tpu.vector_load %arg8[%get3A_475, %get3A_476] {strides = array<i32>} : memref<8x2048xf32, #tpu.memory_space<vmem>>, vector<1x16xf32>,
        %get3A_478 = vector.shape_cast %get3A_477 : vector<1x16xf32> to vector<16xf32>
        %sub3A_479 = arith.subf %max3A_472, %get3A_478 : vector<16xf32>
        %sub3A_480 = arith.subf %get3A_478, %min3A_473 : vector<16xf32>
        %max3A_481 = arith.maximumf %sub3A_479, %sub3A_480 : vector<16xf32>
        %swap3A = arith.index_cast %mul3A_366 : i32 to index
        %swap3A_482 = tpu.vector_load %arg11[%swap3A] {strides = array<i32>} : memref<2048xf32, #tpu.memory_space<vmem>>, vector<16xf32>,
        %swap3A_483 = vector.shape_cast %swap3A_482 : vector<16xf32> to vector<16xf32>
        %swap3A_484 = vector.shape_cast %max3A_481 : vector<16xf32> to vector<16xf32>
        tpu.vector_store %arg11[%swap3A], %swap3A_484 {strides = array<i32>} : memref<2048xf32, #tpu.memory_space<vmem>>, vector<16xf32>,
      }
      %scan3A_160 = arith.constant 128 : i32
      %add3A_161 = arith.addi %mul3A_2, %add3A_131 : i32
      %dma_start3A_162 = arith.constant 0 : i32
      %dma_start3A_163 = tpu.memref_slice %arg5[%add3A_161, %dma_start3A_162] : memref<1024x2048xf32, #tpu.memory_space<hbm>> -> memref<1x2048xf32, #tpu.memory_space<hbm>>
      %dma_start3A_164 = tpu.memref_squeeze %dma_start3A_163 : memref<1x2048xf32, #tpu.memory_space<hbm>> -> memref<2048xf32, #tpu.memory_space<hbm>>
      %dma_start3A_165 = arith.constant 0 : i32
      %dma_start3A_166 = tpu.memref_slice %arg5[%add3A_161, %dma_start3A_165] : memref<1024x2048xf32, #tpu.memory_space<hbm>> -> memref<1x2048xf32, #tpu.memory_space<hbm>>
      %dma_start3A_167 = tpu.memref_squeeze %dma_start3A_166 : memref<1x2048xf32, #tpu.memory_space<hbm>> -> memref<2048xf32, #tpu.memory_space<hbm>>
      tpu.enqueue_dma source(%arg11 : memref<2048xf32, #tpu.memory_space<vmem>>) target(%dma_start3A_167 : memref<2048xf32, #tpu.memory_space<hbm>>) target_semaphore(%arg17 : memref<!tpu.dma_semaphore, #tpu.memory_space<semaphore_mem>>)
      %mul3A_168 = arith.constant 8 : i32
      %mul3A_169 = arith.muli %scan3A_48, %mul3A_168 : i32
      %add3A_170 = arith.constant 3 : i32
      %add3A_171 = arith.addi %mul3A_169, %add3A_170 : i32
      %dma_wait3A_172 = arith.constant 0 : i32
      %dma_wait3A_173 = tpu.memref_slice %arg6[%add3A_171, %dma_wait3A_172] : memref<32x128xi32, #tpu.memory_space<vmem>> -> memref<1x16xi32, #tpu.memory_space<vmem>>
      %dma_wait3A_174 = tpu.memref_squeeze %dma_wait3A_173 : memref<1x16xi32, #tpu.memory_space<vmem>> -> memref<16xi32, #tpu.memory_space<vmem>>
      %dma_wait3A_175 = arith.constant 0 : i32
      %dma_wait3A_176 = arith.constant 0 : i32
      %dma_wait3A_177 = tpu.memref_slice %arg4[%dma_wait3A_175, %dma_wait3A_176] : memref<1000x2048xf32, #tpu.memory_space<hbm>> -> memref<1000x2048xf32, #tpu.memory_space<hbm>>
      tpu.wait_indirect_dma semaphore(%arg16 : memref<!tpu.dma_semaphore, #tpu.memory_space<semaphore_mem>>) src(%dma_wait3A_177 : memref<1000x2048xf32, #tpu.memory_space<hbm>>) dst(%arg10 : memref<16x2048xf32, #tpu.memory_space<vmem>>)
      %add3A_178 = arith.constant 1 : i32
      %add3A_179 = arith.addi %add3A_171, %add3A_178 : i32
      %dma_start3A_180 = arith.constant 0 : i32
      %dma_start3A_181 = tpu.memref_slice %arg6[%add3A_179, %dma_start3A_180] : memref<32x128xi32, #tpu.memory_space<vmem>> -> memref<1x16xi32, #tpu.memory_space<vmem>>
      %dma_start3A_182 = tpu.memref_squeeze %dma_start3A_181 : memref<1x16xi32, #tpu.memory_space<vmem>> -> memref<16xi32, #tpu.memory_space<vmem>>
      %dma_start3A_183 = arith.constant 0 : i32
      %dma_start3A_184 = arith.constant 0 : i32
      %dma_start3A_185 = tpu.memref_slice %arg4[%dma_start3A_183, %dma_start3A_184] : memref<1000x2048xf32, #tpu.memory_space<hbm>> -> memref<1000x2048xf32, #tpu.memory_space<hbm>>
      tpu.enqueue_indirect_dma source(%dma_start3A_185 : memref<1000x2048xf32, #tpu.memory_space<hbm>>) target(%arg9 : memref<16x2048xf32, #tpu.memory_space<vmem>>) offsets(%dma_start3A_182 : memref<16xi32, #tpu.memory_space<vmem>>) semaphore(%arg15 : memref<!tpu.dma_semaphore, #tpu.memory_space<semaphore_mem>>)
      %add3A_186 = arith.addi %mul3A_2, %add3A_171 : i32
      %sub3A_187 = arith.constant 2 : i32
      %sub3A_188 = arith.subi %add3A_186, %sub3A_187 : i32
      %dma_wait3A_189 = arith.constant 0 : i32
      %dma_wait3A_190 = tpu.memref_slice %arg5[%sub3A_188, %dma_wait3A_189] : memref<1024x2048xf32, #tpu.memory_space<hbm>> -> memref<1x2048xf32, #tpu.memory_space<hbm>>
      %dma_wait3A_191 = tpu.memref_squeeze %dma_wait3A_190 : memref<1x2048xf32, #tpu.memory_space<hbm>> -> memref<2048xf32, #tpu.memory_space<hbm>>
      %dma_wait3A_192 = arith.constant 0 : i32
      %dma_wait3A_193 = tpu.memref_slice %arg5[%sub3A_188, %dma_wait3A_192] : memref<1024x2048xf32, #tpu.memory_space<hbm>> -> memref<1x2048xf32, #tpu.memory_space<hbm>>
      %dma_wait3A_194 = tpu.memref_squeeze %dma_wait3A_193 : memref<1x2048xf32, #tpu.memory_space<hbm>> -> memref<2048xf32, #tpu.memory_space<hbm>>
      tpu.wait_dma2 semaphore(%arg18 : memref<!tpu.dma_semaphore, #tpu.memory_space<semaphore_mem>>) src(%arg12 : memref<2048xf32, #tpu.memory_space<vmem>>) dst(%dma_wait3A_194 : memref<2048xf32, #tpu.memory_space<hbm>>)
      %scan3A_195 = arith.constant 0 : i32
      %scan3A_196 = arith.constant 0 : i32
      %scan3A_197 = arith.constant 128 : i32
      %scan3A_198 = arith.addi %scan3A_196, %scan3A_197 : i32
      %scan3A_199 = arith.constant 1 : i32
      scf.for %scan3A_364 = %scan3A_196 to %scan3A_198 step %scan3A_199  : i32 {
        %mul3A_365 = arith.constant 16 : i32
        %mul3A_366 = arith.muli %scan3A_364, %mul3A_365 : i32
        %get3A = arith.constant 0 : i32
        %get3A_367 = arith.index_cast %get3A : i32 to index
        %get3A_368 = arith.index_cast %mul3A_366 : i32 to index
        %get3A_369 = tpu.vector_load %arg10[%get3A_367, %get3A_368] {strides = array<i32>} : memref<16x2048xf32, #tpu.memory_space<vmem>>, vector<1x16xf32>,
        %get3A_370 = vector.shape_cast %get3A_369 : vector<1x16xf32> to vector<16xf32>
        %get3A_371 = arith.constant 1 : i32
        %get3A_372 = arith.index_cast %get3A_371 : i32 to index
        %get3A_373 = arith.index_cast %mul3A_366 : i32 to index
        %get3A_374 = tpu.vector_load %arg10[%get3A_372, %get3A_373] {strides = array<i32>} : memref<16x2048xf32, #tpu.memory_space<vmem>>, vector<1x16xf32>,
        %get3A_375 = vector.shape_cast %get3A_374 : vector<1x16xf32> to vector<16xf32>
        %max3A = arith.maximumf %get3A_370, %get3A_375 : vector<16xf32>
        %min3A = arith.minimumf %get3A_370, %get3A_375 : vector<16xf32>
        %get3A_376 = arith.constant 2 : i32
        %get3A_377 = arith.index_cast %get3A_376 : i32 to index
        %get3A_378 = arith.index_cast %mul3A_366 : i32 to index
        %get3A_379 = tpu.vector_load %arg10[%get3A_377, %get3A_378] {strides = array<i32>} : memref<16x2048xf32, #tpu.memory_space<vmem>>, vector<1x16xf32>,
        %get3A_380 = vector.shape_cast %get3A_379 : vector<1x16xf32> to vector<16xf32>
        %max3A_381 = arith.maximumf %max3A, %get3A_380 : vector<16xf32>
        %min3A_382 = arith.minimumf %min3A, %get3A_380 : vector<16xf32>
        %get3A_383 = arith.constant 3 : i32
        %get3A_384 = arith.index_cast %get3A_383 : i32 to index
        %get3A_385 = arith.index_cast %mul3A_366 : i32 to index
        %get3A_386 = tpu.vector_load %arg10[%get3A_384, %get3A_385] {strides = array<i32>} : memref<16x2048xf32, #tpu.memory_space<vmem>>, vector<1x16xf32>,
        %get3A_387 = vector.shape_cast %get3A_386 : vector<1x16xf32> to vector<16xf32>
        %max3A_388 = arith.maximumf %max3A_381, %get3A_387 : vector<16xf32>
        %min3A_389 = arith.minimumf %min3A_382, %get3A_387 : vector<16xf32>
        %get3A_390 = arith.constant 4 : i32
        %get3A_391 = arith.index_cast %get3A_390 : i32 to index
        %get3A_392 = arith.index_cast %mul3A_366 : i32 to index
        %get3A_393 = tpu.vector_load %arg10[%get3A_391, %get3A_392] {strides = array<i32>} : memref<16x2048xf32, #tpu.memory_space<vmem>>, vector<1x16xf32>,
        %get3A_394 = vector.shape_cast %get3A_393 : vector<1x16xf32> to vector<16xf32>
        %max3A_395 = arith.maximumf %max3A_388, %get3A_394 : vector<16xf32>
        %min3A_396 = arith.minimumf %min3A_389, %get3A_394 : vector<16xf32>
        %get3A_397 = arith.constant 5 : i32
        %get3A_398 = arith.index_cast %get3A_397 : i32 to index
        %get3A_399 = arith.index_cast %mul3A_366 : i32 to index
        %get3A_400 = tpu.vector_load %arg10[%get3A_398, %get3A_399] {strides = array<i32>} : memref<16x2048xf32, #tpu.memory_space<vmem>>, vector<1x16xf32>,
        %get3A_401 = vector.shape_cast %get3A_400 : vector<1x16xf32> to vector<16xf32>
        %max3A_402 = arith.maximumf %max3A_395, %get3A_401 : vector<16xf32>
        %min3A_403 = arith.minimumf %min3A_396, %get3A_401 : vector<16xf32>
        %get3A_404 = arith.constant 6 : i32
        %get3A_405 = arith.index_cast %get3A_404 : i32 to index
        %get3A_406 = arith.index_cast %mul3A_366 : i32 to index
        %get3A_407 = tpu.vector_load %arg10[%get3A_405, %get3A_406] {strides = array<i32>} : memref<16x2048xf32, #tpu.memory_space<vmem>>, vector<1x16xf32>,
        %get3A_408 = vector.shape_cast %get3A_407 : vector<1x16xf32> to vector<16xf32>
        %max3A_409 = arith.maximumf %max3A_402, %get3A_408 : vector<16xf32>
        %min3A_410 = arith.minimumf %min3A_403, %get3A_408 : vector<16xf32>
        %get3A_411 = arith.constant 7 : i32
        %get3A_412 = arith.index_cast %get3A_411 : i32 to index
        %get3A_413 = arith.index_cast %mul3A_366 : i32 to index
        %get3A_414 = tpu.vector_load %arg10[%get3A_412, %get3A_413] {strides = array<i32>} : memref<16x2048xf32, #tpu.memory_space<vmem>>, vector<1x16xf32>,
        %get3A_415 = vector.shape_cast %get3A_414 : vector<1x16xf32> to vector<16xf32>
        %max3A_416 = arith.maximumf %max3A_409, %get3A_415 : vector<16xf32>
        %min3A_417 = arith.minimumf %min3A_410, %get3A_415 : vector<16xf32>
        %get3A_418 = arith.constant 8 : i32
        %get3A_419 = arith.index_cast %get3A_418 : i32 to index
        %get3A_420 = arith.index_cast %mul3A_366 : i32 to index
        %get3A_421 = tpu.vector_load %arg10[%get3A_419, %get3A_420] {strides = array<i32>} : memref<16x2048xf32, #tpu.memory_space<vmem>>, vector<1x16xf32>,
        %get3A_422 = vector.shape_cast %get3A_421 : vector<1x16xf32> to vector<16xf32>
        %max3A_423 = arith.maximumf %max3A_416, %get3A_422 : vector<16xf32>
        %min3A_424 = arith.minimumf %min3A_417, %get3A_422 : vector<16xf32>
        %get3A_425 = arith.constant 9 : i32
        %get3A_426 = arith.index_cast %get3A_425 : i32 to index
        %get3A_427 = arith.index_cast %mul3A_366 : i32 to index
        %get3A_428 = tpu.vector_load %arg10[%get3A_426, %get3A_427] {strides = array<i32>} : memref<16x2048xf32, #tpu.memory_space<vmem>>, vector<1x16xf32>,
        %get3A_429 = vector.shape_cast %get3A_428 : vector<1x16xf32> to vector<16xf32>
        %max3A_430 = arith.maximumf %max3A_423, %get3A_429 : vector<16xf32>
        %min3A_431 = arith.minimumf %min3A_424, %get3A_429 : vector<16xf32>
        %get3A_432 = arith.constant 10 : i32
        %get3A_433 = arith.index_cast %get3A_432 : i32 to index
        %get3A_434 = arith.index_cast %mul3A_366 : i32 to index
        %get3A_435 = tpu.vector_load %arg10[%get3A_433, %get3A_434] {strides = array<i32>} : memref<16x2048xf32, #tpu.memory_space<vmem>>, vector<1x16xf32>,
        %get3A_436 = vector.shape_cast %get3A_435 : vector<1x16xf32> to vector<16xf32>
        %max3A_437 = arith.maximumf %max3A_430, %get3A_436 : vector<16xf32>
        %min3A_438 = arith.minimumf %min3A_431, %get3A_436 : vector<16xf32>
        %get3A_439 = arith.constant 11 : i32
        %get3A_440 = arith.index_cast %get3A_439 : i32 to index
        %get3A_441 = arith.index_cast %mul3A_366 : i32 to index
        %get3A_442 = tpu.vector_load %arg10[%get3A_440, %get3A_441] {strides = array<i32>} : memref<16x2048xf32, #tpu.memory_space<vmem>>, vector<1x16xf32>,
        %get3A_443 = vector.shape_cast %get3A_442 : vector<1x16xf32> to vector<16xf32>
        %max3A_444 = arith.maximumf %max3A_437, %get3A_443 : vector<16xf32>
        %min3A_445 = arith.minimumf %min3A_438, %get3A_443 : vector<16xf32>
        %get3A_446 = arith.constant 12 : i32
        %get3A_447 = arith.index_cast %get3A_446 : i32 to index
        %get3A_448 = arith.index_cast %mul3A_366 : i32 to index
        %get3A_449 = tpu.vector_load %arg10[%get3A_447, %get3A_448] {strides = array<i32>} : memref<16x2048xf32, #tpu.memory_space<vmem>>, vector<1x16xf32>,
        %get3A_450 = vector.shape_cast %get3A_449 : vector<1x16xf32> to vector<16xf32>
        %max3A_451 = arith.maximumf %max3A_444, %get3A_450 : vector<16xf32>
        %min3A_452 = arith.minimumf %min3A_445, %get3A_450 : vector<16xf32>
        %get3A_453 = arith.constant 13 : i32
        %get3A_454 = arith.index_cast %get3A_453 : i32 to index
        %get3A_455 = arith.index_cast %mul3A_366 : i32 to index
        %get3A_456 = tpu.vector_load %arg10[%get3A_454, %get3A_455] {strides = array<i32>} : memref<16x2048xf32, #tpu.memory_space<vmem>>, vector<1x16xf32>,
        %get3A_457 = vector.shape_cast %get3A_456 : vector<1x16xf32> to vector<16xf32>
        %max3A_458 = arith.maximumf %max3A_451, %get3A_457 : vector<16xf32>
        %min3A_459 = arith.minimumf %min3A_452, %get3A_457 : vector<16xf32>
        %get3A_460 = arith.constant 14 : i32
        %get3A_461 = arith.index_cast %get3A_460 : i32 to index
        %get3A_462 = arith.index_cast %mul3A_366 : i32 to index
        %get3A_463 = tpu.vector_load %arg10[%get3A_461, %get3A_462] {strides = array<i32>} : memref<16x2048xf32, #tpu.memory_space<vmem>>, vector<1x16xf32>,
        %get3A_464 = vector.shape_cast %get3A_463 : vector<1x16xf32> to vector<16xf32>
        %max3A_465 = arith.maximumf %max3A_458, %get3A_464 : vector<16xf32>
        %min3A_466 = arith.minimumf %min3A_459, %get3A_464 : vector<16xf32>
        %get3A_467 = arith.constant 15 : i32
        %get3A_468 = arith.index_cast %get3A_467 : i32 to index
        %get3A_469 = arith.index_cast %mul3A_366 : i32 to index
        %get3A_470 = tpu.vector_load %arg10[%get3A_468, %get3A_469] {strides = array<i32>} : memref<16x2048xf32, #tpu.memory_space<vmem>>, vector<1x16xf32>,
        %get3A_471 = vector.shape_cast %get3A_470 : vector<1x16xf32> to vector<16xf32>
        %max3A_472 = arith.maximumf %max3A_465, %get3A_471 : vector<16xf32>
        %min3A_473 = arith.minimumf %min3A_466, %get3A_471 : vector<16xf32>
        %get3A_474 = arith.constant 3 : i32
        %get3A_475 = arith.index_cast %get3A_474 : i32 to index
        %get3A_476 = arith.index_cast %mul3A_366 : i32 to index
        %get3A_477 = tpu.vector_load %arg8[%get3A_475, %get3A_476] {strides = array<i32>} : memref<8x2048xf32, #tpu.memory_space<vmem>>, vector<1x16xf32>,
        %get3A_478 = vector.shape_cast %get3A_477 : vector<1x16xf32> to vector<16xf32>
        %sub3A_479 = arith.subf %max3A_472, %get3A_478 : vector<16xf32>
        %sub3A_480 = arith.subf %get3A_478, %min3A_473 : vector<16xf32>
        %max3A_481 = arith.maximumf %sub3A_479, %sub3A_480 : vector<16xf32>
        %swap3A = arith.index_cast %mul3A_366 : i32 to index
        %swap3A_482 = tpu.vector_load %arg12[%swap3A] {strides = array<i32>} : memref<2048xf32, #tpu.memory_space<vmem>>, vector<16xf32>,
        %swap3A_483 = vector.shape_cast %swap3A_482 : vector<16xf32> to vector<16xf32>
        %swap3A_484 = vector.shape_cast %max3A_481 : vector<16xf32> to vector<16xf32>
        tpu.vector_store %arg12[%swap3A], %swap3A_484 {strides = array<i32>} : memref<2048xf32, #tpu.memory_space<vmem>>, vector<16xf32>,
      }
      %scan3A_200 = arith.constant 128 : i32
      %add3A_201 = arith.addi %mul3A_2, %add3A_171 : i32
      %dma_start3A_202 = arith.constant 0 : i32
      %dma_start3A_203 = tpu.memref_slice %arg5[%add3A_201, %dma_start3A_202] : memref<1024x2048xf32, #tpu.memory_space<hbm>> -> memref<1x2048xf32, #tpu.memory_space<hbm>>
      %dma_start3A_204 = tpu.memref_squeeze %dma_start3A_203 : memref<1x2048xf32, #tpu.memory_space<hbm>> -> memref<2048xf32, #tpu.memory_space<hbm>>
      %dma_start3A_205 = arith.constant 0 : i32
      %dma_start3A_206 = tpu.memref_slice %arg5[%add3A_201, %dma_start3A_205] : memref<1024x2048xf32, #tpu.memory_space<hbm>> -> memref<1x2048xf32, #tpu.memory_space<hbm>>
      %dma_start3A_207 = tpu.memref_squeeze %dma_start3A_206 : memref<1x2048xf32, #tpu.memory_space<hbm>> -> memref<2048xf32, #tpu.memory_space<hbm>>
      tpu.enqueue_dma source(%arg12 : memref<2048xf32, #tpu.memory_space<vmem>>) target(%dma_start3A_207 : memref<2048xf32, #tpu.memory_space<hbm>>) target_semaphore(%arg18 : memref<!tpu.dma_semaphore, #tpu.memory_space<semaphore_mem>>)
      %mul3A_208 = arith.constant 8 : i32
      %mul3A_209 = arith.muli %scan3A_48, %mul3A_208 : i32
      %add3A_210 = arith.constant 4 : i32
      %add3A_211 = arith.addi %mul3A_209, %add3A_210 : i32
      %dma_wait3A_212 = arith.constant 0 : i32
      %dma_wait3A_213 = tpu.memref_slice %arg6[%add3A_211, %dma_wait3A_212] : memref<32x128xi32, #tpu.memory_space<vmem>> -> memref<1x16xi32, #tpu.memory_space<vmem>>
      %dma_wait3A_214 = tpu.memref_squeeze %dma_wait3A_213 : memref<1x16xi32, #tpu.memory_space<vmem>> -> memref<16xi32, #tpu.memory_space<vmem>>
      %dma_wait3A_215 = arith.constant 0 : i32
      %dma_wait3A_216 = arith.constant 0 : i32
      %dma_wait3A_217 = tpu.memref_slice %arg4[%dma_wait3A_215, %dma_wait3A_216] : memref<1000x2048xf32, #tpu.memory_space<hbm>> -> memref<1000x2048xf32, #tpu.memory_space<hbm>>
      tpu.wait_indirect_dma semaphore(%arg15 : memref<!tpu.dma_semaphore, #tpu.memory_space<semaphore_mem>>) src(%dma_wait3A_217 : memref<1000x2048xf32, #tpu.memory_space<hbm>>) dst(%arg9 : memref<16x2048xf32, #tpu.memory_space<vmem>>)
      %add3A_218 = arith.constant 1 : i32
      %add3A_219 = arith.addi %add3A_211, %add3A_218 : i32
      %dma_start3A_220 = arith.constant 0 : i32
      %dma_start3A_221 = tpu.memref_slice %arg6[%add3A_219, %dma_start3A_220] : memref<32x128xi32, #tpu.memory_space<vmem>> -> memref<1x16xi32, #tpu.memory_space<vmem>>
      %dma_start3A_222 = tpu.memref_squeeze %dma_start3A_221 : memref<1x16xi32, #tpu.memory_space<vmem>> -> memref<16xi32, #tpu.memory_space<vmem>>
      %dma_start3A_223 = arith.constant 0 : i32
      %dma_start3A_224 = arith.constant 0 : i32
      %dma_start3A_225 = tpu.memref_slice %arg4[%dma_start3A_223, %dma_start3A_224] : memref<1000x2048xf32, #tpu.memory_space<hbm>> -> memref<1000x2048xf32, #tpu.memory_space<hbm>>
      tpu.enqueue_indirect_dma source(%dma_start3A_225 : memref<1000x2048xf32, #tpu.memory_space<hbm>>) target(%arg10 : memref<16x2048xf32, #tpu.memory_space<vmem>>) offsets(%dma_start3A_222 : memref<16xi32, #tpu.memory_space<vmem>>) semaphore(%arg16 : memref<!tpu.dma_semaphore, #tpu.memory_space<semaphore_mem>>)
      %add3A_226 = arith.addi %mul3A_2, %add3A_211 : i32
      %sub3A_227 = arith.constant 2 : i32
      %sub3A_228 = arith.subi %add3A_226, %sub3A_227 : i32
      %dma_wait3A_229 = arith.constant 0 : i32
      %dma_wait3A_230 = tpu.memref_slice %arg5[%sub3A_228, %dma_wait3A_229] : memref<1024x2048xf32, #tpu.memory_space<hbm>> -> memref<1x2048xf32, #tpu.memory_space<hbm>>
      %dma_wait3A_231 = tpu.memref_squeeze %dma_wait3A_230 : memref<1x2048xf32, #tpu.memory_space<hbm>> -> memref<2048xf32, #tpu.memory_space<hbm>>
      %dma_wait3A_232 = arith.constant 0 : i32
      %dma_wait3A_233 = tpu.memref_slice %arg5[%sub3A_228, %dma_wait3A_232] : memref<1024x2048xf32, #tpu.memory_space<hbm>> -> memref<1x2048xf32, #tpu.memory_space<hbm>>
      %dma_wait3A_234 = tpu.memref_squeeze %dma_wait3A_233 : memref<1x2048xf32, #tpu.memory_space<hbm>> -> memref<2048xf32, #tpu.memory_space<hbm>>
      tpu.wait_dma2 semaphore(%arg17 : memref<!tpu.dma_semaphore, #tpu.memory_space<semaphore_mem>>) src(%arg11 : memref<2048xf32, #tpu.memory_space<vmem>>) dst(%dma_wait3A_234 : memref<2048xf32, #tpu.memory_space<hbm>>)
      %scan3A_235 = arith.constant 0 : i32
      %scan3A_236 = arith.constant 0 : i32
      %scan3A_237 = arith.constant 128 : i32
      %scan3A_238 = arith.addi %scan3A_236, %scan3A_237 : i32
      %scan3A_239 = arith.constant 1 : i32
      scf.for %scan3A_364 = %scan3A_236 to %scan3A_238 step %scan3A_239  : i32 {
        %mul3A_365 = arith.constant 16 : i32
        %mul3A_366 = arith.muli %scan3A_364, %mul3A_365 : i32
        %get3A = arith.constant 0 : i32
        %get3A_367 = arith.index_cast %get3A : i32 to index
        %get3A_368 = arith.index_cast %mul3A_366 : i32 to index
        %get3A_369 = tpu.vector_load %arg9[%get3A_367, %get3A_368] {strides = array<i32>} : memref<16x2048xf32, #tpu.memory_space<vmem>>, vector<1x16xf32>,
        %get3A_370 = vector.shape_cast %get3A_369 : vector<1x16xf32> to vector<16xf32>
        %get3A_371 = arith.constant 1 : i32
        %get3A_372 = arith.index_cast %get3A_371 : i32 to index
        %get3A_373 = arith.index_cast %mul3A_366 : i32 to index
        %get3A_374 = tpu.vector_load %arg9[%get3A_372, %get3A_373] {strides = array<i32>} : memref<16x2048xf32, #tpu.memory_space<vmem>>, vector<1x16xf32>,
        %get3A_375 = vector.shape_cast %get3A_374 : vector<1x16xf32> to vector<16xf32>
        %max3A = arith.maximumf %get3A_370, %get3A_375 : vector<16xf32>
        %min3A = arith.minimumf %get3A_370, %get3A_375 : vector<16xf32>
        %get3A_376 = arith.constant 2 : i32
        %get3A_377 = arith.index_cast %get3A_376 : i32 to index
        %get3A_378 = arith.index_cast %mul3A_366 : i32 to index
        %get3A_379 = tpu.vector_load %arg9[%get3A_377, %get3A_378] {strides = array<i32>} : memref<16x2048xf32, #tpu.memory_space<vmem>>, vector<1x16xf32>,
        %get3A_380 = vector.shape_cast %get3A_379 : vector<1x16xf32> to vector<16xf32>
        %max3A_381 = arith.maximumf %max3A, %get3A_380 : vector<16xf32>
        %min3A_382 = arith.minimumf %min3A, %get3A_380 : vector<16xf32>
        %get3A_383 = arith.constant 3 : i32
        %get3A_384 = arith.index_cast %get3A_383 : i32 to index
        %get3A_385 = arith.index_cast %mul3A_366 : i32 to index
        %get3A_386 = tpu.vector_load %arg9[%get3A_384, %get3A_385] {strides = array<i32>} : memref<16x2048xf32, #tpu.memory_space<vmem>>, vector<1x16xf32>,
        %get3A_387 = vector.shape_cast %get3A_386 : vector<1x16xf32> to vector<16xf32>
        %max3A_388 = arith.maximumf %max3A_381, %get3A_387 : vector<16xf32>
        %min3A_389 = arith.minimumf %min3A_382, %get3A_387 : vector<16xf32>
        %get3A_390 = arith.constant 4 : i32
        %get3A_391 = arith.index_cast %get3A_390 : i32 to index
        %get3A_392 = arith.index_cast %mul3A_366 : i32 to index
        %get3A_393 = tpu.vector_load %arg9[%get3A_391, %get3A_392] {strides = array<i32>} : memref<16x2048xf32, #tpu.memory_space<vmem>>, vector<1x16xf32>,
        %get3A_394 = vector.shape_cast %get3A_393 : vector<1x16xf32> to vector<16xf32>
        %max3A_395 = arith.maximumf %max3A_388, %get3A_394 : vector<16xf32>
        %min3A_396 = arith.minimumf %min3A_389, %get3A_394 : vector<16xf32>
        %get3A_397 = arith.constant 5 : i32
        %get3A_398 = arith.index_cast %get3A_397 : i32 to index
        %get3A_399 = arith.index_cast %mul3A_366 : i32 to index
        %get3A_400 = tpu.vector_load %arg9[%get3A_398, %get3A_399] {strides = array<i32>} : memref<16x2048xf32, #tpu.memory_space<vmem>>, vector<1x16xf32>,
        %get3A_401 = vector.shape_cast %get3A_400 : vector<1x16xf32> to vector<16xf32>
        %max3A_402 = arith.maximumf %max3A_395, %get3A_401 : vector<16xf32>
        %min3A_403 = arith.minimumf %min3A_396, %get3A_401 : vector<16xf32>
        %get3A_404 = arith.constant 6 : i32
        %get3A_405 = arith.index_cast %get3A_404 : i32 to index
        %get3A_406 = arith.index_cast %mul3A_366 : i32 to index
        %get3A_407 = tpu.vector_load %arg9[%get3A_405, %get3A_406] {strides = array<i32>} : memref<16x2048xf32, #tpu.memory_space<vmem>>, vector<1x16xf32>,
        %get3A_408 = vector.shape_cast %get3A_407 : vector<1x16xf32> to vector<16xf32>
        %max3A_409 = arith.maximumf %max3A_402, %get3A_408 : vector<16xf32>
        %min3A_410 = arith.minimumf %min3A_403, %get3A_408 : vector<16xf32>
        %get3A_411 = arith.constant 7 : i32
        %get3A_412 = arith.index_cast %get3A_411 : i32 to index
        %get3A_413 = arith.index_cast %mul3A_366 : i32 to index
        %get3A_414 = tpu.vector_load %arg9[%get3A_412, %get3A_413] {strides = array<i32>} : memref<16x2048xf32, #tpu.memory_space<vmem>>, vector<1x16xf32>,
        %get3A_415 = vector.shape_cast %get3A_414 : vector<1x16xf32> to vector<16xf32>
        %max3A_416 = arith.maximumf %max3A_409, %get3A_415 : vector<16xf32>
        %min3A_417 = arith.minimumf %min3A_410, %get3A_415 : vector<16xf32>
        %get3A_418 = arith.constant 8 : i32
        %get3A_419 = arith.index_cast %get3A_418 : i32 to index
        %get3A_420 = arith.index_cast %mul3A_366 : i32 to index
        %get3A_421 = tpu.vector_load %arg9[%get3A_419, %get3A_420] {strides = array<i32>} : memref<16x2048xf32, #tpu.memory_space<vmem>>, vector<1x16xf32>,
        %get3A_422 = vector.shape_cast %get3A_421 : vector<1x16xf32> to vector<16xf32>
        %max3A_423 = arith.maximumf %max3A_416, %get3A_422 : vector<16xf32>
        %min3A_424 = arith.minimumf %min3A_417, %get3A_422 : vector<16xf32>
        %get3A_425 = arith.constant 9 : i32
        %get3A_426 = arith.index_cast %get3A_425 : i32 to index
        %get3A_427 = arith.index_cast %mul3A_366 : i32 to index
        %get3A_428 = tpu.vector_load %arg9[%get3A_426, %get3A_427] {strides = array<i32>} : memref<16x2048xf32, #tpu.memory_space<vmem>>, vector<1x16xf32>,
        %get3A_429 = vector.shape_cast %get3A_428 : vector<1x16xf32> to vector<16xf32>
        %max3A_430 = arith.maximumf %max3A_423, %get3A_429 : vector<16xf32>
        %min3A_431 = arith.minimumf %min3A_424, %get3A_429 : vector<16xf32>
        %get3A_432 = arith.constant 10 : i32
        %get3A_433 = arith.index_cast %get3A_432 : i32 to index
        %get3A_434 = arith.index_cast %mul3A_366 : i32 to index
        %get3A_435 = tpu.vector_load %arg9[%get3A_433, %get3A_434] {strides = array<i32>} : memref<16x2048xf32, #tpu.memory_space<vmem>>, vector<1x16xf32>,
        %get3A_436 = vector.shape_cast %get3A_435 : vector<1x16xf32> to vector<16xf32>
        %max3A_437 = arith.maximumf %max3A_430, %get3A_436 : vector<16xf32>
        %min3A_438 = arith.minimumf %min3A_431, %get3A_436 : vector<16xf32>
        %get3A_439 = arith.constant 11 : i32
        %get3A_440 = arith.index_cast %get3A_439 : i32 to index
        %get3A_441 = arith.index_cast %mul3A_366 : i32 to index
        %get3A_442 = tpu.vector_load %arg9[%get3A_440, %get3A_441] {strides = array<i32>} : memref<16x2048xf32, #tpu.memory_space<vmem>>, vector<1x16xf32>,
        %get3A_443 = vector.shape_cast %get3A_442 : vector<1x16xf32> to vector<16xf32>
        %max3A_444 = arith.maximumf %max3A_437, %get3A_443 : vector<16xf32>
        %min3A_445 = arith.minimumf %min3A_438, %get3A_443 : vector<16xf32>
        %get3A_446 = arith.constant 12 : i32
        %get3A_447 = arith.index_cast %get3A_446 : i32 to index
        %get3A_448 = arith.index_cast %mul3A_366 : i32 to index
        %get3A_449 = tpu.vector_load %arg9[%get3A_447, %get3A_448] {strides = array<i32>} : memref<16x2048xf32, #tpu.memory_space<vmem>>, vector<1x16xf32>,
        %get3A_450 = vector.shape_cast %get3A_449 : vector<1x16xf32> to vector<16xf32>
        %max3A_451 = arith.maximumf %max3A_444, %get3A_450 : vector<16xf32>
        %min3A_452 = arith.minimumf %min3A_445, %get3A_450 : vector<16xf32>
        %get3A_453 = arith.constant 13 : i32
        %get3A_454 = arith.index_cast %get3A_453 : i32 to index
        %get3A_455 = arith.index_cast %mul3A_366 : i32 to index
        %get3A_456 = tpu.vector_load %arg9[%get3A_454, %get3A_455] {strides = array<i32>} : memref<16x2048xf32, #tpu.memory_space<vmem>>, vector<1x16xf32>,
        %get3A_457 = vector.shape_cast %get3A_456 : vector<1x16xf32> to vector<16xf32>
        %max3A_458 = arith.maximumf %max3A_451, %get3A_457 : vector<16xf32>
        %min3A_459 = arith.minimumf %min3A_452, %get3A_457 : vector<16xf32>
        %get3A_460 = arith.constant 14 : i32
        %get3A_461 = arith.index_cast %get3A_460 : i32 to index
        %get3A_462 = arith.index_cast %mul3A_366 : i32 to index
        %get3A_463 = tpu.vector_load %arg9[%get3A_461, %get3A_462] {strides = array<i32>} : memref<16x2048xf32, #tpu.memory_space<vmem>>, vector<1x16xf32>,
        %get3A_464 = vector.shape_cast %get3A_463 : vector<1x16xf32> to vector<16xf32>
        %max3A_465 = arith.maximumf %max3A_458, %get3A_464 : vector<16xf32>
        %min3A_466 = arith.minimumf %min3A_459, %get3A_464 : vector<16xf32>
        %get3A_467 = arith.constant 15 : i32
        %get3A_468 = arith.index_cast %get3A_467 : i32 to index
        %get3A_469 = arith.index_cast %mul3A_366 : i32 to index
        %get3A_470 = tpu.vector_load %arg9[%get3A_468, %get3A_469] {strides = array<i32>} : memref<16x2048xf32, #tpu.memory_space<vmem>>, vector<1x16xf32>,
        %get3A_471 = vector.shape_cast %get3A_470 : vector<1x16xf32> to vector<16xf32>
        %max3A_472 = arith.maximumf %max3A_465, %get3A_471 : vector<16xf32>
        %min3A_473 = arith.minimumf %min3A_466, %get3A_471 : vector<16xf32>
        %get3A_474 = arith.constant 4 : i32
        %get3A_475 = arith.index_cast %get3A_474 : i32 to index
        %get3A_476 = arith.index_cast %mul3A_366 : i32 to index
        %get3A_477 = tpu.vector_load %arg8[%get3A_475, %get3A_476] {strides = array<i32>} : memref<8x2048xf32, #tpu.memory_space<vmem>>, vector<1x16xf32>,
        %get3A_478 = vector.shape_cast %get3A_477 : vector<1x16xf32> to vector<16xf32>
        %sub3A_479 = arith.subf %max3A_472, %get3A_478 : vector<16xf32>
        %sub3A_480 = arith.subf %get3A_478, %min3A_473 : vector<16xf32>
        %max3A_481 = arith.maximumf %sub3A_479, %sub3A_480 : vector<16xf32>
        %swap3A = arith.index_cast %mul3A_366 : i32 to index
        %swap3A_482 = tpu.vector_load %arg11[%swap3A] {strides = array<i32>} : memref<2048xf32, #tpu.memory_space<vmem>>, vector<16xf32>,
        %swap3A_483 = vector.shape_cast %swap3A_482 : vector<16xf32> to vector<16xf32>
        %swap3A_484 = vector.shape_cast %max3A_481 : vector<16xf32> to vector<16xf32>
        tpu.vector_store %arg11[%swap3A], %swap3A_484 {strides = array<i32>} : memref<2048xf32, #tpu.memory_space<vmem>>, vector<16xf32>,
      }
      %scan3A_240 = arith.constant 128 : i32
      %add3A_241 = arith.addi %mul3A_2, %add3A_211 : i32
      %dma_start3A_242 = arith.constant 0 : i32
      %dma_start3A_243 = tpu.memref_slice %arg5[%add3A_241, %dma_start3A_242] : memref<1024x2048xf32, #tpu.memory_space<hbm>> -> memref<1x2048xf32, #tpu.memory_space<hbm>>
      %dma_start3A_244 = tpu.memref_squeeze %dma_start3A_243 : memref<1x2048xf32, #tpu.memory_space<hbm>> -> memref<2048xf32, #tpu.memory_space<hbm>>
      %dma_start3A_245 = arith.constant 0 : i32
      %dma_start3A_246 = tpu.memref_slice %arg5[%add3A_241, %dma_start3A_245] : memref<1024x2048xf32, #tpu.memory_space<hbm>> -> memref<1x2048xf32, #tpu.memory_space<hbm>>
      %dma_start3A_247 = tpu.memref_squeeze %dma_start3A_246 : memref<1x2048xf32, #tpu.memory_space<hbm>> -> memref<2048xf32, #tpu.memory_space<hbm>>
      tpu.enqueue_dma source(%arg11 : memref<2048xf32, #tpu.memory_space<vmem>>) target(%dma_start3A_247 : memref<2048xf32, #tpu.memory_space<hbm>>) target_semaphore(%arg17 : memref<!tpu.dma_semaphore, #tpu.memory_space<semaphore_mem>>)
      %mul3A_248 = arith.constant 8 : i32
      %mul3A_249 = arith.muli %scan3A_48, %mul3A_248 : i32
      %add3A_250 = arith.constant 5 : i32
      %add3A_251 = arith.addi %mul3A_249, %add3A_250 : i32
      %dma_wait3A_252 = arith.constant 0 : i32
      %dma_wait3A_253 = tpu.memref_slice %arg6[%add3A_251, %dma_wait3A_252] : memref<32x128xi32, #tpu.memory_space<vmem>> -> memref<1x16xi32, #tpu.memory_space<vmem>>
      %dma_wait3A_254 = tpu.memref_squeeze %dma_wait3A_253 : memref<1x16xi32, #tpu.memory_space<vmem>> -> memref<16xi32, #tpu.memory_space<vmem>>
      %dma_wait3A_255 = arith.constant 0 : i32
      %dma_wait3A_256 = arith.constant 0 : i32
      %dma_wait3A_257 = tpu.memref_slice %arg4[%dma_wait3A_255, %dma_wait3A_256] : memref<1000x2048xf32, #tpu.memory_space<hbm>> -> memref<1000x2048xf32, #tpu.memory_space<hbm>>
      tpu.wait_indirect_dma semaphore(%arg16 : memref<!tpu.dma_semaphore, #tpu.memory_space<semaphore_mem>>) src(%dma_wait3A_257 : memref<1000x2048xf32, #tpu.memory_space<hbm>>) dst(%arg10 : memref<16x2048xf32, #tpu.memory_space<vmem>>)
      %add3A_258 = arith.constant 1 : i32
      %add3A_259 = arith.addi %add3A_251, %add3A_258 : i32
      %dma_start3A_260 = arith.constant 0 : i32
      %dma_start3A_261 = tpu.memref_slice %arg6[%add3A_259, %dma_start3A_260] : memref<32x128xi32, #tpu.memory_space<vmem>> -> memref<1x16xi32, #tpu.memory_space<vmem>>
      %dma_start3A_262 = tpu.memref_squeeze %dma_start3A_261 : memref<1x16xi32, #tpu.memory_space<vmem>> -> memref<16xi32, #tpu.memory_space<vmem>>
      %dma_start3A_263 = arith.constant 0 : i32
      %dma_start3A_264 = arith.constant 0 : i32
      %dma_start3A_265 = tpu.memref_slice %arg4[%dma_start3A_263, %dma_start3A_264] : memref<1000x2048xf32, #tpu.memory_space<hbm>> -> memref<1000x2048xf32, #tpu.memory_space<hbm>>
      tpu.enqueue_indirect_dma source(%dma_start3A_265 : memref<1000x2048xf32, #tpu.memory_space<hbm>>) target(%arg9 : memref<16x2048xf32, #tpu.memory_space<vmem>>) offsets(%dma_start3A_262 : memref<16xi32, #tpu.memory_space<vmem>>) semaphore(%arg15 : memref<!tpu.dma_semaphore, #tpu.memory_space<semaphore_mem>>)
      %add3A_266 = arith.addi %mul3A_2, %add3A_251 : i32
      %sub3A_267 = arith.constant 2 : i32
      %sub3A_268 = arith.subi %add3A_266, %sub3A_267 : i32
      %dma_wait3A_269 = arith.constant 0 : i32
      %dma_wait3A_270 = tpu.memref_slice %arg5[%sub3A_268, %dma_wait3A_269] : memref<1024x2048xf32, #tpu.memory_space<hbm>> -> memref<1x2048xf32, #tpu.memory_space<hbm>>
      %dma_wait3A_271 = tpu.memref_squeeze %dma_wait3A_270 : memref<1x2048xf32, #tpu.memory_space<hbm>> -> memref<2048xf32, #tpu.memory_space<hbm>>
      %dma_wait3A_272 = arith.constant 0 : i32
      %dma_wait3A_273 = tpu.memref_slice %arg5[%sub3A_268, %dma_wait3A_272] : memref<1024x2048xf32, #tpu.memory_space<hbm>> -> memref<1x2048xf32, #tpu.memory_space<hbm>>
      %dma_wait3A_274 = tpu.memref_squeeze %dma_wait3A_273 : memref<1x2048xf32, #tpu.memory_space<hbm>> -> memref<2048xf32, #tpu.memory_space<hbm>>
      tpu.wait_dma2 semaphore(%arg18 : memref<!tpu.dma_semaphore, #tpu.memory_space<semaphore_mem>>) src(%arg12 : memref<2048xf32, #tpu.memory_space<vmem>>) dst(%dma_wait3A_274 : memref<2048xf32, #tpu.memory_space<hbm>>)
      %scan3A_275 = arith.constant 0 : i32
      %scan3A_276 = arith.constant 0 : i32
      %scan3A_277 = arith.constant 128 : i32
      %scan3A_278 = arith.addi %scan3A_276, %scan3A_277 : i32
      %scan3A_279 = arith.constant 1 : i32
      scf.for %scan3A_364 = %scan3A_276 to %scan3A_278 step %scan3A_279  : i32 {
        %mul3A_365 = arith.constant 16 : i32
        %mul3A_366 = arith.muli %scan3A_364, %mul3A_365 : i32
        %get3A = arith.constant 0 : i32
        %get3A_367 = arith.index_cast %get3A : i32 to index
        %get3A_368 = arith.index_cast %mul3A_366 : i32 to index
        %get3A_369 = tpu.vector_load %arg10[%get3A_367, %get3A_368] {strides = array<i32>} : memref<16x2048xf32, #tpu.memory_space<vmem>>, vector<1x16xf32>,
        %get3A_370 = vector.shape_cast %get3A_369 : vector<1x16xf32> to vector<16xf32>
        %get3A_371 = arith.constant 1 : i32
        %get3A_372 = arith.index_cast %get3A_371 : i32 to index
        %get3A_373 = arith.index_cast %mul3A_366 : i32 to index
        %get3A_374 = tpu.vector_load %arg10[%get3A_372, %get3A_373] {strides = array<i32>} : memref<16x2048xf32, #tpu.memory_space<vmem>>, vector<1x16xf32>,
        %get3A_375 = vector.shape_cast %get3A_374 : vector<1x16xf32> to vector<16xf32>
        %max3A = arith.maximumf %get3A_370, %get3A_375 : vector<16xf32>
        %min3A = arith.minimumf %get3A_370, %get3A_375 : vector<16xf32>
        %get3A_376 = arith.constant 2 : i32
        %get3A_377 = arith.index_cast %get3A_376 : i32 to index
        %get3A_378 = arith.index_cast %mul3A_366 : i32 to index
        %get3A_379 = tpu.vector_load %arg10[%get3A_377, %get3A_378] {strides = array<i32>} : memref<16x2048xf32, #tpu.memory_space<vmem>>, vector<1x16xf32>,
        %get3A_380 = vector.shape_cast %get3A_379 : vector<1x16xf32> to vector<16xf32>
        %max3A_381 = arith.maximumf %max3A, %get3A_380 : vector<16xf32>
        %min3A_382 = arith.minimumf %min3A, %get3A_380 : vector<16xf32>
        %get3A_383 = arith.constant 3 : i32
        %get3A_384 = arith.index_cast %get3A_383 : i32 to index
        %get3A_385 = arith.index_cast %mul3A_366 : i32 to index
        %get3A_386 = tpu.vector_load %arg10[%get3A_384, %get3A_385] {strides = array<i32>} : memref<16x2048xf32, #tpu.memory_space<vmem>>, vector<1x16xf32>,
        %get3A_387 = vector.shape_cast %get3A_386 : vector<1x16xf32> to vector<16xf32>
        %max3A_388 = arith.maximumf %max3A_381, %get3A_387 : vector<16xf32>
        %min3A_389 = arith.minimumf %min3A_382, %get3A_387 : vector<16xf32>
        %get3A_390 = arith.constant 4 : i32
        %get3A_391 = arith.index_cast %get3A_390 : i32 to index
        %get3A_392 = arith.index_cast %mul3A_366 : i32 to index
        %get3A_393 = tpu.vector_load %arg10[%get3A_391, %get3A_392] {strides = array<i32>} : memref<16x2048xf32, #tpu.memory_space<vmem>>, vector<1x16xf32>,
        %get3A_394 = vector.shape_cast %get3A_393 : vector<1x16xf32> to vector<16xf32>
        %max3A_395 = arith.maximumf %max3A_388, %get3A_394 : vector<16xf32>
        %min3A_396 = arith.minimumf %min3A_389, %get3A_394 : vector<16xf32>
        %get3A_397 = arith.constant 5 : i32
        %get3A_398 = arith.index_cast %get3A_397 : i32 to index
        %get3A_399 = arith.index_cast %mul3A_366 : i32 to index
        %get3A_400 = tpu.vector_load %arg10[%get3A_398, %get3A_399] {strides = array<i32>} : memref<16x2048xf32, #tpu.memory_space<vmem>>, vector<1x16xf32>,
        %get3A_401 = vector.shape_cast %get3A_400 : vector<1x16xf32> to vector<16xf32>
        %max3A_402 = arith.maximumf %max3A_395, %get3A_401 : vector<16xf32>
        %min3A_403 = arith.minimumf %min3A_396, %get3A_401 : vector<16xf32>
        %get3A_404 = arith.constant 6 : i32
        %get3A_405 = arith.index_cast %get3A_404 : i32 to index
        %get3A_406 = arith.index_cast %mul3A_366 : i32 to index
        %get3A_407 = tpu.vector_load %arg10[%get3A_405, %get3A_406] {strides = array<i32>} : memref<16x2048xf32, #tpu.memory_space<vmem>>, vector<1x16xf32>,
        %get3A_408 = vector.shape_cast %get3A_407 : vector<1x16xf32> to vector<16xf32>
        %max3A_409 = arith.maximumf %max3A_402, %get3A_408 : vector<16xf32>
        %min3A_410 = arith.minimumf %min3A_403, %get3A_408 : vector<16xf32>
        %get3A_411 = arith.constant 7 : i32
        %get3A_412 = arith.index_cast %get3A_411 : i32 to index
        %get3A_413 = arith.index_cast %mul3A_366 : i32 to index
        %get3A_414 = tpu.vector_load %arg10[%get3A_412, %get3A_413] {strides = array<i32>} : memref<16x2048xf32, #tpu.memory_space<vmem>>, vector<1x16xf32>,
        %get3A_415 = vector.shape_cast %get3A_414 : vector<1x16xf32> to vector<16xf32>
        %max3A_416 = arith.maximumf %max3A_409, %get3A_415 : vector<16xf32>
        %min3A_417 = arith.minimumf %min3A_410, %get3A_415 : vector<16xf32>
        %get3A_418 = arith.constant 8 : i32
        %get3A_419 = arith.index_cast %get3A_418 : i32 to index
        %get3A_420 = arith.index_cast %mul3A_366 : i32 to index
        %get3A_421 = tpu.vector_load %arg10[%get3A_419, %get3A_420] {strides = array<i32>} : memref<16x2048xf32, #tpu.memory_space<vmem>>, vector<1x16xf32>,
        %get3A_422 = vector.shape_cast %get3A_421 : vector<1x16xf32> to vector<16xf32>
        %max3A_423 = arith.maximumf %max3A_416, %get3A_422 : vector<16xf32>
        %min3A_424 = arith.minimumf %min3A_417, %get3A_422 : vector<16xf32>
        %get3A_425 = arith.constant 9 : i32
        %get3A_426 = arith.index_cast %get3A_425 : i32 to index
        %get3A_427 = arith.index_cast %mul3A_366 : i32 to index
        %get3A_428 = tpu.vector_load %arg10[%get3A_426, %get3A_427] {strides = array<i32>} : memref<16x2048xf32, #tpu.memory_space<vmem>>, vector<1x16xf32>,
        %get3A_429 = vector.shape_cast %get3A_428 : vector<1x16xf32> to vector<16xf32>
        %max3A_430 = arith.maximumf %max3A_423, %get3A_429 : vector<16xf32>
        %min3A_431 = arith.minimumf %min3A_424, %get3A_429 : vector<16xf32>
        %get3A_432 = arith.constant 10 : i32
        %get3A_433 = arith.index_cast %get3A_432 : i32 to index
        %get3A_434 = arith.index_cast %mul3A_366 : i32 to index
        %get3A_435 = tpu.vector_load %arg10[%get3A_433, %get3A_434] {strides = array<i32>} : memref<16x2048xf32, #tpu.memory_space<vmem>>, vector<1x16xf32>,
        %get3A_436 = vector.shape_cast %get3A_435 : vector<1x16xf32> to vector<16xf32>
        %max3A_437 = arith.maximumf %max3A_430, %get3A_436 : vector<16xf32>
        %min3A_438 = arith.minimumf %min3A_431, %get3A_436 : vector<16xf32>
        %get3A_439 = arith.constant 11 : i32
        %get3A_440 = arith.index_cast %get3A_439 : i32 to index
        %get3A_441 = arith.index_cast %mul3A_366 : i32 to index
        %get3A_442 = tpu.vector_load %arg10[%get3A_440, %get3A_441] {strides = array<i32>} : memref<16x2048xf32, #tpu.memory_space<vmem>>, vector<1x16xf32>,
        %get3A_443 = vector.shape_cast %get3A_442 : vector<1x16xf32> to vector<16xf32>
        %max3A_444 = arith.maximumf %max3A_437, %get3A_443 : vector<16xf32>
        %min3A_445 = arith.minimumf %min3A_438, %get3A_443 : vector<16xf32>
        %get3A_446 = arith.constant 12 : i32
        %get3A_447 = arith.index_cast %get3A_446 : i32 to index
        %get3A_448 = arith.index_cast %mul3A_366 : i32 to index
        %get3A_449 = tpu.vector_load %arg10[%get3A_447, %get3A_448] {strides = array<i32>} : memref<16x2048xf32, #tpu.memory_space<vmem>>, vector<1x16xf32>,
        %get3A_450 = vector.shape_cast %get3A_449 : vector<1x16xf32> to vector<16xf32>
        %max3A_451 = arith.maximumf %max3A_444, %get3A_450 : vector<16xf32>
        %min3A_452 = arith.minimumf %min3A_445, %get3A_450 : vector<16xf32>
        %get3A_453 = arith.constant 13 : i32
        %get3A_454 = arith.index_cast %get3A_453 : i32 to index
        %get3A_455 = arith.index_cast %mul3A_366 : i32 to index
        %get3A_456 = tpu.vector_load %arg10[%get3A_454, %get3A_455] {strides = array<i32>} : memref<16x2048xf32, #tpu.memory_space<vmem>>, vector<1x16xf32>,
        %get3A_457 = vector.shape_cast %get3A_456 : vector<1x16xf32> to vector<16xf32>
        %max3A_458 = arith.maximumf %max3A_451, %get3A_457 : vector<16xf32>
        %min3A_459 = arith.minimumf %min3A_452, %get3A_457 : vector<16xf32>
        %get3A_460 = arith.constant 14 : i32
        %get3A_461 = arith.index_cast %get3A_460 : i32 to index
        %get3A_462 = arith.index_cast %mul3A_366 : i32 to index
        %get3A_463 = tpu.vector_load %arg10[%get3A_461, %get3A_462] {strides = array<i32>} : memref<16x2048xf32, #tpu.memory_space<vmem>>, vector<1x16xf32>,
        %get3A_464 = vector.shape_cast %get3A_463 : vector<1x16xf32> to vector<16xf32>
        %max3A_465 = arith.maximumf %max3A_458, %get3A_464 : vector<16xf32>
        %min3A_466 = arith.minimumf %min3A_459, %get3A_464 : vector<16xf32>
        %get3A_467 = arith.constant 15 : i32
        %get3A_468 = arith.index_cast %get3A_467 : i32 to index
        %get3A_469 = arith.index_cast %mul3A_366 : i32 to index
        %get3A_470 = tpu.vector_load %arg10[%get3A_468, %get3A_469] {strides = array<i32>} : memref<16x2048xf32, #tpu.memory_space<vmem>>, vector<1x16xf32>,
        %get3A_471 = vector.shape_cast %get3A_470 : vector<1x16xf32> to vector<16xf32>
        %max3A_472 = arith.maximumf %max3A_465, %get3A_471 : vector<16xf32>
        %min3A_473 = arith.minimumf %min3A_466, %get3A_471 : vector<16xf32>
        %get3A_474 = arith.constant 5 : i32
        %get3A_475 = arith.index_cast %get3A_474 : i32 to index
        %get3A_476 = arith.index_cast %mul3A_366 : i32 to index
        %get3A_477 = tpu.vector_load %arg8[%get3A_475, %get3A_476] {strides = array<i32>} : memref<8x2048xf32, #tpu.memory_space<vmem>>, vector<1x16xf32>,
        %get3A_478 = vector.shape_cast %get3A_477 : vector<1x16xf32> to vector<16xf32>
        %sub3A_479 = arith.subf %max3A_472, %get3A_478 : vector<16xf32>
        %sub3A_480 = arith.subf %get3A_478, %min3A_473 : vector<16xf32>
        %max3A_481 = arith.maximumf %sub3A_479, %sub3A_480 : vector<16xf32>
        %swap3A = arith.index_cast %mul3A_366 : i32 to index
        %swap3A_482 = tpu.vector_load %arg12[%swap3A] {strides = array<i32>} : memref<2048xf32, #tpu.memory_space<vmem>>, vector<16xf32>,
        %swap3A_483 = vector.shape_cast %swap3A_482 : vector<16xf32> to vector<16xf32>
        %swap3A_484 = vector.shape_cast %max3A_481 : vector<16xf32> to vector<16xf32>
        tpu.vector_store %arg12[%swap3A], %swap3A_484 {strides = array<i32>} : memref<2048xf32, #tpu.memory_space<vmem>>, vector<16xf32>,
      }
      %scan3A_280 = arith.constant 128 : i32
      %add3A_281 = arith.addi %mul3A_2, %add3A_251 : i32
      %dma_start3A_282 = arith.constant 0 : i32
      %dma_start3A_283 = tpu.memref_slice %arg5[%add3A_281, %dma_start3A_282] : memref<1024x2048xf32, #tpu.memory_space<hbm>> -> memref<1x2048xf32, #tpu.memory_space<hbm>>
      %dma_start3A_284 = tpu.memref_squeeze %dma_start3A_283 : memref<1x2048xf32, #tpu.memory_space<hbm>> -> memref<2048xf32, #tpu.memory_space<hbm>>
      %dma_start3A_285 = arith.constant 0 : i32
      %dma_start3A_286 = tpu.memref_slice %arg5[%add3A_281, %dma_start3A_285] : memref<1024x2048xf32, #tpu.memory_space<hbm>> -> memref<1x2048xf32, #tpu.memory_space<hbm>>
      %dma_start3A_287 = tpu.memref_squeeze %dma_start3A_286 : memref<1x2048xf32, #tpu.memory_space<hbm>> -> memref<2048xf32, #tpu.memory_space<hbm>>
      tpu.enqueue_dma source(%arg12 : memref<2048xf32, #tpu.memory_space<vmem>>) target(%dma_start3A_287 : memref<2048xf32, #tpu.memory_space<hbm>>) target_semaphore(%arg18 : memref<!tpu.dma_semaphore, #tpu.memory_space<semaphore_mem>>)
      %mul3A_288 = arith.constant 8 : i32
      %mul3A_289 = arith.muli %scan3A_48, %mul3A_288 : i32
      %add3A_290 = arith.constant 6 : i32
      %add3A_291 = arith.addi %mul3A_289, %add3A_290 : i32
      %dma_wait3A_292 = arith.constant 0 : i32
      %dma_wait3A_293 = tpu.memref_slice %arg6[%add3A_291, %dma_wait3A_292] : memref<32x128xi32, #tpu.memory_space<vmem>> -> memref<1x16xi32, #tpu.memory_space<vmem>>
      %dma_wait3A_294 = tpu.memref_squeeze %dma_wait3A_293 : memref<1x16xi32, #tpu.memory_space<vmem>> -> memref<16xi32, #tpu.memory_space<vmem>>
      %dma_wait3A_295 = arith.constant 0 : i32
      %dma_wait3A_296 = arith.constant 0 : i32
      %dma_wait3A_297 = tpu.memref_slice %arg4[%dma_wait3A_295, %dma_wait3A_296] : memref<1000x2048xf32, #tpu.memory_space<hbm>> -> memref<1000x2048xf32, #tpu.memory_space<hbm>>
      tpu.wait_indirect_dma semaphore(%arg15 : memref<!tpu.dma_semaphore, #tpu.memory_space<semaphore_mem>>) src(%dma_wait3A_297 : memref<1000x2048xf32, #tpu.memory_space<hbm>>) dst(%arg9 : memref<16x2048xf32, #tpu.memory_space<vmem>>)
      %add3A_298 = arith.constant 1 : i32
      %add3A_299 = arith.addi %add3A_291, %add3A_298 : i32
      %dma_start3A_300 = arith.constant 0 : i32
      %dma_start3A_301 = tpu.memref_slice %arg6[%add3A_299, %dma_start3A_300] : memref<32x128xi32, #tpu.memory_space<vmem>> -> memref<1x16xi32, #tpu.memory_space<vmem>>
      %dma_start3A_302 = tpu.memref_squeeze %dma_start3A_301 : memref<1x16xi32, #tpu.memory_space<vmem>> -> memref<16xi32, #tpu.memory_space<vmem>>
      %dma_start3A_303 = arith.constant 0 : i32
      %dma_start3A_304 = arith.constant 0 : i32
      %dma_start3A_305 = tpu.memref_slice %arg4[%dma_start3A_303, %dma_start3A_304] : memref<1000x2048xf32, #tpu.memory_space<hbm>> -> memref<1000x2048xf32, #tpu.memory_space<hbm>>
      tpu.enqueue_indirect_dma source(%dma_start3A_305 : memref<1000x2048xf32, #tpu.memory_space<hbm>>) target(%arg10 : memref<16x2048xf32, #tpu.memory_space<vmem>>) offsets(%dma_start3A_302 : memref<16xi32, #tpu.memory_space<vmem>>) semaphore(%arg16 : memref<!tpu.dma_semaphore, #tpu.memory_space<semaphore_mem>>)
      %add3A_306 = arith.addi %mul3A_2, %add3A_291 : i32
      %sub3A_307 = arith.constant 2 : i32
      %sub3A_308 = arith.subi %add3A_306, %sub3A_307 : i32
      %dma_wait3A_309 = arith.constant 0 : i32
      %dma_wait3A_310 = tpu.memref_slice %arg5[%sub3A_308, %dma_wait3A_309] : memref<1024x2048xf32, #tpu.memory_space<hbm>> -> memref<1x2048xf32, #tpu.memory_space<hbm>>
      %dma_wait3A_311 = tpu.memref_squeeze %dma_wait3A_310 : memref<1x2048xf32, #tpu.memory_space<hbm>> -> memref<2048xf32, #tpu.memory_space<hbm>>
      %dma_wait3A_312 = arith.constant 0 : i32
      %dma_wait3A_313 = tpu.memref_slice %arg5[%sub3A_308, %dma_wait3A_312] : memref<1024x2048xf32, #tpu.memory_space<hbm>> -> memref<1x2048xf32, #tpu.memory_space<hbm>>
      %dma_wait3A_314 = tpu.memref_squeeze %dma_wait3A_313 : memref<1x2048xf32, #tpu.memory_space<hbm>> -> memref<2048xf32, #tpu.memory_space<hbm>>
      tpu.wait_dma2 semaphore(%arg17 : memref<!tpu.dma_semaphore, #tpu.memory_space<semaphore_mem>>) src(%arg11 : memref<2048xf32, #tpu.memory_space<vmem>>) dst(%dma_wait3A_314 : memref<2048xf32, #tpu.memory_space<hbm>>)
      %scan3A_315 = arith.constant 0 : i32
      %scan3A_316 = arith.constant 0 : i32
      %scan3A_317 = arith.constant 128 : i32
      %scan3A_318 = arith.addi %scan3A_316, %scan3A_317 : i32
      %scan3A_319 = arith.constant 1 : i32
      scf.for %scan3A_364 = %scan3A_316 to %scan3A_318 step %scan3A_319  : i32 {
        %mul3A_365 = arith.constant 16 : i32
        %mul3A_366 = arith.muli %scan3A_364, %mul3A_365 : i32
        %get3A = arith.constant 0 : i32
        %get3A_367 = arith.index_cast %get3A : i32 to index
        %get3A_368 = arith.index_cast %mul3A_366 : i32 to index
        %get3A_369 = tpu.vector_load %arg9[%get3A_367, %get3A_368] {strides = array<i32>} : memref<16x2048xf32, #tpu.memory_space<vmem>>, vector<1x16xf32>,
        %get3A_370 = vector.shape_cast %get3A_369 : vector<1x16xf32> to vector<16xf32>
        %get3A_371 = arith.constant 1 : i32
        %get3A_372 = arith.index_cast %get3A_371 : i32 to index
        %get3A_373 = arith.index_cast %mul3A_366 : i32 to index
        %get3A_374 = tpu.vector_load %arg9[%get3A_372, %get3A_373] {strides = array<i32>} : memref<16x2048xf32, #tpu.memory_space<vmem>>, vector<1x16xf32>,
        %get3A_375 = vector.shape_cast %get3A_374 : vector<1x16xf32> to vector<16xf32>
        %max3A = arith.maximumf %get3A_370, %get3A_375 : vector<16xf32>
        %min3A = arith.minimumf %get3A_370, %get3A_375 : vector<16xf32>
        %get3A_376 = arith.constant 2 : i32
        %get3A_377 = arith.index_cast %get3A_376 : i32 to index
        %get3A_378 = arith.index_cast %mul3A_366 : i32 to index
        %get3A_379 = tpu.vector_load %arg9[%get3A_377, %get3A_378] {strides = array<i32>} : memref<16x2048xf32, #tpu.memory_space<vmem>>, vector<1x16xf32>,
        %get3A_380 = vector.shape_cast %get3A_379 : vector<1x16xf32> to vector<16xf32>
        %max3A_381 = arith.maximumf %max3A, %get3A_380 : vector<16xf32>
        %min3A_382 = arith.minimumf %min3A, %get3A_380 : vector<16xf32>
        %get3A_383 = arith.constant 3 : i32
        %get3A_384 = arith.index_cast %get3A_383 : i32 to index
        %get3A_385 = arith.index_cast %mul3A_366 : i32 to index
        %get3A_386 = tpu.vector_load %arg9[%get3A_384, %get3A_385] {strides = array<i32>} : memref<16x2048xf32, #tpu.memory_space<vmem>>, vector<1x16xf32>,
        %get3A_387 = vector.shape_cast %get3A_386 : vector<1x16xf32> to vector<16xf32>
        %max3A_388 = arith.maximumf %max3A_381, %get3A_387 : vector<16xf32>
        %min3A_389 = arith.minimumf %min3A_382, %get3A_387 : vector<16xf32>
        %get3A_390 = arith.constant 4 : i32
        %get3A_391 = arith.index_cast %get3A_390 : i32 to index
        %get3A_392 = arith.index_cast %mul3A_366 : i32 to index
        %get3A_393 = tpu.vector_load %arg9[%get3A_391, %get3A_392] {strides = array<i32>} : memref<16x2048xf32, #tpu.memory_space<vmem>>, vector<1x16xf32>,
        %get3A_394 = vector.shape_cast %get3A_393 : vector<1x16xf32> to vector<16xf32>
        %max3A_395 = arith.maximumf %max3A_388, %get3A_394 : vector<16xf32>
        %min3A_396 = arith.minimumf %min3A_389, %get3A_394 : vector<16xf32>
        %get3A_397 = arith.constant 5 : i32
        %get3A_398 = arith.index_cast %get3A_397 : i32 to index
        %get3A_399 = arith.index_cast %mul3A_366 : i32 to index
        %get3A_400 = tpu.vector_load %arg9[%get3A_398, %get3A_399] {strides = array<i32>} : memref<16x2048xf32, #tpu.memory_space<vmem>>, vector<1x16xf32>,
        %get3A_401 = vector.shape_cast %get3A_400 : vector<1x16xf32> to vector<16xf32>
        %max3A_402 = arith.maximumf %max3A_395, %get3A_401 : vector<16xf32>
        %min3A_403 = arith.minimumf %min3A_396, %get3A_401 : vector<16xf32>
        %get3A_404 = arith.constant 6 : i32
        %get3A_405 = arith.index_cast %get3A_404 : i32 to index
        %get3A_406 = arith.index_cast %mul3A_366 : i32 to index
        %get3A_407 = tpu.vector_load %arg9[%get3A_405, %get3A_406] {strides = array<i32>} : memref<16x2048xf32, #tpu.memory_space<vmem>>, vector<1x16xf32>,
        %get3A_408 = vector.shape_cast %get3A_407 : vector<1x16xf32> to vector<16xf32>
        %max3A_409 = arith.maximumf %max3A_402, %get3A_408 : vector<16xf32>
        %min3A_410 = arith.minimumf %min3A_403, %get3A_408 : vector<16xf32>
        %get3A_411 = arith.constant 7 : i32
        %get3A_412 = arith.index_cast %get3A_411 : i32 to index
        %get3A_413 = arith.index_cast %mul3A_366 : i32 to index
        %get3A_414 = tpu.vector_load %arg9[%get3A_412, %get3A_413] {strides = array<i32>} : memref<16x2048xf32, #tpu.memory_space<vmem>>, vector<1x16xf32>,
        %get3A_415 = vector.shape_cast %get3A_414 : vector<1x16xf32> to vector<16xf32>
        %max3A_416 = arith.maximumf %max3A_409, %get3A_415 : vector<16xf32>
        %min3A_417 = arith.minimumf %min3A_410, %get3A_415 : vector<16xf32>
        %get3A_418 = arith.constant 8 : i32
        %get3A_419 = arith.index_cast %get3A_418 : i32 to index
        %get3A_420 = arith.index_cast %mul3A_366 : i32 to index
        %get3A_421 = tpu.vector_load %arg9[%get3A_419, %get3A_420] {strides = array<i32>} : memref<16x2048xf32, #tpu.memory_space<vmem>>, vector<1x16xf32>,
        %get3A_422 = vector.shape_cast %get3A_421 : vector<1x16xf32> to vector<16xf32>
        %max3A_423 = arith.maximumf %max3A_416, %get3A_422 : vector<16xf32>
        %min3A_424 = arith.minimumf %min3A_417, %get3A_422 : vector<16xf32>
        %get3A_425 = arith.constant 9 : i32
        %get3A_426 = arith.index_cast %get3A_425 : i32 to index
        %get3A_427 = arith.index_cast %mul3A_366 : i32 to index
        %get3A_428 = tpu.vector_load %arg9[%get3A_426, %get3A_427] {strides = array<i32>} : memref<16x2048xf32, #tpu.memory_space<vmem>>, vector<1x16xf32>,
        %get3A_429 = vector.shape_cast %get3A_428 : vector<1x16xf32> to vector<16xf32>
        %max3A_430 = arith.maximumf %max3A_423, %get3A_429 : vector<16xf32>
        %min3A_431 = arith.minimumf %min3A_424, %get3A_429 : vector<16xf32>
        %get3A_432 = arith.constant 10 : i32
        %get3A_433 = arith.index_cast %get3A_432 : i32 to index
        %get3A_434 = arith.index_cast %mul3A_366 : i32 to index
        %get3A_435 = tpu.vector_load %arg9[%get3A_433, %get3A_434] {strides = array<i32>} : memref<16x2048xf32, #tpu.memory_space<vmem>>, vector<1x16xf32>,
        %get3A_436 = vector.shape_cast %get3A_435 : vector<1x16xf32> to vector<16xf32>
        %max3A_437 = arith.maximumf %max3A_430, %get3A_436 : vector<16xf32>
        %min3A_438 = arith.minimumf %min3A_431, %get3A_436 : vector<16xf32>
        %get3A_439 = arith.constant 11 : i32
        %get3A_440 = arith.index_cast %get3A_439 : i32 to index
        %get3A_441 = arith.index_cast %mul3A_366 : i32 to index
        %get3A_442 = tpu.vector_load %arg9[%get3A_440, %get3A_441] {strides = array<i32>} : memref<16x2048xf32, #tpu.memory_space<vmem>>, vector<1x16xf32>,
        %get3A_443 = vector.shape_cast %get3A_442 : vector<1x16xf32> to vector<16xf32>
        %max3A_444 = arith.maximumf %max3A_437, %get3A_443 : vector<16xf32>
        %min3A_445 = arith.minimumf %min3A_438, %get3A_443 : vector<16xf32>
        %get3A_446 = arith.constant 12 : i32
        %get3A_447 = arith.index_cast %get3A_446 : i32 to index
        %get3A_448 = arith.index_cast %mul3A_366 : i32 to index
        %get3A_449 = tpu.vector_load %arg9[%get3A_447, %get3A_448] {strides = array<i32>} : memref<16x2048xf32, #tpu.memory_space<vmem>>, vector<1x16xf32>,
        %get3A_450 = vector.shape_cast %get3A_449 : vector<1x16xf32> to vector<16xf32>
        %max3A_451 = arith.maximumf %max3A_444, %get3A_450 : vector<16xf32>
        %min3A_452 = arith.minimumf %min3A_445, %get3A_450 : vector<16xf32>
        %get3A_453 = arith.constant 13 : i32
        %get3A_454 = arith.index_cast %get3A_453 : i32 to index
        %get3A_455 = arith.index_cast %mul3A_366 : i32 to index
        %get3A_456 = tpu.vector_load %arg9[%get3A_454, %get3A_455] {strides = array<i32>} : memref<16x2048xf32, #tpu.memory_space<vmem>>, vector<1x16xf32>,
        %get3A_457 = vector.shape_cast %get3A_456 : vector<1x16xf32> to vector<16xf32>
        %max3A_458 = arith.maximumf %max3A_451, %get3A_457 : vector<16xf32>
        %min3A_459 = arith.minimumf %min3A_452, %get3A_457 : vector<16xf32>
        %get3A_460 = arith.constant 14 : i32
        %get3A_461 = arith.index_cast %get3A_460 : i32 to index
        %get3A_462 = arith.index_cast %mul3A_366 : i32 to index
        %get3A_463 = tpu.vector_load %arg9[%get3A_461, %get3A_462] {strides = array<i32>} : memref<16x2048xf32, #tpu.memory_space<vmem>>, vector<1x16xf32>,
        %get3A_464 = vector.shape_cast %get3A_463 : vector<1x16xf32> to vector<16xf32>
        %max3A_465 = arith.maximumf %max3A_458, %get3A_464 : vector<16xf32>
        %min3A_466 = arith.minimumf %min3A_459, %get3A_464 : vector<16xf32>
        %get3A_467 = arith.constant 15 : i32
        %get3A_468 = arith.index_cast %get3A_467 : i32 to index
        %get3A_469 = arith.index_cast %mul3A_366 : i32 to index
        %get3A_470 = tpu.vector_load %arg9[%get3A_468, %get3A_469] {strides = array<i32>} : memref<16x2048xf32, #tpu.memory_space<vmem>>, vector<1x16xf32>,
        %get3A_471 = vector.shape_cast %get3A_470 : vector<1x16xf32> to vector<16xf32>
        %max3A_472 = arith.maximumf %max3A_465, %get3A_471 : vector<16xf32>
        %min3A_473 = arith.minimumf %min3A_466, %get3A_471 : vector<16xf32>
        %get3A_474 = arith.constant 6 : i32
        %get3A_475 = arith.index_cast %get3A_474 : i32 to index
        %get3A_476 = arith.index_cast %mul3A_366 : i32 to index
        %get3A_477 = tpu.vector_load %arg8[%get3A_475, %get3A_476] {strides = array<i32>} : memref<8x2048xf32, #tpu.memory_space<vmem>>, vector<1x16xf32>,
        %get3A_478 = vector.shape_cast %get3A_477 : vector<1x16xf32> to vector<16xf32>
        %sub3A_479 = arith.subf %max3A_472, %get3A_478 : vector<16xf32>
        %sub3A_480 = arith.subf %get3A_478, %min3A_473 : vector<16xf32>
        %max3A_481 = arith.maximumf %sub3A_479, %sub3A_480 : vector<16xf32>
        %swap3A = arith.index_cast %mul3A_366 : i32 to index
        %swap3A_482 = tpu.vector_load %arg11[%swap3A] {strides = array<i32>} : memref<2048xf32, #tpu.memory_space<vmem>>, vector<16xf32>,
        %swap3A_483 = vector.shape_cast %swap3A_482 : vector<16xf32> to vector<16xf32>
        %swap3A_484 = vector.shape_cast %max3A_481 : vector<16xf32> to vector<16xf32>
        tpu.vector_store %arg11[%swap3A], %swap3A_484 {strides = array<i32>} : memref<2048xf32, #tpu.memory_space<vmem>>, vector<16xf32>,
      }
      %scan3A_320 = arith.constant 128 : i32
      %add3A_321 = arith.addi %mul3A_2, %add3A_291 : i32
      %dma_start3A_322 = arith.constant 0 : i32
      %dma_start3A_323 = tpu.memref_slice %arg5[%add3A_321, %dma_start3A_322] : memref<1024x2048xf32, #tpu.memory_space<hbm>> -> memref<1x2048xf32, #tpu.memory_space<hbm>>
      %dma_start3A_324 = tpu.memref_squeeze %dma_start3A_323 : memref<1x2048xf32, #tpu.memory_space<hbm>> -> memref<2048xf32, #tpu.memory_space<hbm>>
      %dma_start3A_325 = arith.constant 0 : i32
      %dma_start3A_326 = tpu.memref_slice %arg5[%add3A_321, %dma_start3A_325] : memref<1024x2048xf32, #tpu.memory_space<hbm>> -> memref<1x2048xf32, #tpu.memory_space<hbm>>
      %dma_start3A_327 = tpu.memref_squeeze %dma_start3A_326 : memref<1x2048xf32, #tpu.memory_space<hbm>> -> memref<2048xf32, #tpu.memory_space<hbm>>
      tpu.enqueue_dma source(%arg11 : memref<2048xf32, #tpu.memory_space<vmem>>) target(%dma_start3A_327 : memref<2048xf32, #tpu.memory_space<hbm>>) target_semaphore(%arg17 : memref<!tpu.dma_semaphore, #tpu.memory_space<semaphore_mem>>)
      %mul3A_328 = arith.constant 8 : i32
      %mul3A_329 = arith.muli %scan3A_48, %mul3A_328 : i32
      %add3A_330 = arith.constant 7 : i32
      %add3A_331 = arith.addi %mul3A_329, %add3A_330 : i32
      %dma_wait3A_332 = arith.constant 0 : i32
      %dma_wait3A_333 = tpu.memref_slice %arg6[%add3A_331, %dma_wait3A_332] : memref<32x128xi32, #tpu.memory_space<vmem>> -> memref<1x16xi32, #tpu.memory_space<vmem>>
      %dma_wait3A_334 = tpu.memref_squeeze %dma_wait3A_333 : memref<1x16xi32, #tpu.memory_space<vmem>> -> memref<16xi32, #tpu.memory_space<vmem>>
      %dma_wait3A_335 = arith.constant 0 : i32
      %dma_wait3A_336 = arith.constant 0 : i32
      %dma_wait3A_337 = tpu.memref_slice %arg4[%dma_wait3A_335, %dma_wait3A_336] : memref<1000x2048xf32, #tpu.memory_space<hbm>> -> memref<1000x2048xf32, #tpu.memory_space<hbm>>
      tpu.wait_indirect_dma semaphore(%arg16 : memref<!tpu.dma_semaphore, #tpu.memory_space<semaphore_mem>>) src(%dma_wait3A_337 : memref<1000x2048xf32, #tpu.memory_space<hbm>>) dst(%arg10 : memref<16x2048xf32, #tpu.memory_space<vmem>>)
      %lt3A = arith.constant 3 : i32
      %lt3A_338 = arith.cmpi slt, %scan3A_48, %lt3A : i32
      %convert_element_type3A_339 = arith.extui %lt3A_338 : i1 to i32
      %cond3A_340 = arith.constant 0 : i32
      %cond3A_341 = arith.cmpi ne, %convert_element_type3A_339, %cond3A_340 : i32
      scf.if %cond3A_341 {
        %add3A_364 = arith.constant 1 : i32
        %add3A_365 = arith.addi %add3A_331, %add3A_364 : i32
        %dma_start3A_366 = arith.constant 0 : i32
        %dma_start3A_367 = tpu.memref_slice %arg6[%add3A_365, %dma_start3A_366] : memref<32x128xi32, #tpu.memory_space<vmem>> -> memref<1x16xi32, #tpu.memory_space<vmem>>
        %dma_start3A_368 = tpu.memref_squeeze %dma_start3A_367 : memref<1x16xi32, #tpu.memory_space<vmem>> -> memref<16xi32, #tpu.memory_space<vmem>>
        %dma_start3A_369 = arith.constant 0 : i32
        %dma_start3A_370 = arith.constant 0 : i32
        %dma_start3A_371 = tpu.memref_slice %arg4[%dma_start3A_369, %dma_start3A_370] : memref<1000x2048xf32, #tpu.memory_space<hbm>> -> memref<1000x2048xf32, #tpu.memory_space<hbm>>
        tpu.enqueue_indirect_dma source(%dma_start3A_371 : memref<1000x2048xf32, #tpu.memory_space<hbm>>) target(%arg9 : memref<16x2048xf32, #tpu.memory_space<vmem>>) offsets(%dma_start3A_368 : memref<16xi32, #tpu.memory_space<vmem>>) semaphore(%arg15 : memref<!tpu.dma_semaphore, #tpu.memory_space<semaphore_mem>>)
      } else {
      }
      %add3A_342 = arith.addi %mul3A_2, %add3A_331 : i32
      %sub3A_343 = arith.constant 2 : i32
      %sub3A_344 = arith.subi %add3A_342, %sub3A_343 : i32
      %dma_wait3A_345 = arith.constant 0 : i32
      %dma_wait3A_346 = tpu.memref_slice %arg5[%sub3A_344, %dma_wait3A_345] : memref<1024x2048xf32, #tpu.memory_space<hbm>> -> memref<1x2048xf32, #tpu.memory_space<hbm>>
      %dma_wait3A_347 = tpu.memref_squeeze %dma_wait3A_346 : memref<1x2048xf32, #tpu.memory_space<hbm>> -> memref<2048xf32, #tpu.memory_space<hbm>>
      %dma_wait3A_348 = arith.constant 0 : i32
      %dma_wait3A_349 = tpu.memref_slice %arg5[%sub3A_344, %dma_wait3A_348] : memref<1024x2048xf32, #tpu.memory_space<hbm>> -> memref<1x2048xf32, #tpu.memory_space<hbm>>
      %dma_wait3A_350 = tpu.memref_squeeze %dma_wait3A_349 : memref<1x2048xf32, #tpu.memory_space<hbm>> -> memref<2048xf32, #tpu.memory_space<hbm>>
      tpu.wait_dma2 semaphore(%arg18 : memref<!tpu.dma_semaphore, #tpu.memory_space<semaphore_mem>>) src(%arg12 : memref<2048xf32, #tpu.memory_space<vmem>>) dst(%dma_wait3A_350 : memref<2048xf32, #tpu.memory_space<hbm>>)
      %scan3A_351 = arith.constant 0 : i32
      %scan3A_352 = arith.constant 0 : i32
      %scan3A_353 = arith.constant 128 : i32
      %scan3A_354 = arith.addi %scan3A_352, %scan3A_353 : i32
      %scan3A_355 = arith.constant 1 : i32
      scf.for %scan3A_364 = %scan3A_352 to %scan3A_354 step %scan3A_355  : i32 {
        %mul3A_365 = arith.constant 16 : i32
        %mul3A_366 = arith.muli %scan3A_364, %mul3A_365 : i32
        %get3A = arith.constant 0 : i32
        %get3A_367 = arith.index_cast %get3A : i32 to index
        %get3A_368 = arith.index_cast %mul3A_366 : i32 to index
        %get3A_369 = tpu.vector_load %arg10[%get3A_367, %get3A_368] {strides = array<i32>} : memref<16x2048xf32, #tpu.memory_space<vmem>>, vector<1x16xf32>,
        %get3A_370 = vector.shape_cast %get3A_369 : vector<1x16xf32> to vector<16xf32>
        %get3A_371 = arith.constant 1 : i32
        %get3A_372 = arith.index_cast %get3A_371 : i32 to index
        %get3A_373 = arith.index_cast %mul3A_366 : i32 to index
        %get3A_374 = tpu.vector_load %arg10[%get3A_372, %get3A_373] {strides = array<i32>} : memref<16x2048xf32, #tpu.memory_space<vmem>>, vector<1x16xf32>,
        %get3A_375 = vector.shape_cast %get3A_374 : vector<1x16xf32> to vector<16xf32>
        %max3A = arith.maximumf %get3A_370, %get3A_375 : vector<16xf32>
        %min3A = arith.minimumf %get3A_370, %get3A_375 : vector<16xf32>
        %get3A_376 = arith.constant 2 : i32
        %get3A_377 = arith.index_cast %get3A_376 : i32 to index
        %get3A_378 = arith.index_cast %mul3A_366 : i32 to index
        %get3A_379 = tpu.vector_load %arg10[%get3A_377, %get3A_378] {strides = array<i32>} : memref<16x2048xf32, #tpu.memory_space<vmem>>, vector<1x16xf32>,
        %get3A_380 = vector.shape_cast %get3A_379 : vector<1x16xf32> to vector<16xf32>
        %max3A_381 = arith.maximumf %max3A, %get3A_380 : vector<16xf32>
        %min3A_382 = arith.minimumf %min3A, %get3A_380 : vector<16xf32>
        %get3A_383 = arith.constant 3 : i32
        %get3A_384 = arith.index_cast %get3A_383 : i32 to index
        %get3A_385 = arith.index_cast %mul3A_366 : i32 to index
        %get3A_386 = tpu.vector_load %arg10[%get3A_384, %get3A_385] {strides = array<i32>} : memref<16x2048xf32, #tpu.memory_space<vmem>>, vector<1x16xf32>,
        %get3A_387 = vector.shape_cast %get3A_386 : vector<1x16xf32> to vector<16xf32>
        %max3A_388 = arith.maximumf %max3A_381, %get3A_387 : vector<16xf32>
        %min3A_389 = arith.minimumf %min3A_382, %get3A_387 : vector<16xf32>
        %get3A_390 = arith.constant 4 : i32
        %get3A_391 = arith.index_cast %get3A_390 : i32 to index
        %get3A_392 = arith.index_cast %mul3A_366 : i32 to index
        %get3A_393 = tpu.vector_load %arg10[%get3A_391, %get3A_392] {strides = array<i32>} : memref<16x2048xf32, #tpu.memory_space<vmem>>, vector<1x16xf32>,
        %get3A_394 = vector.shape_cast %get3A_393 : vector<1x16xf32> to vector<16xf32>
        %max3A_395 = arith.maximumf %max3A_388, %get3A_394 : vector<16xf32>
        %min3A_396 = arith.minimumf %min3A_389, %get3A_394 : vector<16xf32>
        %get3A_397 = arith.constant 5 : i32
        %get3A_398 = arith.index_cast %get3A_397 : i32 to index
        %get3A_399 = arith.index_cast %mul3A_366 : i32 to index
        %get3A_400 = tpu.vector_load %arg10[%get3A_398, %get3A_399] {strides = array<i32>} : memref<16x2048xf32, #tpu.memory_space<vmem>>, vector<1x16xf32>,
        %get3A_401 = vector.shape_cast %get3A_400 : vector<1x16xf32> to vector<16xf32>
        %max3A_402 = arith.maximumf %max3A_395, %get3A_401 : vector<16xf32>
        %min3A_403 = arith.minimumf %min3A_396, %get3A_401 : vector<16xf32>
        %get3A_404 = arith.constant 6 : i32
        %get3A_405 = arith.index_cast %get3A_404 : i32 to index
        %get3A_406 = arith.index_cast %mul3A_366 : i32 to index
        %get3A_407 = tpu.vector_load %arg10[%get3A_405, %get3A_406] {strides = array<i32>} : memref<16x2048xf32, #tpu.memory_space<vmem>>, vector<1x16xf32>,
        %get3A_408 = vector.shape_cast %get3A_407 : vector<1x16xf32> to vector<16xf32>
        %max3A_409 = arith.maximumf %max3A_402, %get3A_408 : vector<16xf32>
        %min3A_410 = arith.minimumf %min3A_403, %get3A_408 : vector<16xf32>
        %get3A_411 = arith.constant 7 : i32
        %get3A_412 = arith.index_cast %get3A_411 : i32 to index
        %get3A_413 = arith.index_cast %mul3A_366 : i32 to index
        %get3A_414 = tpu.vector_load %arg10[%get3A_412, %get3A_413] {strides = array<i32>} : memref<16x2048xf32, #tpu.memory_space<vmem>>, vector<1x16xf32>,
        %get3A_415 = vector.shape_cast %get3A_414 : vector<1x16xf32> to vector<16xf32>
        %max3A_416 = arith.maximumf %max3A_409, %get3A_415 : vector<16xf32>
        %min3A_417 = arith.minimumf %min3A_410, %get3A_415 : vector<16xf32>
        %get3A_418 = arith.constant 8 : i32
        %get3A_419 = arith.index_cast %get3A_418 : i32 to index
        %get3A_420 = arith.index_cast %mul3A_366 : i32 to index
        %get3A_421 = tpu.vector_load %arg10[%get3A_419, %get3A_420] {strides = array<i32>} : memref<16x2048xf32, #tpu.memory_space<vmem>>, vector<1x16xf32>,
        %get3A_422 = vector.shape_cast %get3A_421 : vector<1x16xf32> to vector<16xf32>
        %max3A_423 = arith.maximumf %max3A_416, %get3A_422 : vector<16xf32>
        %min3A_424 = arith.minimumf %min3A_417, %get3A_422 : vector<16xf32>
        %get3A_425 = arith.constant 9 : i32
        %get3A_426 = arith.index_cast %get3A_425 : i32 to index
        %get3A_427 = arith.index_cast %mul3A_366 : i32 to index
        %get3A_428 = tpu.vector_load %arg10[%get3A_426, %get3A_427] {strides = array<i32>} : memref<16x2048xf32, #tpu.memory_space<vmem>>, vector<1x16xf32>,
        %get3A_429 = vector.shape_cast %get3A_428 : vector<1x16xf32> to vector<16xf32>
        %max3A_430 = arith.maximumf %max3A_423, %get3A_429 : vector<16xf32>
        %min3A_431 = arith.minimumf %min3A_424, %get3A_429 : vector<16xf32>
        %get3A_432 = arith.constant 10 : i32
        %get3A_433 = arith.index_cast %get3A_432 : i32 to index
        %get3A_434 = arith.index_cast %mul3A_366 : i32 to index
        %get3A_435 = tpu.vector_load %arg10[%get3A_433, %get3A_434] {strides = array<i32>} : memref<16x2048xf32, #tpu.memory_space<vmem>>, vector<1x16xf32>,
        %get3A_436 = vector.shape_cast %get3A_435 : vector<1x16xf32> to vector<16xf32>
        %max3A_437 = arith.maximumf %max3A_430, %get3A_436 : vector<16xf32>
        %min3A_438 = arith.minimumf %min3A_431, %get3A_436 : vector<16xf32>
        %get3A_439 = arith.constant 11 : i32
        %get3A_440 = arith.index_cast %get3A_439 : i32 to index
        %get3A_441 = arith.index_cast %mul3A_366 : i32 to index
        %get3A_442 = tpu.vector_load %arg10[%get3A_440, %get3A_441] {strides = array<i32>} : memref<16x2048xf32, #tpu.memory_space<vmem>>, vector<1x16xf32>,
        %get3A_443 = vector.shape_cast %get3A_442 : vector<1x16xf32> to vector<16xf32>
        %max3A_444 = arith.maximumf %max3A_437, %get3A_443 : vector<16xf32>
        %min3A_445 = arith.minimumf %min3A_438, %get3A_443 : vector<16xf32>
        %get3A_446 = arith.constant 12 : i32
        %get3A_447 = arith.index_cast %get3A_446 : i32 to index
        %get3A_448 = arith.index_cast %mul3A_366 : i32 to index
        %get3A_449 = tpu.vector_load %arg10[%get3A_447, %get3A_448] {strides = array<i32>} : memref<16x2048xf32, #tpu.memory_space<vmem>>, vector<1x16xf32>,
        %get3A_450 = vector.shape_cast %get3A_449 : vector<1x16xf32> to vector<16xf32>
        %max3A_451 = arith.maximumf %max3A_444, %get3A_450 : vector<16xf32>
        %min3A_452 = arith.minimumf %min3A_445, %get3A_450 : vector<16xf32>
        %get3A_453 = arith.constant 13 : i32
        %get3A_454 = arith.index_cast %get3A_453 : i32 to index
        %get3A_455 = arith.index_cast %mul3A_366 : i32 to index
        %get3A_456 = tpu.vector_load %arg10[%get3A_454, %get3A_455] {strides = array<i32>} : memref<16x2048xf32, #tpu.memory_space<vmem>>, vector<1x16xf32>,
        %get3A_457 = vector.shape_cast %get3A_456 : vector<1x16xf32> to vector<16xf32>
        %max3A_458 = arith.maximumf %max3A_451, %get3A_457 : vector<16xf32>
        %min3A_459 = arith.minimumf %min3A_452, %get3A_457 : vector<16xf32>
        %get3A_460 = arith.constant 14 : i32
        %get3A_461 = arith.index_cast %get3A_460 : i32 to index
        %get3A_462 = arith.index_cast %mul3A_366 : i32 to index
        %get3A_463 = tpu.vector_load %arg10[%get3A_461, %get3A_462] {strides = array<i32>} : memref<16x2048xf32, #tpu.memory_space<vmem>>, vector<1x16xf32>,
        %get3A_464 = vector.shape_cast %get3A_463 : vector<1x16xf32> to vector<16xf32>
        %max3A_465 = arith.maximumf %max3A_458, %get3A_464 : vector<16xf32>
        %min3A_466 = arith.minimumf %min3A_459, %get3A_464 : vector<16xf32>
        %get3A_467 = arith.constant 15 : i32
        %get3A_468 = arith.index_cast %get3A_467 : i32 to index
        %get3A_469 = arith.index_cast %mul3A_366 : i32 to index
        %get3A_470 = tpu.vector_load %arg10[%get3A_468, %get3A_469] {strides = array<i32>} : memref<16x2048xf32, #tpu.memory_space<vmem>>, vector<1x16xf32>,
        %get3A_471 = vector.shape_cast %get3A_470 : vector<1x16xf32> to vector<16xf32>
        %max3A_472 = arith.maximumf %max3A_465, %get3A_471 : vector<16xf32>
        %min3A_473 = arith.minimumf %min3A_466, %get3A_471 : vector<16xf32>
        %get3A_474 = arith.constant 7 : i32
        %get3A_475 = arith.index_cast %get3A_474 : i32 to index
        %get3A_476 = arith.index_cast %mul3A_366 : i32 to index
        %get3A_477 = tpu.vector_load %arg8[%get3A_475, %get3A_476] {strides = array<i32>} : memref<8x2048xf32, #tpu.memory_space<vmem>>, vector<1x16xf32>,
        %get3A_478 = vector.shape_cast %get3A_477 : vector<1x16xf32> to vector<16xf32>
        %sub3A_479 = arith.subf %max3A_472, %get3A_478 : vector<16xf32>
        %sub3A_480 = arith.subf %get3A_478, %min3A_473 : vector<16xf32>
        %max3A_481 = arith.maximumf %sub3A_479, %sub3A_480 : vector<16xf32>
        %swap3A = arith.index_cast %mul3A_366 : i32 to index
        %swap3A_482 = tpu.vector_load %arg12[%swap3A] {strides = array<i32>} : memref<2048xf32, #tpu.memory_space<vmem>>, vector<16xf32>,
        %swap3A_483 = vector.shape_cast %swap3A_482 : vector<16xf32> to vector<16xf32>
        %swap3A_484 = vector.shape_cast %max3A_481 : vector<16xf32> to vector<16xf32>
        tpu.vector_store %arg12[%swap3A], %swap3A_484 {strides = array<i32>} : memref<2048xf32, #tpu.memory_space<vmem>>, vector<16xf32>,
      }
      %scan3A_356 = arith.constant 128 : i32
      %add3A_357 = arith.addi %mul3A_2, %add3A_331 : i32
      %dma_start3A_358 = arith.constant 0 : i32
      %dma_start3A_359 = tpu.memref_slice %arg5[%add3A_357, %dma_start3A_358] : memref<1024x2048xf32, #tpu.memory_space<hbm>> -> memref<1x2048xf32, #tpu.memory_space<hbm>>
      %dma_start3A_360 = tpu.memref_squeeze %dma_start3A_359 : memref<1x2048xf32, #tpu.memory_space<hbm>> -> memref<2048xf32, #tpu.memory_space<hbm>>
      %dma_start3A_361 = arith.constant 0 : i32
      %dma_start3A_362 = tpu.memref_slice %arg5[%add3A_357, %dma_start3A_361] : memref<1024x2048xf32, #tpu.memory_space<hbm>> -> memref<1x2048xf32, #tpu.memory_space<hbm>>
      %dma_start3A_363 = tpu.memref_squeeze %dma_start3A_362 : memref<1x2048xf32, #tpu.memory_space<hbm>> -> memref<2048xf32, #tpu.memory_space<hbm>>
      tpu.enqueue_dma source(%arg12 : memref<2048xf32, #tpu.memory_space<vmem>>) target(%dma_start3A_363 : memref<2048xf32, #tpu.memory_space<hbm>>) target_semaphore(%arg18 : memref<!tpu.dma_semaphore, #tpu.memory_space<semaphore_mem>>)
    }
    %scan3A_24 = arith.constant 4 : i32
    %add3A_25 = arith.constant 32 : i32
    %add3A_26 = arith.addi %mul3A_2, %add3A_25 : i32
    %sub3A = arith.constant 2 : i32
    %sub3A_27 = arith.subi %add3A_26, %sub3A : i32
    %add3A_28 = arith.constant 0 : i32
    %add3A_29 = arith.addi %sub3A_27, %add3A_28 : i32
    %dma_wait3A_30 = arith.constant 0 : i32
    %dma_wait3A_31 = tpu.memref_slice %arg5[%add3A_29, %dma_wait3A_30] : memref<1024x2048xf32, #tpu.memory_space<hbm>> -> memref<1x2048xf32, #tpu.memory_space<hbm>>
    %dma_wait3A_32 = tpu.memref_squeeze %dma_wait3A_31 : memref<1x2048xf32, #tpu.memory_space<hbm>> -> memref<2048xf32, #tpu.memory_space<hbm>>
    %dma_wait3A_33 = arith.constant 0 : i32
    %dma_wait3A_34 = tpu.memref_slice %arg5[%add3A_29, %dma_wait3A_33] : memref<1024x2048xf32, #tpu.memory_space<hbm>> -> memref<1x2048xf32, #tpu.memory_space<hbm>>
    %dma_wait3A_35 = tpu.memref_squeeze %dma_wait3A_34 : memref<1x2048xf32, #tpu.memory_space<hbm>> -> memref<2048xf32, #tpu.memory_space<hbm>>
    tpu.wait_dma2 semaphore(%arg17 : memref<!tpu.dma_semaphore, #tpu.memory_space<semaphore_mem>>) src(%arg11 : memref<2048xf32, #tpu.memory_space<vmem>>) dst(%dma_wait3A_35 : memref<2048xf32, #tpu.memory_space<hbm>>)
    %add3A_36 = arith.constant 32 : i32
    %add3A_37 = arith.addi %mul3A_2, %add3A_36 : i32
    %sub3A_38 = arith.constant 2 : i32
    %sub3A_39 = arith.subi %add3A_37, %sub3A_38 : i32
    %add3A_40 = arith.constant 1 : i32
    %add3A_41 = arith.addi %sub3A_39, %add3A_40 : i32
    %dma_wait3A_42 = arith.constant 0 : i32
    %dma_wait3A_43 = tpu.memref_slice %arg5[%add3A_41, %dma_wait3A_42] : memref<1024x2048xf32, #tpu.memory_space<hbm>> -> memref<1x2048xf32, #tpu.memory_space<hbm>>
    %dma_wait3A_44 = tpu.memref_squeeze %dma_wait3A_43 : memref<1x2048xf32, #tpu.memory_space<hbm>> -> memref<2048xf32, #tpu.memory_space<hbm>>
    %dma_wait3A_45 = arith.constant 0 : i32
    %dma_wait3A_46 = tpu.memref_slice %arg5[%add3A_41, %dma_wait3A_45] : memref<1024x2048xf32, #tpu.memory_space<hbm>> -> memref<1x2048xf32, #tpu.memory_space<hbm>>
    %dma_wait3A_47 = tpu.memref_squeeze %dma_wait3A_46 : memref<1x2048xf32, #tpu.memory_space<hbm>> -> memref<2048xf32, #tpu.memory_space<hbm>>
    tpu.wait_dma2 semaphore(%arg18 : memref<!tpu.dma_semaphore, #tpu.memory_space<semaphore_mem>>) src(%arg12 : memref<2048xf32, #tpu.memory_space<vmem>>) dst(%dma_wait3A_47 : memref<2048xf32, #tpu.memory_space<hbm>>)
    return
  }
}

module attributes {stable_mosaic.version = 14 : i64} {
  func.func @_topk_idx_body(%arg0: i32, %arg1: memref<512x1024xf32, #tpu.memory_space<vmem>>, %arg2: memref<512x1xi32, #tpu.memory_space<vmem>>, %arg3: memref<512x128xi32, #tpu.memory_space<vmem>>) attributes {dimension_semantics = [#tpu.dimension_semantics<arbitrary>], iteration_bounds = array<i64: 2>, scalar_prefetch = 0 : i64, scratch_operands = 0 : i64, tpu.core_type = #tpu.core_type<tc>, window_params = [{transform_indices = @transform_0, window_bounds = array<i64: 512, 1024>}, {transform_indices = @transform_1, window_bounds = array<i64: 512, 1>}, {transform_indices = @transform_2, window_bounds = array<i64: 512, 128>}]} {
    %get3A = arith.constant 0 : index
    %get3A_0 = arith.constant 0 : index
    %get3A_1 = vector.load %arg1[%get3A, %get3A_0] : memref<512x1024xf32, #tpu.memory_space<vmem>>, vector<512x1024xf32>
    %iota3A = tpu.iota {dimensions = array<i32: 1>} : vector<512x1024xi32>
    %iota3A_2 = tpu.iota {dimensions = array<i32: 1>} : vector<512x128xi32>
    %get3A_3 = arith.constant 0 : index
    %get3A_4 = arith.constant 0 : index
    %get3A_5 = vector.load %arg2[%get3A_3, %get3A_4] : memref<512x1xi32, #tpu.memory_space<vmem>>, vector<512x1xi32>
    %broadcast_in_dim3A = vector.shape_cast %get3A_5 : vector<512x1xi32> to vector<512x1xi32>
    %broadcast_in_dim3A_6 = vector.broadcast %broadcast_in_dim3A : vector<512x1xi32> to vector<512x128xi32>
    %reduce_max3A = arith.constant dense<0xFF800000> : vector<512xf32>
    %reduce_max3A_7 = vector.multi_reduction <maximumf>, %get3A_1, %reduce_max3A [1] : vector<512x1024xf32> to vector<512xf32>
    %broadcast_in_dim3A_8 = vector.shape_cast %reduce_max3A_7 : vector<512xf32> to vector<512x1xf32>
    %eq3A = vector.broadcast %broadcast_in_dim3A_8 : vector<512x1xf32> to vector<512x1024xf32>
    %eq3A_9 = arith.cmpf oeq, %get3A_1, %eq3A : vector<512x1024xf32>
    %jit3A = arith.constant 1024 : i32
    %broadcast_in_dim3A_10 = vector.broadcast %jit3A : i32 to vector<512x1024xi32>
    %select_n3A = arith.select %eq3A_9, %iota3A, %broadcast_in_dim3A_10 : vector<512x1024xi1>, vector<512x1024xi32>
    %reduce_min3A = arith.constant dense<2147483647> : vector<512xi32>
    %reduce_min3A_11 = vector.multi_reduction <minsi>, %select_n3A, %reduce_min3A [1] : vector<512x1024xi32> to vector<512xi32>
    %broadcast_in_dim3A_12 = vector.shape_cast %reduce_min3A_11 : vector<512xi32> to vector<512x1xi32>
    %eq3A_13 = arith.constant 0 : i32
    %eq3A_14 = vector.broadcast %eq3A_13 : i32 to vector<512x128xi32>
    %eq3A_15 = arith.cmpi eq, %iota3A_2, %eq3A_14 : vector<512x128xi32>
    %broadcast_in_dim3A_16 = vector.shape_cast %broadcast_in_dim3A_12 : vector<512x1xi32> to vector<512x1xi32>
    %broadcast_in_dim3A_17 = vector.broadcast %broadcast_in_dim3A_16 : vector<512x1xi32> to vector<512x128xi32>
    %select_n3A_18 = arith.select %eq3A_15, %broadcast_in_dim3A_17, %broadcast_in_dim3A_6 : vector<512x128xi1>, vector<512x128xi32>
    %eq3A_19 = vector.broadcast %broadcast_in_dim3A_12 : vector<512x1xi32> to vector<512x1024xi32>
    %eq3A_20 = arith.cmpi eq, %iota3A, %eq3A_19 : vector<512x1024xi32>
    %jit3A_21 = arith.constant 0xFF800000 : f32
    %broadcast_in_dim3A_22 = vector.broadcast %jit3A_21 : f32 to vector<512x1024xf32>
    %select_n3A_23 = arith.select %eq3A_20, %broadcast_in_dim3A_22, %get3A_1 : vector<512x1024xi1>, vector<512x1024xf32>
    %reduce_max3A_24 = arith.constant dense<0xFF800000> : vector<512xf32>
    %reduce_max3A_25 = vector.multi_reduction <maximumf>, %select_n3A_23, %reduce_max3A_24 [1] : vector<512x1024xf32> to vector<512xf32>
    %broadcast_in_dim3A_26 = vector.shape_cast %reduce_max3A_25 : vector<512xf32> to vector<512x1xf32>
    %eq3A_27 = vector.broadcast %broadcast_in_dim3A_26 : vector<512x1xf32> to vector<512x1024xf32>
    %eq3A_28 = arith.cmpf oeq, %select_n3A_23, %eq3A_27 : vector<512x1024xf32>
    %jit3A_29 = arith.constant 1024 : i32
    %broadcast_in_dim3A_30 = vector.broadcast %jit3A_29 : i32 to vector<512x1024xi32>
    %select_n3A_31 = arith.select %eq3A_28, %iota3A, %broadcast_in_dim3A_30 : vector<512x1024xi1>, vector<512x1024xi32>
    %reduce_min3A_32 = arith.constant dense<2147483647> : vector<512xi32>
    %reduce_min3A_33 = vector.multi_reduction <minsi>, %select_n3A_31, %reduce_min3A_32 [1] : vector<512x1024xi32> to vector<512xi32>
    %broadcast_in_dim3A_34 = vector.shape_cast %reduce_min3A_33 : vector<512xi32> to vector<512x1xi32>
    %eq3A_35 = arith.constant 1 : i32
    %eq3A_36 = vector.broadcast %eq3A_35 : i32 to vector<512x128xi32>
    %eq3A_37 = arith.cmpi eq, %iota3A_2, %eq3A_36 : vector<512x128xi32>
    %broadcast_in_dim3A_38 = vector.shape_cast %broadcast_in_dim3A_34 : vector<512x1xi32> to vector<512x1xi32>
    %broadcast_in_dim3A_39 = vector.broadcast %broadcast_in_dim3A_38 : vector<512x1xi32> to vector<512x128xi32>
    %select_n3A_40 = arith.select %eq3A_37, %broadcast_in_dim3A_39, %select_n3A_18 : vector<512x128xi1>, vector<512x128xi32>
    %eq3A_41 = vector.broadcast %broadcast_in_dim3A_34 : vector<512x1xi32> to vector<512x1024xi32>
    %eq3A_42 = arith.cmpi eq, %iota3A, %eq3A_41 : vector<512x1024xi32>
    %jit3A_43 = arith.constant 0xFF800000 : f32
    %broadcast_in_dim3A_44 = vector.broadcast %jit3A_43 : f32 to vector<512x1024xf32>
    %select_n3A_45 = arith.select %eq3A_42, %broadcast_in_dim3A_44, %select_n3A_23 : vector<512x1024xi1>, vector<512x1024xf32>
    %reduce_max3A_46 = arith.constant dense<0xFF800000> : vector<512xf32>
    %reduce_max3A_47 = vector.multi_reduction <maximumf>, %select_n3A_45, %reduce_max3A_46 [1] : vector<512x1024xf32> to vector<512xf32>
    %broadcast_in_dim3A_48 = vector.shape_cast %reduce_max3A_47 : vector<512xf32> to vector<512x1xf32>
    %eq3A_49 = vector.broadcast %broadcast_in_dim3A_48 : vector<512x1xf32> to vector<512x1024xf32>
    %eq3A_50 = arith.cmpf oeq, %select_n3A_45, %eq3A_49 : vector<512x1024xf32>
    %jit3A_51 = arith.constant 1024 : i32
    %broadcast_in_dim3A_52 = vector.broadcast %jit3A_51 : i32 to vector<512x1024xi32>
    %select_n3A_53 = arith.select %eq3A_50, %iota3A, %broadcast_in_dim3A_52 : vector<512x1024xi1>, vector<512x1024xi32>
    %reduce_min3A_54 = arith.constant dense<2147483647> : vector<512xi32>
    %reduce_min3A_55 = vector.multi_reduction <minsi>, %select_n3A_53, %reduce_min3A_54 [1] : vector<512x1024xi32> to vector<512xi32>
    %broadcast_in_dim3A_56 = vector.shape_cast %reduce_min3A_55 : vector<512xi32> to vector<512x1xi32>
    %eq3A_57 = arith.constant 2 : i32
    %eq3A_58 = vector.broadcast %eq3A_57 : i32 to vector<512x128xi32>
    %eq3A_59 = arith.cmpi eq, %iota3A_2, %eq3A_58 : vector<512x128xi32>
    %broadcast_in_dim3A_60 = vector.shape_cast %broadcast_in_dim3A_56 : vector<512x1xi32> to vector<512x1xi32>
    %broadcast_in_dim3A_61 = vector.broadcast %broadcast_in_dim3A_60 : vector<512x1xi32> to vector<512x128xi32>
    %select_n3A_62 = arith.select %eq3A_59, %broadcast_in_dim3A_61, %select_n3A_40 : vector<512x128xi1>, vector<512x128xi32>
    %eq3A_63 = vector.broadcast %broadcast_in_dim3A_56 : vector<512x1xi32> to vector<512x1024xi32>
    %eq3A_64 = arith.cmpi eq, %iota3A, %eq3A_63 : vector<512x1024xi32>
    %jit3A_65 = arith.constant 0xFF800000 : f32
    %broadcast_in_dim3A_66 = vector.broadcast %jit3A_65 : f32 to vector<512x1024xf32>
    %select_n3A_67 = arith.select %eq3A_64, %broadcast_in_dim3A_66, %select_n3A_45 : vector<512x1024xi1>, vector<512x1024xf32>
    %reduce_max3A_68 = arith.constant dense<0xFF800000> : vector<512xf32>
    %reduce_max3A_69 = vector.multi_reduction <maximumf>, %select_n3A_67, %reduce_max3A_68 [1] : vector<512x1024xf32> to vector<512xf32>
    %broadcast_in_dim3A_70 = vector.shape_cast %reduce_max3A_69 : vector<512xf32> to vector<512x1xf32>
    %eq3A_71 = vector.broadcast %broadcast_in_dim3A_70 : vector<512x1xf32> to vector<512x1024xf32>
    %eq3A_72 = arith.cmpf oeq, %select_n3A_67, %eq3A_71 : vector<512x1024xf32>
    %jit3A_73 = arith.constant 1024 : i32
    %broadcast_in_dim3A_74 = vector.broadcast %jit3A_73 : i32 to vector<512x1024xi32>
    %select_n3A_75 = arith.select %eq3A_72, %iota3A, %broadcast_in_dim3A_74 : vector<512x1024xi1>, vector<512x1024xi32>
    %reduce_min3A_76 = arith.constant dense<2147483647> : vector<512xi32>
    %reduce_min3A_77 = vector.multi_reduction <minsi>, %select_n3A_75, %reduce_min3A_76 [1] : vector<512x1024xi32> to vector<512xi32>
    %broadcast_in_dim3A_78 = vector.shape_cast %reduce_min3A_77 : vector<512xi32> to vector<512x1xi32>
    %eq3A_79 = arith.constant 3 : i32
    %eq3A_80 = vector.broadcast %eq3A_79 : i32 to vector<512x128xi32>
    %eq3A_81 = arith.cmpi eq, %iota3A_2, %eq3A_80 : vector<512x128xi32>
    %broadcast_in_dim3A_82 = vector.shape_cast %broadcast_in_dim3A_78 : vector<512x1xi32> to vector<512x1xi32>
    %broadcast_in_dim3A_83 = vector.broadcast %broadcast_in_dim3A_82 : vector<512x1xi32> to vector<512x128xi32>
    %select_n3A_84 = arith.select %eq3A_81, %broadcast_in_dim3A_83, %select_n3A_62 : vector<512x128xi1>, vector<512x128xi32>
    %eq3A_85 = vector.broadcast %broadcast_in_dim3A_78 : vector<512x1xi32> to vector<512x1024xi32>
    %eq3A_86 = arith.cmpi eq, %iota3A, %eq3A_85 : vector<512x1024xi32>
    %jit3A_87 = arith.constant 0xFF800000 : f32
    %broadcast_in_dim3A_88 = vector.broadcast %jit3A_87 : f32 to vector<512x1024xf32>
    %select_n3A_89 = arith.select %eq3A_86, %broadcast_in_dim3A_88, %select_n3A_67 : vector<512x1024xi1>, vector<512x1024xf32>
    %reduce_max3A_90 = arith.constant dense<0xFF800000> : vector<512xf32>
    %reduce_max3A_91 = vector.multi_reduction <maximumf>, %select_n3A_89, %reduce_max3A_90 [1] : vector<512x1024xf32> to vector<512xf32>
    %broadcast_in_dim3A_92 = vector.shape_cast %reduce_max3A_91 : vector<512xf32> to vector<512x1xf32>
    %eq3A_93 = vector.broadcast %broadcast_in_dim3A_92 : vector<512x1xf32> to vector<512x1024xf32>
    %eq3A_94 = arith.cmpf oeq, %select_n3A_89, %eq3A_93 : vector<512x1024xf32>
    %jit3A_95 = arith.constant 1024 : i32
    %broadcast_in_dim3A_96 = vector.broadcast %jit3A_95 : i32 to vector<512x1024xi32>
    %select_n3A_97 = arith.select %eq3A_94, %iota3A, %broadcast_in_dim3A_96 : vector<512x1024xi1>, vector<512x1024xi32>
    %reduce_min3A_98 = arith.constant dense<2147483647> : vector<512xi32>
    %reduce_min3A_99 = vector.multi_reduction <minsi>, %select_n3A_97, %reduce_min3A_98 [1] : vector<512x1024xi32> to vector<512xi32>
    %broadcast_in_dim3A_100 = vector.shape_cast %reduce_min3A_99 : vector<512xi32> to vector<512x1xi32>
    %eq3A_101 = arith.constant 4 : i32
    %eq3A_102 = vector.broadcast %eq3A_101 : i32 to vector<512x128xi32>
    %eq3A_103 = arith.cmpi eq, %iota3A_2, %eq3A_102 : vector<512x128xi32>
    %broadcast_in_dim3A_104 = vector.shape_cast %broadcast_in_dim3A_100 : vector<512x1xi32> to vector<512x1xi32>
    %broadcast_in_dim3A_105 = vector.broadcast %broadcast_in_dim3A_104 : vector<512x1xi32> to vector<512x128xi32>
    %select_n3A_106 = arith.select %eq3A_103, %broadcast_in_dim3A_105, %select_n3A_84 : vector<512x128xi1>, vector<512x128xi32>
    %eq3A_107 = vector.broadcast %broadcast_in_dim3A_100 : vector<512x1xi32> to vector<512x1024xi32>
    %eq3A_108 = arith.cmpi eq, %iota3A, %eq3A_107 : vector<512x1024xi32>
    %jit3A_109 = arith.constant 0xFF800000 : f32
    %broadcast_in_dim3A_110 = vector.broadcast %jit3A_109 : f32 to vector<512x1024xf32>
    %select_n3A_111 = arith.select %eq3A_108, %broadcast_in_dim3A_110, %select_n3A_89 : vector<512x1024xi1>, vector<512x1024xf32>
    %reduce_max3A_112 = arith.constant dense<0xFF800000> : vector<512xf32>
    %reduce_max3A_113 = vector.multi_reduction <maximumf>, %select_n3A_111, %reduce_max3A_112 [1] : vector<512x1024xf32> to vector<512xf32>
    %broadcast_in_dim3A_114 = vector.shape_cast %reduce_max3A_113 : vector<512xf32> to vector<512x1xf32>
    %eq3A_115 = vector.broadcast %broadcast_in_dim3A_114 : vector<512x1xf32> to vector<512x1024xf32>
    %eq3A_116 = arith.cmpf oeq, %select_n3A_111, %eq3A_115 : vector<512x1024xf32>
    %jit3A_117 = arith.constant 1024 : i32
    %broadcast_in_dim3A_118 = vector.broadcast %jit3A_117 : i32 to vector<512x1024xi32>
    %select_n3A_119 = arith.select %eq3A_116, %iota3A, %broadcast_in_dim3A_118 : vector<512x1024xi1>, vector<512x1024xi32>
    %reduce_min3A_120 = arith.constant dense<2147483647> : vector<512xi32>
    %reduce_min3A_121 = vector.multi_reduction <minsi>, %select_n3A_119, %reduce_min3A_120 [1] : vector<512x1024xi32> to vector<512xi32>
    %broadcast_in_dim3A_122 = vector.shape_cast %reduce_min3A_121 : vector<512xi32> to vector<512x1xi32>
    %eq3A_123 = arith.constant 5 : i32
    %eq3A_124 = vector.broadcast %eq3A_123 : i32 to vector<512x128xi32>
    %eq3A_125 = arith.cmpi eq, %iota3A_2, %eq3A_124 : vector<512x128xi32>
    %broadcast_in_dim3A_126 = vector.shape_cast %broadcast_in_dim3A_122 : vector<512x1xi32> to vector<512x1xi32>
    %broadcast_in_dim3A_127 = vector.broadcast %broadcast_in_dim3A_126 : vector<512x1xi32> to vector<512x128xi32>
    %select_n3A_128 = arith.select %eq3A_125, %broadcast_in_dim3A_127, %select_n3A_106 : vector<512x128xi1>, vector<512x128xi32>
    %eq3A_129 = vector.broadcast %broadcast_in_dim3A_122 : vector<512x1xi32> to vector<512x1024xi32>
    %eq3A_130 = arith.cmpi eq, %iota3A, %eq3A_129 : vector<512x1024xi32>
    %jit3A_131 = arith.constant 0xFF800000 : f32
    %broadcast_in_dim3A_132 = vector.broadcast %jit3A_131 : f32 to vector<512x1024xf32>
    %select_n3A_133 = arith.select %eq3A_130, %broadcast_in_dim3A_132, %select_n3A_111 : vector<512x1024xi1>, vector<512x1024xf32>
    %reduce_max3A_134 = arith.constant dense<0xFF800000> : vector<512xf32>
    %reduce_max3A_135 = vector.multi_reduction <maximumf>, %select_n3A_133, %reduce_max3A_134 [1] : vector<512x1024xf32> to vector<512xf32>
    %broadcast_in_dim3A_136 = vector.shape_cast %reduce_max3A_135 : vector<512xf32> to vector<512x1xf32>
    %eq3A_137 = vector.broadcast %broadcast_in_dim3A_136 : vector<512x1xf32> to vector<512x1024xf32>
    %eq3A_138 = arith.cmpf oeq, %select_n3A_133, %eq3A_137 : vector<512x1024xf32>
    %jit3A_139 = arith.constant 1024 : i32
    %broadcast_in_dim3A_140 = vector.broadcast %jit3A_139 : i32 to vector<512x1024xi32>
    %select_n3A_141 = arith.select %eq3A_138, %iota3A, %broadcast_in_dim3A_140 : vector<512x1024xi1>, vector<512x1024xi32>
    %reduce_min3A_142 = arith.constant dense<2147483647> : vector<512xi32>
    %reduce_min3A_143 = vector.multi_reduction <minsi>, %select_n3A_141, %reduce_min3A_142 [1] : vector<512x1024xi32> to vector<512xi32>
    %broadcast_in_dim3A_144 = vector.shape_cast %reduce_min3A_143 : vector<512xi32> to vector<512x1xi32>
    %eq3A_145 = arith.constant 6 : i32
    %eq3A_146 = vector.broadcast %eq3A_145 : i32 to vector<512x128xi32>
    %eq3A_147 = arith.cmpi eq, %iota3A_2, %eq3A_146 : vector<512x128xi32>
    %broadcast_in_dim3A_148 = vector.shape_cast %broadcast_in_dim3A_144 : vector<512x1xi32> to vector<512x1xi32>
    %broadcast_in_dim3A_149 = vector.broadcast %broadcast_in_dim3A_148 : vector<512x1xi32> to vector<512x128xi32>
    %select_n3A_150 = arith.select %eq3A_147, %broadcast_in_dim3A_149, %select_n3A_128 : vector<512x128xi1>, vector<512x128xi32>
    %eq3A_151 = vector.broadcast %broadcast_in_dim3A_144 : vector<512x1xi32> to vector<512x1024xi32>
    %eq3A_152 = arith.cmpi eq, %iota3A, %eq3A_151 : vector<512x1024xi32>
    %jit3A_153 = arith.constant 0xFF800000 : f32
    %broadcast_in_dim3A_154 = vector.broadcast %jit3A_153 : f32 to vector<512x1024xf32>
    %select_n3A_155 = arith.select %eq3A_152, %broadcast_in_dim3A_154, %select_n3A_133 : vector<512x1024xi1>, vector<512x1024xf32>
    %reduce_max3A_156 = arith.constant dense<0xFF800000> : vector<512xf32>
    %reduce_max3A_157 = vector.multi_reduction <maximumf>, %select_n3A_155, %reduce_max3A_156 [1] : vector<512x1024xf32> to vector<512xf32>
    %broadcast_in_dim3A_158 = vector.shape_cast %reduce_max3A_157 : vector<512xf32> to vector<512x1xf32>
    %eq3A_159 = vector.broadcast %broadcast_in_dim3A_158 : vector<512x1xf32> to vector<512x1024xf32>
    %eq3A_160 = arith.cmpf oeq, %select_n3A_155, %eq3A_159 : vector<512x1024xf32>
    %jit3A_161 = arith.constant 1024 : i32
    %broadcast_in_dim3A_162 = vector.broadcast %jit3A_161 : i32 to vector<512x1024xi32>
    %select_n3A_163 = arith.select %eq3A_160, %iota3A, %broadcast_in_dim3A_162 : vector<512x1024xi1>, vector<512x1024xi32>
    %reduce_min3A_164 = arith.constant dense<2147483647> : vector<512xi32>
    %reduce_min3A_165 = vector.multi_reduction <minsi>, %select_n3A_163, %reduce_min3A_164 [1] : vector<512x1024xi32> to vector<512xi32>
    %broadcast_in_dim3A_166 = vector.shape_cast %reduce_min3A_165 : vector<512xi32> to vector<512x1xi32>
    %eq3A_167 = arith.constant 7 : i32
    %eq3A_168 = vector.broadcast %eq3A_167 : i32 to vector<512x128xi32>
    %eq3A_169 = arith.cmpi eq, %iota3A_2, %eq3A_168 : vector<512x128xi32>
    %broadcast_in_dim3A_170 = vector.shape_cast %broadcast_in_dim3A_166 : vector<512x1xi32> to vector<512x1xi32>
    %broadcast_in_dim3A_171 = vector.broadcast %broadcast_in_dim3A_170 : vector<512x1xi32> to vector<512x128xi32>
    %select_n3A_172 = arith.select %eq3A_169, %broadcast_in_dim3A_171, %select_n3A_150 : vector<512x128xi1>, vector<512x128xi32>
    %eq3A_173 = vector.broadcast %broadcast_in_dim3A_166 : vector<512x1xi32> to vector<512x1024xi32>
    %eq3A_174 = arith.cmpi eq, %iota3A, %eq3A_173 : vector<512x1024xi32>
    %jit3A_175 = arith.constant 0xFF800000 : f32
    %broadcast_in_dim3A_176 = vector.broadcast %jit3A_175 : f32 to vector<512x1024xf32>
    %select_n3A_177 = arith.select %eq3A_174, %broadcast_in_dim3A_176, %select_n3A_155 : vector<512x1024xi1>, vector<512x1024xf32>
    %reduce_max3A_178 = arith.constant dense<0xFF800000> : vector<512xf32>
    %reduce_max3A_179 = vector.multi_reduction <maximumf>, %select_n3A_177, %reduce_max3A_178 [1] : vector<512x1024xf32> to vector<512xf32>
    %broadcast_in_dim3A_180 = vector.shape_cast %reduce_max3A_179 : vector<512xf32> to vector<512x1xf32>
    %eq3A_181 = vector.broadcast %broadcast_in_dim3A_180 : vector<512x1xf32> to vector<512x1024xf32>
    %eq3A_182 = arith.cmpf oeq, %select_n3A_177, %eq3A_181 : vector<512x1024xf32>
    %jit3A_183 = arith.constant 1024 : i32
    %broadcast_in_dim3A_184 = vector.broadcast %jit3A_183 : i32 to vector<512x1024xi32>
    %select_n3A_185 = arith.select %eq3A_182, %iota3A, %broadcast_in_dim3A_184 : vector<512x1024xi1>, vector<512x1024xi32>
    %reduce_min3A_186 = arith.constant dense<2147483647> : vector<512xi32>
    %reduce_min3A_187 = vector.multi_reduction <minsi>, %select_n3A_185, %reduce_min3A_186 [1] : vector<512x1024xi32> to vector<512xi32>
    %broadcast_in_dim3A_188 = vector.shape_cast %reduce_min3A_187 : vector<512xi32> to vector<512x1xi32>
    %eq3A_189 = arith.constant 8 : i32
    %eq3A_190 = vector.broadcast %eq3A_189 : i32 to vector<512x128xi32>
    %eq3A_191 = arith.cmpi eq, %iota3A_2, %eq3A_190 : vector<512x128xi32>
    %broadcast_in_dim3A_192 = vector.shape_cast %broadcast_in_dim3A_188 : vector<512x1xi32> to vector<512x1xi32>
    %broadcast_in_dim3A_193 = vector.broadcast %broadcast_in_dim3A_192 : vector<512x1xi32> to vector<512x128xi32>
    %select_n3A_194 = arith.select %eq3A_191, %broadcast_in_dim3A_193, %select_n3A_172 : vector<512x128xi1>, vector<512x128xi32>
    %eq3A_195 = vector.broadcast %broadcast_in_dim3A_188 : vector<512x1xi32> to vector<512x1024xi32>
    %eq3A_196 = arith.cmpi eq, %iota3A, %eq3A_195 : vector<512x1024xi32>
    %jit3A_197 = arith.constant 0xFF800000 : f32
    %broadcast_in_dim3A_198 = vector.broadcast %jit3A_197 : f32 to vector<512x1024xf32>
    %select_n3A_199 = arith.select %eq3A_196, %broadcast_in_dim3A_198, %select_n3A_177 : vector<512x1024xi1>, vector<512x1024xf32>
    %reduce_max3A_200 = arith.constant dense<0xFF800000> : vector<512xf32>
    %reduce_max3A_201 = vector.multi_reduction <maximumf>, %select_n3A_199, %reduce_max3A_200 [1] : vector<512x1024xf32> to vector<512xf32>
    %broadcast_in_dim3A_202 = vector.shape_cast %reduce_max3A_201 : vector<512xf32> to vector<512x1xf32>
    %eq3A_203 = vector.broadcast %broadcast_in_dim3A_202 : vector<512x1xf32> to vector<512x1024xf32>
    %eq3A_204 = arith.cmpf oeq, %select_n3A_199, %eq3A_203 : vector<512x1024xf32>
    %jit3A_205 = arith.constant 1024 : i32
    %broadcast_in_dim3A_206 = vector.broadcast %jit3A_205 : i32 to vector<512x1024xi32>
    %select_n3A_207 = arith.select %eq3A_204, %iota3A, %broadcast_in_dim3A_206 : vector<512x1024xi1>, vector<512x1024xi32>
    %reduce_min3A_208 = arith.constant dense<2147483647> : vector<512xi32>
    %reduce_min3A_209 = vector.multi_reduction <minsi>, %select_n3A_207, %reduce_min3A_208 [1] : vector<512x1024xi32> to vector<512xi32>
    %broadcast_in_dim3A_210 = vector.shape_cast %reduce_min3A_209 : vector<512xi32> to vector<512x1xi32>
    %eq3A_211 = arith.constant 9 : i32
    %eq3A_212 = vector.broadcast %eq3A_211 : i32 to vector<512x128xi32>
    %eq3A_213 = arith.cmpi eq, %iota3A_2, %eq3A_212 : vector<512x128xi32>
    %broadcast_in_dim3A_214 = vector.shape_cast %broadcast_in_dim3A_210 : vector<512x1xi32> to vector<512x1xi32>
    %broadcast_in_dim3A_215 = vector.broadcast %broadcast_in_dim3A_214 : vector<512x1xi32> to vector<512x128xi32>
    %select_n3A_216 = arith.select %eq3A_213, %broadcast_in_dim3A_215, %select_n3A_194 : vector<512x128xi1>, vector<512x128xi32>
    %eq3A_217 = vector.broadcast %broadcast_in_dim3A_210 : vector<512x1xi32> to vector<512x1024xi32>
    %eq3A_218 = arith.cmpi eq, %iota3A, %eq3A_217 : vector<512x1024xi32>
    %jit3A_219 = arith.constant 0xFF800000 : f32
    %broadcast_in_dim3A_220 = vector.broadcast %jit3A_219 : f32 to vector<512x1024xf32>
    %select_n3A_221 = arith.select %eq3A_218, %broadcast_in_dim3A_220, %select_n3A_199 : vector<512x1024xi1>, vector<512x1024xf32>
    %reduce_max3A_222 = arith.constant dense<0xFF800000> : vector<512xf32>
    %reduce_max3A_223 = vector.multi_reduction <maximumf>, %select_n3A_221, %reduce_max3A_222 [1] : vector<512x1024xf32> to vector<512xf32>
    %broadcast_in_dim3A_224 = vector.shape_cast %reduce_max3A_223 : vector<512xf32> to vector<512x1xf32>
    %eq3A_225 = vector.broadcast %broadcast_in_dim3A_224 : vector<512x1xf32> to vector<512x1024xf32>
    %eq3A_226 = arith.cmpf oeq, %select_n3A_221, %eq3A_225 : vector<512x1024xf32>
    %jit3A_227 = arith.constant 1024 : i32
    %broadcast_in_dim3A_228 = vector.broadcast %jit3A_227 : i32 to vector<512x1024xi32>
    %select_n3A_229 = arith.select %eq3A_226, %iota3A, %broadcast_in_dim3A_228 : vector<512x1024xi1>, vector<512x1024xi32>
    %reduce_min3A_230 = arith.constant dense<2147483647> : vector<512xi32>
    %reduce_min3A_231 = vector.multi_reduction <minsi>, %select_n3A_229, %reduce_min3A_230 [1] : vector<512x1024xi32> to vector<512xi32>
    %broadcast_in_dim3A_232 = vector.shape_cast %reduce_min3A_231 : vector<512xi32> to vector<512x1xi32>
    %eq3A_233 = arith.constant 10 : i32
    %eq3A_234 = vector.broadcast %eq3A_233 : i32 to vector<512x128xi32>
    %eq3A_235 = arith.cmpi eq, %iota3A_2, %eq3A_234 : vector<512x128xi32>
    %broadcast_in_dim3A_236 = vector.shape_cast %broadcast_in_dim3A_232 : vector<512x1xi32> to vector<512x1xi32>
    %broadcast_in_dim3A_237 = vector.broadcast %broadcast_in_dim3A_236 : vector<512x1xi32> to vector<512x128xi32>
    %select_n3A_238 = arith.select %eq3A_235, %broadcast_in_dim3A_237, %select_n3A_216 : vector<512x128xi1>, vector<512x128xi32>
    %eq3A_239 = vector.broadcast %broadcast_in_dim3A_232 : vector<512x1xi32> to vector<512x1024xi32>
    %eq3A_240 = arith.cmpi eq, %iota3A, %eq3A_239 : vector<512x1024xi32>
    %jit3A_241 = arith.constant 0xFF800000 : f32
    %broadcast_in_dim3A_242 = vector.broadcast %jit3A_241 : f32 to vector<512x1024xf32>
    %select_n3A_243 = arith.select %eq3A_240, %broadcast_in_dim3A_242, %select_n3A_221 : vector<512x1024xi1>, vector<512x1024xf32>
    %reduce_max3A_244 = arith.constant dense<0xFF800000> : vector<512xf32>
    %reduce_max3A_245 = vector.multi_reduction <maximumf>, %select_n3A_243, %reduce_max3A_244 [1] : vector<512x1024xf32> to vector<512xf32>
    %broadcast_in_dim3A_246 = vector.shape_cast %reduce_max3A_245 : vector<512xf32> to vector<512x1xf32>
    %eq3A_247 = vector.broadcast %broadcast_in_dim3A_246 : vector<512x1xf32> to vector<512x1024xf32>
    %eq3A_248 = arith.cmpf oeq, %select_n3A_243, %eq3A_247 : vector<512x1024xf32>
    %jit3A_249 = arith.constant 1024 : i32
    %broadcast_in_dim3A_250 = vector.broadcast %jit3A_249 : i32 to vector<512x1024xi32>
    %select_n3A_251 = arith.select %eq3A_248, %iota3A, %broadcast_in_dim3A_250 : vector<512x1024xi1>, vector<512x1024xi32>
    %reduce_min3A_252 = arith.constant dense<2147483647> : vector<512xi32>
    %reduce_min3A_253 = vector.multi_reduction <minsi>, %select_n3A_251, %reduce_min3A_252 [1] : vector<512x1024xi32> to vector<512xi32>
    %broadcast_in_dim3A_254 = vector.shape_cast %reduce_min3A_253 : vector<512xi32> to vector<512x1xi32>
    %eq3A_255 = arith.constant 11 : i32
    %eq3A_256 = vector.broadcast %eq3A_255 : i32 to vector<512x128xi32>
    %eq3A_257 = arith.cmpi eq, %iota3A_2, %eq3A_256 : vector<512x128xi32>
    %broadcast_in_dim3A_258 = vector.shape_cast %broadcast_in_dim3A_254 : vector<512x1xi32> to vector<512x1xi32>
    %broadcast_in_dim3A_259 = vector.broadcast %broadcast_in_dim3A_258 : vector<512x1xi32> to vector<512x128xi32>
    %select_n3A_260 = arith.select %eq3A_257, %broadcast_in_dim3A_259, %select_n3A_238 : vector<512x128xi1>, vector<512x128xi32>
    %eq3A_261 = vector.broadcast %broadcast_in_dim3A_254 : vector<512x1xi32> to vector<512x1024xi32>
    %eq3A_262 = arith.cmpi eq, %iota3A, %eq3A_261 : vector<512x1024xi32>
    %jit3A_263 = arith.constant 0xFF800000 : f32
    %broadcast_in_dim3A_264 = vector.broadcast %jit3A_263 : f32 to vector<512x1024xf32>
    %select_n3A_265 = arith.select %eq3A_262, %broadcast_in_dim3A_264, %select_n3A_243 : vector<512x1024xi1>, vector<512x1024xf32>
    %reduce_max3A_266 = arith.constant dense<0xFF800000> : vector<512xf32>
    %reduce_max3A_267 = vector.multi_reduction <maximumf>, %select_n3A_265, %reduce_max3A_266 [1] : vector<512x1024xf32> to vector<512xf32>
    %broadcast_in_dim3A_268 = vector.shape_cast %reduce_max3A_267 : vector<512xf32> to vector<512x1xf32>
    %eq3A_269 = vector.broadcast %broadcast_in_dim3A_268 : vector<512x1xf32> to vector<512x1024xf32>
    %eq3A_270 = arith.cmpf oeq, %select_n3A_265, %eq3A_269 : vector<512x1024xf32>
    %jit3A_271 = arith.constant 1024 : i32
    %broadcast_in_dim3A_272 = vector.broadcast %jit3A_271 : i32 to vector<512x1024xi32>
    %select_n3A_273 = arith.select %eq3A_270, %iota3A, %broadcast_in_dim3A_272 : vector<512x1024xi1>, vector<512x1024xi32>
    %reduce_min3A_274 = arith.constant dense<2147483647> : vector<512xi32>
    %reduce_min3A_275 = vector.multi_reduction <minsi>, %select_n3A_273, %reduce_min3A_274 [1] : vector<512x1024xi32> to vector<512xi32>
    %broadcast_in_dim3A_276 = vector.shape_cast %reduce_min3A_275 : vector<512xi32> to vector<512x1xi32>
    %eq3A_277 = arith.constant 12 : i32
    %eq3A_278 = vector.broadcast %eq3A_277 : i32 to vector<512x128xi32>
    %eq3A_279 = arith.cmpi eq, %iota3A_2, %eq3A_278 : vector<512x128xi32>
    %broadcast_in_dim3A_280 = vector.shape_cast %broadcast_in_dim3A_276 : vector<512x1xi32> to vector<512x1xi32>
    %broadcast_in_dim3A_281 = vector.broadcast %broadcast_in_dim3A_280 : vector<512x1xi32> to vector<512x128xi32>
    %select_n3A_282 = arith.select %eq3A_279, %broadcast_in_dim3A_281, %select_n3A_260 : vector<512x128xi1>, vector<512x128xi32>
    %eq3A_283 = vector.broadcast %broadcast_in_dim3A_276 : vector<512x1xi32> to vector<512x1024xi32>
    %eq3A_284 = arith.cmpi eq, %iota3A, %eq3A_283 : vector<512x1024xi32>
    %jit3A_285 = arith.constant 0xFF800000 : f32
    %broadcast_in_dim3A_286 = vector.broadcast %jit3A_285 : f32 to vector<512x1024xf32>
    %select_n3A_287 = arith.select %eq3A_284, %broadcast_in_dim3A_286, %select_n3A_265 : vector<512x1024xi1>, vector<512x1024xf32>
    %reduce_max3A_288 = arith.constant dense<0xFF800000> : vector<512xf32>
    %reduce_max3A_289 = vector.multi_reduction <maximumf>, %select_n3A_287, %reduce_max3A_288 [1] : vector<512x1024xf32> to vector<512xf32>
    %broadcast_in_dim3A_290 = vector.shape_cast %reduce_max3A_289 : vector<512xf32> to vector<512x1xf32>
    %eq3A_291 = vector.broadcast %broadcast_in_dim3A_290 : vector<512x1xf32> to vector<512x1024xf32>
    %eq3A_292 = arith.cmpf oeq, %select_n3A_287, %eq3A_291 : vector<512x1024xf32>
    %jit3A_293 = arith.constant 1024 : i32
    %broadcast_in_dim3A_294 = vector.broadcast %jit3A_293 : i32 to vector<512x1024xi32>
    %select_n3A_295 = arith.select %eq3A_292, %iota3A, %broadcast_in_dim3A_294 : vector<512x1024xi1>, vector<512x1024xi32>
    %reduce_min3A_296 = arith.constant dense<2147483647> : vector<512xi32>
    %reduce_min3A_297 = vector.multi_reduction <minsi>, %select_n3A_295, %reduce_min3A_296 [1] : vector<512x1024xi32> to vector<512xi32>
    %broadcast_in_dim3A_298 = vector.shape_cast %reduce_min3A_297 : vector<512xi32> to vector<512x1xi32>
    %eq3A_299 = arith.constant 13 : i32
    %eq3A_300 = vector.broadcast %eq3A_299 : i32 to vector<512x128xi32>
    %eq3A_301 = arith.cmpi eq, %iota3A_2, %eq3A_300 : vector<512x128xi32>
    %broadcast_in_dim3A_302 = vector.shape_cast %broadcast_in_dim3A_298 : vector<512x1xi32> to vector<512x1xi32>
    %broadcast_in_dim3A_303 = vector.broadcast %broadcast_in_dim3A_302 : vector<512x1xi32> to vector<512x128xi32>
    %select_n3A_304 = arith.select %eq3A_301, %broadcast_in_dim3A_303, %select_n3A_282 : vector<512x128xi1>, vector<512x128xi32>
    %eq3A_305 = vector.broadcast %broadcast_in_dim3A_298 : vector<512x1xi32> to vector<512x1024xi32>
    %eq3A_306 = arith.cmpi eq, %iota3A, %eq3A_305 : vector<512x1024xi32>
    %jit3A_307 = arith.constant 0xFF800000 : f32
    %broadcast_in_dim3A_308 = vector.broadcast %jit3A_307 : f32 to vector<512x1024xf32>
    %select_n3A_309 = arith.select %eq3A_306, %broadcast_in_dim3A_308, %select_n3A_287 : vector<512x1024xi1>, vector<512x1024xf32>
    %reduce_max3A_310 = arith.constant dense<0xFF800000> : vector<512xf32>
    %reduce_max3A_311 = vector.multi_reduction <maximumf>, %select_n3A_309, %reduce_max3A_310 [1] : vector<512x1024xf32> to vector<512xf32>
    %broadcast_in_dim3A_312 = vector.shape_cast %reduce_max3A_311 : vector<512xf32> to vector<512x1xf32>
    %eq3A_313 = vector.broadcast %broadcast_in_dim3A_312 : vector<512x1xf32> to vector<512x1024xf32>
    %eq3A_314 = arith.cmpf oeq, %select_n3A_309, %eq3A_313 : vector<512x1024xf32>
    %jit3A_315 = arith.constant 1024 : i32
    %broadcast_in_dim3A_316 = vector.broadcast %jit3A_315 : i32 to vector<512x1024xi32>
    %select_n3A_317 = arith.select %eq3A_314, %iota3A, %broadcast_in_dim3A_316 : vector<512x1024xi1>, vector<512x1024xi32>
    %reduce_min3A_318 = arith.constant dense<2147483647> : vector<512xi32>
    %reduce_min3A_319 = vector.multi_reduction <minsi>, %select_n3A_317, %reduce_min3A_318 [1] : vector<512x1024xi32> to vector<512xi32>
    %broadcast_in_dim3A_320 = vector.shape_cast %reduce_min3A_319 : vector<512xi32> to vector<512x1xi32>
    %eq3A_321 = arith.constant 14 : i32
    %eq3A_322 = vector.broadcast %eq3A_321 : i32 to vector<512x128xi32>
    %eq3A_323 = arith.cmpi eq, %iota3A_2, %eq3A_322 : vector<512x128xi32>
    %broadcast_in_dim3A_324 = vector.shape_cast %broadcast_in_dim3A_320 : vector<512x1xi32> to vector<512x1xi32>
    %broadcast_in_dim3A_325 = vector.broadcast %broadcast_in_dim3A_324 : vector<512x1xi32> to vector<512x128xi32>
    %select_n3A_326 = arith.select %eq3A_323, %broadcast_in_dim3A_325, %select_n3A_304 : vector<512x128xi1>, vector<512x128xi32>
    %eq3A_327 = vector.broadcast %broadcast_in_dim3A_320 : vector<512x1xi32> to vector<512x1024xi32>
    %eq3A_328 = arith.cmpi eq, %iota3A, %eq3A_327 : vector<512x1024xi32>
    %jit3A_329 = arith.constant 0xFF800000 : f32
    %broadcast_in_dim3A_330 = vector.broadcast %jit3A_329 : f32 to vector<512x1024xf32>
    %select_n3A_331 = arith.select %eq3A_328, %broadcast_in_dim3A_330, %select_n3A_309 : vector<512x1024xi1>, vector<512x1024xf32>
    %reduce_max3A_332 = arith.constant dense<0xFF800000> : vector<512xf32>
    %reduce_max3A_333 = vector.multi_reduction <maximumf>, %select_n3A_331, %reduce_max3A_332 [1] : vector<512x1024xf32> to vector<512xf32>
    %broadcast_in_dim3A_334 = vector.shape_cast %reduce_max3A_333 : vector<512xf32> to vector<512x1xf32>
    %eq3A_335 = vector.broadcast %broadcast_in_dim3A_334 : vector<512x1xf32> to vector<512x1024xf32>
    %eq3A_336 = arith.cmpf oeq, %select_n3A_331, %eq3A_335 : vector<512x1024xf32>
    %jit3A_337 = arith.constant 1024 : i32
    %broadcast_in_dim3A_338 = vector.broadcast %jit3A_337 : i32 to vector<512x1024xi32>
    %select_n3A_339 = arith.select %eq3A_336, %iota3A, %broadcast_in_dim3A_338 : vector<512x1024xi1>, vector<512x1024xi32>
    %reduce_min3A_340 = arith.constant dense<2147483647> : vector<512xi32>
    %reduce_min3A_341 = vector.multi_reduction <minsi>, %select_n3A_339, %reduce_min3A_340 [1] : vector<512x1024xi32> to vector<512xi32>
    %broadcast_in_dim3A_342 = vector.shape_cast %reduce_min3A_341 : vector<512xi32> to vector<512x1xi32>
    %eq3A_343 = arith.constant 15 : i32
    %eq3A_344 = vector.broadcast %eq3A_343 : i32 to vector<512x128xi32>
    %eq3A_345 = arith.cmpi eq, %iota3A_2, %eq3A_344 : vector<512x128xi32>
    %broadcast_in_dim3A_346 = vector.shape_cast %broadcast_in_dim3A_342 : vector<512x1xi32> to vector<512x1xi32>
    %broadcast_in_dim3A_347 = vector.broadcast %broadcast_in_dim3A_346 : vector<512x1xi32> to vector<512x128xi32>
    %select_n3A_348 = arith.select %eq3A_345, %broadcast_in_dim3A_347, %select_n3A_326 : vector<512x128xi1>, vector<512x128xi32>
    %swap3A = arith.constant 0 : index
    %swap3A_349 = arith.constant 0 : index
    %swap3A_350 = vector.load %arg3[%swap3A, %swap3A_349] : memref<512x128xi32, #tpu.memory_space<vmem>>, vector<512x128xi32>
    tpu.vector_store %arg3[%swap3A, %swap3A_349], %select_n3A_348 {strides = array<i32>} : memref<512x128xi32, #tpu.memory_space<vmem>>, vector<512x128xi32>,
    return
  }
  func.func @transform_0(%arg0: i32) -> (i32, i32) {
    %c0_i32 = arith.constant 0 : i32
    %c0_i32_0 = arith.constant 0 : i32
    return %arg0, %c0_i32 : i32, i32
  }
  func.func @transform_1(%arg0: i32) -> (i32, i32) {
    %c0_i32 = arith.constant 0 : i32
    %c0_i32_0 = arith.constant 0 : i32
    return %arg0, %c0_i32 : i32, i32
  }
  func.func @transform_2(%arg0: i32) -> (i32, i32) {
    %c0_i32 = arith.constant 0 : i32
    %c0_i32_0 = arith.constant 0 : i32
    return %arg0, %c0_i32 : i32, i32
  }
}

module attributes {stable_mosaic.version = 14 : i64} {
  func.func @_select_body(%arg0: i32, %arg1: memref<1024x2048xf32, #tpu.memory_space<vmem>>, %arg2: memref<1024x2048xf32, #tpu.memory_space<vmem>>, %arg3: memref<1024x2048xf32, #tpu.memory_space<vmem>>) attributes {dimension_semantics = [#tpu.dimension_semantics<arbitrary>], iteration_bounds = array<i64: 1>, scalar_prefetch = 0 : i64, scratch_operands = 0 : i64, tpu.core_type = #tpu.core_type<tc>, window_params = [{transform_indices = @transform_0, window_bounds = array<i64: 1024, 2048>}, {transform_indices = @transform_1, window_bounds = array<i64: 1024, 2048>}, {transform_indices = @transform_2, window_bounds = array<i64: 1024, 2048>}]} {
    %get3A = arith.constant 0 : index
    %get3A_0 = arith.constant 0 : index
    %get3A_1 = vector.load %arg1[%get3A, %get3A_0] : memref<1024x2048xf32, #tpu.memory_space<vmem>>, vector<1024x2048xf32>
    %bitcast_convert_type3A = tpu.bitcast %get3A_1 : vector<1024x2048xf32> -> vector<1024x2048xi32>
    %broadcast_in_dim3A = arith.constant 0 : i32
    %broadcast_in_dim3A_2 = vector.broadcast %broadcast_in_dim3A : i32 to vector<1024x1xi32>
    %scan3A = arith.constant 0 : i32
    %scan3A_3 = arith.constant 31 : i32
    %scan3A_4 = arith.addi %scan3A, %scan3A_3 : i32
    %scan3A_5 = arith.constant 1 : i32
    %scan3A_6 = scf.for %scan3A_15 = %scan3A to %scan3A_4 step %scan3A_5 iter_args(%scan3A_16 = %broadcast_in_dim3A_2) -> (vector<1024x1xi32>)  : i32 {
      %sub3A = arith.constant 30 : i32
      %sub3A_17 = arith.subi %sub3A, %scan3A_15 : i32
      %shift_left3A = arith.constant 1 : i32
      %shift_left3A_18 = arith.shli %shift_left3A, %sub3A_17 : i32
      %or3A = vector.broadcast %shift_left3A_18 : i32 to vector<1024x1xi32>
      %or3A_19 = arith.ori %scan3A_16, %or3A : vector<1024x1xi32>
      %ge3A_20 = vector.broadcast %or3A_19 : vector<1024x1xi32> to vector<1024x2048xi32>
      %ge3A_21 = arith.cmpi sge, %bitcast_convert_type3A, %ge3A_20 : vector<1024x2048xi32>
      %convert_element_type3A = arith.extui %ge3A_21 : vector<1024x2048xi1> to vector<1024x2048xi32>
      %reduce_sum3A = arith.constant dense<0> : vector<1024xi32>
      %reduce_sum3A_22 = vector.multi_reduction <add>, %convert_element_type3A, %reduce_sum3A [1] : vector<1024x2048xi32> to vector<1024xi32>
      %broadcast_in_dim3A_23 = vector.shape_cast %reduce_sum3A_22 : vector<1024xi32> to vector<1024x1xi32>
      %ge3A_24 = arith.constant 512 : i32
      %ge3A_25 = vector.broadcast %ge3A_24 : i32 to vector<1024x1xi32>
      %ge3A_26 = arith.cmpi sge, %broadcast_in_dim3A_23, %ge3A_25 : vector<1024x1xi32>
      %select_n3A_27 = arith.select %ge3A_26, %or3A_19, %scan3A_16 : vector<1024x1xi1>, vector<1024x1xi32>
      scf.yield %select_n3A_27 : vector<1024x1xi32>
    }
    %scan3A_7 = arith.constant 31 : i32
    %ge3A = vector.broadcast %scan3A_6 : vector<1024x1xi32> to vector<1024x2048xi32>
    %ge3A_8 = arith.cmpi sge, %bitcast_convert_type3A, %ge3A : vector<1024x2048xi32>
    %get3A_9 = arith.constant 0 : index
    %get3A_10 = arith.constant 0 : index
    %get3A_11 = vector.load %arg2[%get3A_9, %get3A_10] : memref<1024x2048xf32, #tpu.memory_space<vmem>>, vector<1024x2048xf32>
    %jit3A = arith.constant 0.000000e+00 : f32
    %broadcast_in_dim3A_12 = vector.broadcast %jit3A : f32 to vector<1024x2048xf32>
    %select_n3A = arith.select %ge3A_8, %broadcast_in_dim3A_12, %get3A_11 : vector<1024x2048xi1>, vector<1024x2048xf32>
    %swap3A = arith.constant 0 : index
    %swap3A_13 = arith.constant 0 : index
    %swap3A_14 = vector.load %arg3[%swap3A, %swap3A_13] : memref<1024x2048xf32, #tpu.memory_space<vmem>>, vector<1024x2048xf32>
    tpu.vector_store %arg3[%swap3A, %swap3A_13], %select_n3A {strides = array<i32>} : memref<1024x2048xf32, #tpu.memory_space<vmem>>, vector<1024x2048xf32>,
    return
  }
  func.func @transform_0(%arg0: i32) -> (i32, i32) {
    %c0_i32 = arith.constant 0 : i32
    %c0_i32_0 = arith.constant 0 : i32
    return %arg0, %c0_i32 : i32, i32
  }
  func.func @transform_1(%arg0: i32) -> (i32, i32) {
    %c0_i32 = arith.constant 0 : i32
    %c0_i32_0 = arith.constant 0 : i32
    return %arg0, %c0_i32 : i32, i32
  }
  func.func @transform_2(%arg0: i32) -> (i32, i32) {
    %c0_i32 = arith.constant 0 : i32
    %c0_i32_0 = arith.constant 0 : i32
    return %arg0, %c0_i32 : i32, i32
  }
}

</mosaic_0001>

<sc_bundles>
// kernel: kernel.5.cloned.1.call-start
scs
__scs_entry_jumppad:
0x0: {  	(pc) =	sbr.rel $0x88, $3  }
0x1: {  	(tag) =	ssettag $0x0;
	lr =	simm.s32 $0x1  }
0x2: {  	[smem:$0x3F9D] =	sst lr;
	_ =	strace $0xD0000000  }
0x3: {  	_ = 	snop  }
0x4: {  	_ = 	snop  }
0x5: {  	_ = 	snop  }
0x6: {  	_ = 	snop  }
0x7: {  	_ = 	snop  }
__scs_overlays_trampoline_lowered:
0x8: {  	[smem:$0x3FAC] =	sst s0  }
0x9: {  	[smem:$0x3FAD] =	sst s1  }
0xa: {  	[smem:$0x3FAE] =	sst s2  }
0xb: {  	[smem:$0x3FAF] =	sst s3  }
0xc: {  	[smem:$0x3FB0] =	sst s4  }
0xd: {  	[smem:$0x3FB1] =	sst s5  }
0xe: {  	[smem:$0x3FB2] =	sst s6  }
0xf: {  	[smem:$0x3FB3] =	sst s7  }
0x10: {  	[smem:$0x3FB4] =	sst s8  }
0x11: {  	[smem:$0x3FB5] =	sst s9;
	s0 =	simm.s32 @!p0 $0x0  }
0x12: {  	s1 =	sld [smem:$0x3F9B];
	s0 =	simm.s32 @p0 $0x1  }
0x13: {  	[smem:$0x3FB6] =	sst s0;
	s0 =	simm.s32 @!p1 $0x0  }
0x14: {  	s2 =	sld [smem:$0x3F9A];
	s0 =	simm.s32 @p1 $0x1  }
0x15: {  	[smem:$0x3FB7] =	sst s0;
	s0 =	simm.s32 @!p2 $0x0  }
0x16: {  	s3 =	sld [smem:$0x3FDB];
	s0 =	simm.s32 @p2 $0x1  }
0x17: {  	s4 =	simm.s32 $0x1BF5;
	[smem:$0x3FB9] =	sst s0  }
0x18: {  	s0 =	sld [smem:$0x3F9C];
	_ =	swait.ge [sflag:s4], $0x0  }
0x19: {  	s7 =	sld [smem:$0x3F9D]  }
0x1a: {  	s8 =	sadd.s32 $0xFFFFE003, lr  }
0x1b: {  	s9 =	sadd.s32 $0xFFFFFEF7, lr;
	s5 =	simm.s32 $0xFFFFFFFF;
	p2 =	slt.u32 s8, $0xFFFFF086  }
0x1c: {  	p1 =	slt.u32 s9, $0xF7A;
	s5 =	simm.s32 @!p2 $0x0  }
0x1d: {  	s5 =	simm.s32 @p1 $0x1;
	p0 =	seq.s32 s7, s2  }
0x1e: {  	s7 =	smul.u32 @!p0 $0xF7A, s2;
	p2 =	seq.s32 @!p0 s5, $0x0  }
0x1f: {  	s9 =	smul.u32 $0xF7A, s1;
	s8 =	simm.s32 @!p0 $0x1BF5;
	p2 =	por !p2, p0  }
0x20: {  	[sflag:s8] =	ssyncset.s32 @!p0 $0xFFFFF086;
	s6 =	sadd.s32 @!p0 s3, s7;
	s7 =	simm.s32 @!p0 $0x108  }
0x21: {  	s3 =	sadd.s32 s3, s9;
	s6 =	sadd.s32 @!p0 $0x88, s6;
	s7 =	simm.s32 @p2 $0x1082  }
0x22: {  	[simem:s7], [sflag:s8] =	dma.local @!p0 [hbm:s6], $0xF7A  }
0x23: {  	s9 =	sor.u32 $0xD0000000, s2;
	s6 =	simm.s32 $0x108;
	_ =	swait.ge @!p0 [sflag:s8], $0x0  }
0x24: {  	s3 =	sadd.s32 $0x88, s3;
	s6 =	simm.s32 @!p1 $0x1082;
	[sflag:s4] =	ssyncset.s32 $0xFFFFF086  }
0x25: {  	[simem:s6], [sflag:s4] =	dma.local [hbm:s3], $0xF7A  }
0x26: {  	[smem:$0x3F9D] =	sst s1;
	(tag) =	ssettag s2;
	_ =	strace s9  }
0x27: {  	s1 =	sld [smem:$0x3FAD]  }
0x28: {  	s2 =	sld [smem:$0x3FAE]  }
0x29: {  	s4 =	sld [smem:$0x3FB0]  }
0x2a: {  	p0 =	seq.s32 s5, $0x0;
	s5 =	sld [smem:$0x3FB1]  }
0x2b: {  	s6 =	sld [smem:$0x3FB2]  }
0x2c: {  	s7 =	sld [smem:$0x3FB3]  }
0x2d: {  	s3 =	simm.s32 $0x108;
	s8 =	sld [smem:$0x3FB4]  }
0x2e: {  	s3 =	simm.s32 @!p0 $0x1082;
	s9 =	sld [smem:$0x3FB5]  }
0x2f: {  	lr =	sadd.s32 s0, s3;
	s0 =	sld [smem:$0x3FAC]  }
0x30: {  	s3 =	sld [smem:$0x3FAF]  }
0x31: {  	[smem:$0x3FB8] =	sst s10  }
0x32: {  	s10 =	sld [smem:$0x3FB6];
	_ =	sdelay $0x3  }
0x33: {  	p0 =	seq.s32 s10, $0x1;
	s10 =	sld [smem:$0x3FB8];
	_ =	sdelay $0x3  }
0x34: {  	[smem:$0x3FB8] =	sst s10  }
0x35: {  	s10 =	sld [smem:$0x3FB7];
	_ =	sdelay $0x3  }
0x36: {  	p1 =	seq.s32 s10, $0x1;
	s10 =	sld [smem:$0x3FB8];
	_ =	sdelay $0x3  }
0x37: {  	[smem:$0x3FB8] =	sst s10  }
0x38: {  	s10 =	sld [smem:$0x3FB9]  }
0x39: {  	_ = 	snop;
	(pc) =	sbr.ind lr, $3  }
0x3a: {  	_ = 	snop  }
0x3b: {  	_ = 	snop  }
0x3c: {  	p2 =	seq.s32 s10, $0x1;
	s10 =	sld [smem:$0x3FB8]  }
0x3d: {  	_ =	shalt  }
0x3e: {  	_ =	shalt  }
0x3f: {  	_ =	shalt  }
0x40: {  	_ =	shalt  }
0x41: {  	_ =	shalt  }
0x42: {  	_ =	shalt  }
0x43: {  	_ =	shalt  }
0x44: {  	_ =	shalt  }
0x45: {  	_ =	shalt  }
0x46: {  	_ =	shalt  }
0x47: {  	_ =	shalt  }
0x48: {  	_ =	shalt  }
0x49: {  	_ =	shalt  }
0x4a: {  	_ =	shalt  }
0x4b: {  	_ =	shalt  }
0x4c: {  	_ =	shalt  }
0x4d: {  	_ =	shalt  }
0x4e: {  	_ =	shalt  }
0x4f: {  	_ =	shalt  }
0x50: {  	_ =	shalt  }
0x51: {  	_ =	shalt  }
0x52: {  	_ =	shalt  }
0x53: {  	_ =	shalt  }
0x54: {  	_ =	shalt  }
0x55: {  	_ =	shalt  }
0x56: {  	_ =	shalt  }
0x57: {  	_ =	shalt  }
0x58: {  	_ =	shalt  }
0x59: {  	_ =	shalt  }
0x5a: {  	_ =	shalt  }
0x5b: {  	_ =	shalt  }
0x5c: {  	_ =	shalt  }
0x5d: {  	_ =	shalt  }
0x5e: {  	_ =	shalt  }
0x5f: {  	_ =	shalt  }
0x60: {  	_ =	shalt  }
0x61: {  	_ =	shalt  }
0x62: {  	_ =	shalt  }
0x63: {  	_ =	shalt  }
0x64: {  	_ =	shalt  }
0x65: {  	_ =	shalt  }
0x66: {  	_ =	shalt  }
0x67: {  	_ =	shalt  }
0x68: {  	_ =	shalt  }
0x69: {  	_ =	shalt  }
0x6a: {  	_ =	shalt  }
0x6b: {  	_ =	shalt  }
0x6c: {  	_ =	shalt  }
0x6d: {  	_ =	shalt  }
0x6e: {  	_ =	shalt  }
0x6f: {  	_ =	shalt  }
0x70: {  	_ =	shalt  }
0x71: {  	_ =	shalt  }
0x72: {  	_ =	shalt  }
0x73: {  	_ =	shalt  }
0x74: {  	_ =	shalt  }
0x75: {  	_ =	shalt  }
0x76: {  	_ =	shalt  }
0x77: {  	_ =	shalt  }
0x78: {  	_ =	shalt  }
0x79: {  	_ =	shalt  }
0x7a: {  	_ =	shalt  }
0x7b: {  	_ =	shalt  }
0x7c: {  	_ =	shalt  }
0x7d: {  	_ =	shalt  }
0x7e: {  	_ =	shalt  }
0x7f: {  	_ =	shalt  }
0x80: {  	_ =	shalt  }
0x81: {  	_ =	shalt  }
0x82: {  	_ =	shalt  }
0x83: {  	_ =	shalt  }
0x84: {  	_ =	shalt  }
0x85: {  	_ =	shalt  }
0x86: {  	_ =	shalt  }
0x87: {  	_ =	shalt  }
.Lfunc_end0:
.L_simem_size_0:
called_computation_lowered:
.L_overlay_start_0:
0x88: {  	s2 =	sld [smem:$0x3FD9]  }
0x89: {  	s3 =	sld [smem:$0x3FFE];
	_ =	sdelay $0x1  }
0x8a: {  	s1 =	srdreg.scid  }
0x8b: {  	s0 =	sand.u32 $0x1, s1  }
0x8c: {  	s17 =	sshll.u32 s0, $0xA;
	s2 =	sadd.s32 s3, s2  }
0x8d: {  	s2 =	sadd.s32 s2, s17  }
0x8e: {  	[smem:$0x3FC4] =	sst s2  }
0x8f: {  	_ = 	snop  }
0x90: {  	s2 =	sld [smem:$0x3FC8]  }
0x91: {  	s18 =	sld [smem:$0x3FC7]  }
0x92: {  	s4 =	sld [smem:$0x3FD0];
	(tm) =	ssettm $0x1  }
0x93: {  	s5 =	sld [smem:$0x3FFB];
	_ =	sdelay $0x3  }
0x94: {  	_ =	strace s5  }
0x95: {  	s5 =	sld [smem:$0x3FFC];
	_ =	sdelay $0x3  }
0x96: {  	_ =	strace s5  }
0x97: {  	s5 =	sld [smem:$0x3FFD];
	_ =	sdelay $0x3  }
0x98: {  	_ =	strace s5  }
0x99: {  	_ =	strace $0x8FFFFFFF  }
0x9a: {  	s19 =	sld [smem:$0x3FDB];
	_ =	sdelay $0x1  }
0x9b: {  	s6 =	simm.s32 $_scs_section_size  }
0x9c: {  	s7 =	simm.s32 $_size__tile_overlayer_lowered;
	s8 =	simm.s32 $_tile_overlayer_lowered  }
0x9d: {  	s22 =	simm.s32 $0x1BFF;
	s21 =	sshll.u32 s8, $0x1;
	s5 =	sadd.s32 s6, s19  }
0x9e: {  	s9 =	simm.s32 $0x0;
	s20 =	sshll.u32 s7, $0x1;
	s7 =	sadd.s32 s21, s5  }
0x9f: {  	[timem:s9], [sflag:s22] =	dma.local [hbm:s7], s20  }
0xa0: {  	_ =	swait.ge [sflag:s22], s20  }
0xa1: {  	s6 =	ssub.s32 $0x0, s20;
	[sflag:s22] =	ssyncset.done $0x0  }
0xa2: {  	[sflag:s22] =	ssyncadd.s32 s6;
	_ =	sdelay $0x1  }
0xa3: {  	s23 =	simm.s32 $0x1B8B  }
0xa4: {  	_ =	swait.ge [sflag:s23], $0x1  }
0xa5: {  	[sflag:s23] =	ssyncset.done $0x0  }
0xa6: {  	s25 =	simm.s32 $0x1B8E;
	s24 =	sld [smem:$0x3FFE];
	[sflag:s23] =	ssyncadd.s32 $0xFFFFFFFF  }
0xa7: {  	s26 =	simm.s32 $execute0_lowered;
	[smem:$0x3FD2] =	sst s25  }
0xa8: {  	s7 =	sshll.u32 s26, $0x1;
	_ =	strace $0x80000046;
	[dreg:$0x1] =	wrdreg $0xFFFFFFFF  }
0xa9: {  	s28 =	simm.s32 $_size_execute0_lowered;
	s5 =	sadd.s32 s5, s7;
	[dreg:$0x0] =	wrdreg $0x0  }
0xaa: {  	s7 =	sshll.u32 s28, $0x1;
	[dreg:$0x2] =	wrdreg s5  }
0xab: {  	[dreg:$0x3] =	wrdreg s7  }
0xac: {  	[dreg:$0x4] =	wrdreg $0xC0  }
0xad: {  	_ =	task [dreg:s9], $0x5FFFF  }
0xae: {  	[dreg:$0x1] =	wrdreg $0xFFFFFFFF  }
0xaf: {  	[dreg:$0x0] =	wrdreg $0x60  }
0xb0: {  	[dreg:$0x2] =	wrdreg s24  }
0xb1: {  	[dreg:$0x3] =	wrdreg s2  }
0xb2: {  	[dreg:$0x4] =	wrdreg s18  }
0xb3: {  	[dreg:$0x5] =	wrdreg s4  }
0xb4: {  	[dreg:$0x6] =	wrdreg $0x9  }
0xb5: {  	_ =	task.clear_ibuf [dreg:s9], $0x7FFFF;
	_ =	strace $0x90000046  }
0xb6: {  	s29 =	simm.s32 $0x9;
	_ =	strace $0x80000048  }
0xb7: {  	_ =	swait.ge [sflag:s29], $0x1  }
0xb8: {  	[sflag:s29] =	ssyncadd.s32 $0xFFFFFFFF  }
0xb9: {  	_ =	strace $0x90000048  }
0xba: {  	_ =	sfence  }
0xbb: {  	s30 =	sld [smem:$0x0];
	_ =	sdelay $0x2  }
0xbc: {  	s31 =	sshll.u32 s1, $0xD;
	s1 =	sshrl.u32 s1, $0x2  }
0xbd: {  	s3 =	sand.u32 $0x4000, s31;
	s1 =	sadd.s32 s1, s30  }
0xbe: {  	s0 =	sor.u32 s3, s0;
	s1 =	sshll.u32 s1, $0x11  }
0xbf: {  	s0 =	sor.u32 s1, s0  }
0xc0: {  	s0 =	sadd.s32 $0x8F2B, s0  }
0xc1: {  	[sflag:s0] =	ssyncadd.remote.s32 $0x1  }
0xc2: {  	_ =	sfence.sel $0xFFFF  }
0xc3: {  	[dreg:$0x0] =	wrdreg $0xFFFFFFFF;
	(pc) =	sbr.abs _section_cstart, $3  }
0xc4: {  	[dreg:$0x1] =	wrdreg $0xFFFFFFFF  }
0xc5: {  	_ =	task.clear_ibuf [dreg:s9], $0x2FFFF;
	_ =	strace $0x9FFFFFFF  }
0xc6: {  	(tm) =	ssettm $0x7FFFFFFF  }
0xc7: {  	_ =	shalt  }
tec
execute0_lowered:
.L_overlay_start_1:
0x0: {  	(tag) =	ssettag $0x1  }
0x1: {  	s0 =	rddreg [dreg:$0x0]  }
0x2: {  	s1 =	rddreg [dreg:$0x1]  }
0x3: {  	s2 =	rddreg [dreg:$0x2]  }
0x4: {  	s7 =	rddreg [dreg:$0x3];
	s3 =	srdreg.scid  }
0x5: {  	s5 =	stileid.u32;
	s4 =	simm.s32 $0x0;
	s17 =	simm.s32 $0x3  }
0x6: {  	s31 =	simm.s32 $0x12080;
	s15 =	simm.s32 $0x15880;
	s18 =	simm.s32 $0x5  }
0x7: {  	s3 =	sand.u32 $0x1, s3;
	s5 =	sshll.u32 s5, $0x6;
	[smem:$0x7FF] =	sst s4  }
0x8: {  	s9 =	sadd.s32 $0x200, s2;
	s10 =	sadd.s32 $0x300, s2;
	s22 =	sadd.s32 $0x10, s7  }
0x9: {  	s23 =	sadd.s32 $0x20, s7;
	_ =	strace $0x80000047;
	[dreg:$0x8] =	wrdreg s22  }
0xa: {  	s11 =	sadd.s32 $0x400, s2;
	s24 =	sadd.s32 $0x30, s7;
	[dreg:$0x9] =	wrdreg s23  }
0xb: {  	s12 =	sadd.s32 $0x500, s2;
	s25 =	sadd.s32 $0x40, s7;
	[dreg:$0xa] =	wrdreg s24  }
0xc: {  	s13 =	sadd.s32 $0x600, s2;
	s26 =	sadd.s32 $0x50, s7;
	[dreg:$0xb] =	wrdreg s25  }
0xd: {  	s14 =	sadd.s32 $0x700, s2;
	s28 =	sadd.s32 $0x60, s7;
	[dreg:$0xc] =	wrdreg s26  }
0xe: {  	s29 =	sadd.s32 $0x70, s7;
	s7 =	simm.s32 $0x14880;
	[dreg:$0xd] =	wrdreg s28  }
0xf: {  	s6 =	sshll.u32 s3, $0x5;
	s3 =	ssub.s32 $0x2, s3;
	[dreg:$0xe] =	wrdreg s29  }
0x10: {  	s24 =	simm.s32 $0x13880;
	s22 =	simm.s32 $0x80;
	s23 =	simm.s32 $0x400  }
0x11: {  	s8 =	sor.u32 s6, s5;
	s19 =	sshrl.u32 s3, $0x1;
	s6 =	simm.s32 $0x14080  }
0x12: {  	s5 =	sshll.u32 s8, $0x4;
	s3 =	ssub.s32 s3, s19;
	[dreg:$0x5] =	wrdreg s8  }
0x13: {  	s20 =	sshrl.u32 s8, $0x3;
	s8 =	sadd.s32 $0x100, s2;
	s19 =	simm.s32 $0x6  }
0x14: {  	s0 =	sadd.s32 s5, s0;
	s21 =	sadd.s32 s1, s20;
	s30 =	smax.u32 s3, $0x1  }
0x15: {  	v2 =	vlaneseq.u32;
	s1 =	simm.s32 $0x13080;
	s3 =	simm.s32 $0x15080;
	[dreg:$0x7] =	wrdreg s21  }
0x16: {  	vm0 =	vmmov $0xffff;
	v1 =	vshrl.u32 v2, $0x3;
	s5 =	simm.s32 $0x4;
	s0 =	sadd.s32 $0x1000, s0;
	[dreg:$0xf] =	wrdreg s30  }
0x17: {  	v0 =	vand.u32 $0x7, v2;
	v2 =	vor.u32 $0x8, v2;
	v1 =	vmul.u32 $0x8, v1;
	s20 =	simm.s32 $0x0;
	[dreg:$0x6] =	wrdreg s0;
	s0 =	simm.s32 $0x12880  }
.LBB2_1:
0x18: {  	[dreg:$0x10] =	wrdreg s20  }
0x19: {  	s16 =	rddreg [dreg:$0x6];
	s26 =	simm.s32 $0x1  }
0x1a: {  	[tilespmem:s4], [sflag:$0x1] =	stream.linear.gather [hbm4b:s16+s4], $0x1000, $0x38;
	[tilespmem:$0x16080] =	vst v63  }
0x1b: {  	_ =	swait.ge [sflag:s26], $0x1000  }
0x1c: {  	[sflag:s26] =	ssyncset.done $0x0  }
0x1d: {  	s21 =	simm.s32 $0x1000;
	s28 =	rddreg [dreg:$0x7];
	[sflag:s26] =	ssyncadd.s32 $0xFFFFF000  }
0x1e: {  	[tilespmem:s21], [sflag:$0x1] =	stream.linear.gather [hbm4b:s28+s4], $0x20, $0x38;
	[tilespmem:$0x16080] =	vst v63  }
0x1f: {  	_ =	swait.ge [sflag:s26], $0x20  }
0x20: {  	[sflag:s26] =	ssyncset.done $0x0  }
0x21: {  	[sflag:s26] =	ssyncadd.s32 $0xFFFFFFE0  }
0x22: {  	v3 =	vld [tilespmem:$0x0];
	_ =	sdelay $0x4  }
0x23: {  	v4 =	vshll.u32 v3, $0x4  }
0x24: {  	v3 =	vand.u32 $0x7, v3;
	v4 =	vand.u32 $0xFFFFFF80, v4  }
0x25: {  	v3 =	vor.u32 v3, v4  }
0x26: {  	v4 =	vperm.xlane v3, v0;
	_ =	sdelay $0x1  }
0x27: {  	v4 =	vadd.s32 v1, v4;
	_ =	sdelay $0x3  }
0x28: {  	s29 =	simm.s32 $0x5080  }
0x29: {  	[tilespmem:s29], [sflag:$0x3] =	stream.indirect_vreg.gather [hbm4b:s2+s4], $0x80, v4, vm0, $0xb8;
	[tilespmem:$0x16080] =	vst v63  }
0x2a: {  	s30 =	simm.s32 $0x5880  }
0x2b: {  	[tilespmem:s30], [sflag:$0x3] =	stream.indirect_vreg.gather [hbm4b:s8+s4], $0x80, v4, vm0, $0xb8;
	[tilespmem:$0x16080] =	vst v63  }
0x2c: {  	s20 =	simm.s32 $0x6080  }
0x2d: {  	[tilespmem:s20], [sflag:$0x3] =	stream.indirect_vreg.gather [hbm4b:s9+s4], $0x80, v4, vm0, $0xb8;
	[tilespmem:$0x16080] =	vst v63  }
0x2e: {  	s21 =	simm.s32 $0x6880  }
0x2f: {  	[tilespmem:s21], [sflag:$0x3] =	stream.indirect_vreg.gather [hbm4b:s10+s4], $0x80, v4, vm0, $0xb8;
	[tilespmem:$0x16080] =	vst v63  }
0x30: {  	s25 =	simm.s32 $0x7080  }
0x31: {  	[tilespmem:s25], [sflag:$0x3] =	stream.indirect_vreg.gather [hbm4b:s11+s4], $0x80, v4, vm0, $0xb8;
	[tilespmem:$0x16080] =	vst v63  }
0x32: {  	s26 =	simm.s32 $0x7880;
	v3 =	vperm.xlane v3, v2  }
0x33: {  	[tilespmem:s26], [sflag:$0x3] =	stream.indirect_vreg.gather [hbm4b:s12+s4], $0x80, v4, vm0, $0xb8;
	[tilespmem:$0x16080] =	vst v63  }
0x34: {  	s28 =	simm.s32 $0x8080;
	v3 =	vadd.s32 v1, v3  }
0x35: {  	[tilespmem:s28], [sflag:$0x3] =	stream.indirect_vreg.gather [hbm4b:s13+s4], $0x80, v4, vm0, $0xb8;
	[tilespmem:$0x16080] =	vst v63  }
0x36: {  	s29 =	simm.s32 $0x8880  }
0x37: {  	[tilespmem:s29], [sflag:$0x3] =	stream.indirect_vreg.gather [hbm4b:s14+s4], $0x80, v4, vm0, $0xb8;
	[tilespmem:$0x16080] =	vst v63  }
0x38: {  	s30 =	simm.s32 $0x9080  }
0x39: {  	[tilespmem:s30], [sflag:$0x3] =	stream.indirect_vreg.gather [hbm4b:s2+s4], $0x80, v3, vm0, $0xb8;
	[tilespmem:$0x16080] =	vst v63  }
0x3a: {  	s20 =	simm.s32 $0x9880  }
0x3b: {  	[tilespmem:s20], [sflag:$0x3] =	stream.indirect_vreg.gather [hbm4b:s8+s4], $0x80, v3, vm0, $0xb8;
	[tilespmem:$0x16080] =	vst v63  }
0x3c: {  	s21 =	simm.s32 $0xA080  }
0x3d: {  	[tilespmem:s21], [sflag:$0x3] =	stream.indirect_vreg.gather [hbm4b:s9+s4], $0x80, v3, vm0, $0xb8;
	[tilespmem:$0x16080] =	vst v63  }
0x3e: {  	s25 =	simm.s32 $0xA880  }
0x3f: {  	[tilespmem:s25], [sflag:$0x3] =	stream.indirect_vreg.gather [hbm4b:s10+s4], $0x80, v3, vm0, $0xb8;
	[tilespmem:$0x16080] =	vst v63  }
0x40: {  	s26 =	simm.s32 $0xB080  }
0x41: {  	[tilespmem:s26], [sflag:$0x3] =	stream.indirect_vreg.gather [hbm4b:s11+s4], $0x80, v3, vm0, $0xb8;
	[tilespmem:$0x16080] =	vst v63  }
0x42: {  	s28 =	simm.s32 $0xB880  }
0x43: {  	[tilespmem:s28], [sflag:$0x3] =	stream.indirect_vreg.gather [hbm4b:s12+s4], $0x80, v3, vm0, $0xb8;
	[tilespmem:$0x16080] =	vst v63  }
0x44: {  	s29 =	simm.s32 $0xC080  }
0x45: {  	[tilespmem:s29], [sflag:$0x3] =	stream.indirect_vreg.gather [hbm4b:s13+s4], $0x80, v3, vm0, $0xb8;
	[tilespmem:$0x16080] =	vst v63  }
0x46: {  	s30 =	simm.s32 $0xC880;
	s20 =	simm.s32 $0x0  }
0x47: {  	[tilespmem:s30], [sflag:$0x3] =	stream.indirect_vreg.gather [hbm4b:s14+s4], $0x80, v3, vm0, $0xb8;
	[tilespmem:$0x16080] =	vst v63  }
.LBB2_2:
0x48: {  	s21 =	sshll.u32 s20, $0x3  }
0x49: {  	v3 =	vld.msk [tilespmem:s21+$0x1000], $0xff;
	_ =	sdelay $0x4  }
0x4a: {  	v4 =	vshll.u32 v3, $0x4  }
0x4b: {  	v3 =	vand.u32 $0x7, v3;
	v4 =	vand.u32 $0xFFFFFF80, v4  }
0x4c: {  	v3 =	vor.u32 v3, v4  }
0x4d: {  	v3 =	vperm.xlane v3, v0;
	_ =	sdelay $0x1  }
0x4e: {  	v3 =	vadd.s32 v1, v3;
	_ =	sdelay $0x3  }
0x4f: {  	s16 =	simm.s32 $0x1080  }
0x50: {  	[tilespmem:s16], [sflag:$0x2] =	stream.indirect_vreg.gather [hbm4b:s2+s4], $0x80, v3, vm0, $0xb8;
	[tilespmem:$0x16080] =	vst v63  }
0x51: {  	s26 =	simm.s32 $0x1880  }
0x52: {  	[tilespmem:s26], [sflag:$0x2] =	stream.indirect_vreg.gather [hbm4b:s8+s4], $0x80, v3, vm0, $0xb8;
	[tilespmem:$0x16080] =	vst v63  }
0x53: {  	s30 =	simm.s32 $0x2080  }
0x54: {  	[tilespmem:s30], [sflag:$0x2] =	stream.indirect_vreg.gather [hbm4b:s9+s4], $0x80, v3, vm0, $0xb8;
	[tilespmem:$0x16080] =	vst v63  }
0x55: {  	s25 =	simm.s32 $0x2880  }
0x56: {  	[tilespmem:s25], [sflag:$0x2] =	stream.indirect_vreg.gather [hbm4b:s10+s4], $0x80, v3, vm0, $0xb8;
	[tilespmem:$0x16080] =	vst v63  }
0x57: {  	s26 =	simm.s32 $0x3080  }
0x58: {  	[tilespmem:s26], [sflag:$0x2] =	stream.indirect_vreg.gather [hbm4b:s11+s4], $0x80, v3, vm0, $0xb8;
	[tilespmem:$0x16080] =	vst v63  }
0x59: {  	s30 =	simm.s32 $0x3880  }
0x5a: {  	[tilespmem:s30], [sflag:$0x2] =	stream.indirect_vreg.gather [hbm4b:s12+s4], $0x80, v3, vm0, $0xb8;
	[tilespmem:$0x16080] =	vst v63  }
0x5b: {  	s25 =	simm.s32 $0x4080  }
0x5c: {  	[tilespmem:s25], [sflag:$0x2] =	stream.indirect_vreg.gather [hbm4b:s13+s4], $0x80, v3, vm0, $0xb8;
	[tilespmem:$0x16080] =	vst v63  }
0x5d: {  	s26 =	simm.s32 $0x4880;
	s30 =	simm.s32 $0x2  }
0x5e: {  	[tilespmem:s26], [sflag:$0x2] =	stream.indirect_vreg.gather [hbm4b:s14+s4], $0x80, v3, vm0, $0xb8;
	[tilespmem:$0x16080] =	vst v63  }
0x5f: {  	_ =	swait.ge [sflag:s30], $0x4000  }
0x60: {  	[sflag:s30] =	ssyncset.done $0x0  }
0x61: {  	[sflag:s30] =	ssyncadd.s32 $0xFFFFC000  }
0x62: {  	_ =	swait.ge [sflag:s17], $0x8000  }
0x63: {  	s25 =	sshll.u32 s20, $0xA;
	[sflag:s17] =	ssyncset.done $0x0  }
0x64: {  	s25 =	sand.u32 $0x3FFFFC00, s25;
	[sflag:s17] =	ssyncadd.s32 $0xFFFF8000  }
0x65: {  	v3 =	vld [tilespmem:s25+$0x80];
	_ =	sdelay $0x4  }
0x66: {  	v50 =	vshll.u32 v3, $0x4  }
0x67: {  	v3 =	vand.u32 $0x7, v3;
	v4 =	vand.u32 $0xFFFFFF80, v50  }
0x68: {  	v3 =	vor.u32 v3, v4  }
0x69: {  	v4 =	vperm.xlane v3, v0;
	_ =	sdelay $0x1  }
0x6a: {  	v4 =	vadd.s32 v1, v4;
	_ =	sdelay $0x3  }
0x6b: {  	s26 =	simm.s32 $0xD080  }
0x6c: {  	[tilespmem:s26], [sflag:$0x4] =	stream.indirect_vreg.gather [hbm4b:s2+s4], $0x80, v4, vm0, $0xb8;
	[tilespmem:$0x16080] =	vst v63  }
0x6d: {  	s30 =	simm.s32 $0xD880  }
0x6e: {  	[tilespmem:s30], [sflag:$0x4] =	stream.indirect_vreg.gather [hbm4b:s8+s4], $0x80, v4, vm0, $0xb8;
	[tilespmem:$0x16080] =	vst v63  }
0x6f: {  	s26 =	simm.s32 $0xE080  }
0x70: {  	[tilespmem:s26], [sflag:$0x4] =	stream.indirect_vreg.gather [hbm4b:s9+s4], $0x80, v4, vm0, $0xb8;
	[tilespmem:$0x16080] =	vst v63  }
0x71: {  	s30 =	simm.s32 $0xE880  }
0x72: {  	[tilespmem:s30], [sflag:$0x4] =	stream.indirect_vreg.gather [hbm4b:s10+s4], $0x80, v4, vm0, $0xb8;
	[tilespmem:$0x16080] =	vst v63  }
0x73: {  	s26 =	simm.s32 $0xF080  }
0x74: {  	[tilespmem:s26], [sflag:$0x4] =	stream.indirect_vreg.gather [hbm4b:s11+s4], $0x80, v4, vm0, $0xb8;
	[tilespmem:$0x16080] =	vst v63  }
0x75: {  	v3 =	vperm.xlane v3, v2;
	s30 =	simm.s32 $0xF880  }
0x76: {  	[tilespmem:s30], [sflag:$0x4] =	stream.indirect_vreg.gather [hbm4b:s12+s4], $0x80, v4, vm0, $0xb8;
	[tilespmem:$0x16080] =	vst v63  }
0x77: {  	v3 =	vadd.s32 v1, v3;
	s26 =	simm.s32 $0x10080  }
0x78: {  	[tilespmem:s26], [sflag:$0x4] =	stream.indirect_vreg.gather [hbm4b:s13+s4], $0x80, v4, vm0, $0xb8;
	[tilespmem:$0x16080] =	vst v63  }
0x79: {  	s30 =	simm.s32 $0x10880  }
0x7a: {  	[tilespmem:s30], [sflag:$0x4] =	stream.indirect_vreg.gather [hbm4b:s14+s4], $0x80, v4, vm0, $0xb8;
	[tilespmem:$0x16080] =	vst v63  }
0x7b: {  	s26 =	simm.s32 $0x11080  }
0x7c: {  	[tilespmem:s26], [sflag:$0x4] =	stream.indirect_vreg.gather [hbm4b:s2+s4], $0x80, v3, vm0, $0xb8;
	[tilespmem:$0x16080] =	vst v63  }
0x7d: {  	s30 =	simm.s32 $0x11880  }
0x7e: {  	[tilespmem:s30], [sflag:$0x4] =	stream.indirect_vreg.gather [hbm4b:s8+s4], $0x80, v3, vm0, $0xb8;
	[tilespmem:$0x16080] =	vst v63  }
0x7f: {  	_ = 	snop  }
0x80: {  	[tilespmem:s31], [sflag:$0x4] =	stream.indirect_vreg.gather [hbm4b:s9+s4], $0x80, v3, vm0, $0xb8;
	[tilespmem:$0x16080] =	vst v63  }
0x81: {  	_ = 	snop  }
0x82: {  	[tilespmem:s0], [sflag:$0x4] =	stream.indirect_vreg.gather [hbm4b:s10+s4], $0x80, v3, vm0, $0xb8;
	[tilespmem:$0x16080] =	vst v63  }
0x83: {  	_ = 	snop  }
0x84: {  	[tilespmem:s1], [sflag:$0x4] =	stream.indirect_vreg.gather [hbm4b:s11+s4], $0x80, v3, vm0, $0xb8;
	[tilespmem:$0x16080] =	vst v63  }
0x85: {  	_ = 	snop  }
0x86: {  	[tilespmem:s24], [sflag:$0x4] =	stream.indirect_vreg.gather [hbm4b:s12+s4], $0x80, v3, vm0, $0xb8;
	[tilespmem:$0x16080] =	vst v63  }
0x87: {  	p0 =	seq.s32 s20, $0x0  }
0x88: {  	[tilespmem:s6], [sflag:$0x4] =	stream.indirect_vreg.gather [hbm4b:s13+s4], $0x80, v3, vm0, $0xb8;
	[tilespmem:$0x16080] =	vst v63  }
0x89: {  	s16 =	simm.s32 @!p0 $0x5  }
0x8a: {  	[tilespmem:s7], [sflag:$0x4] =	stream.indirect_vreg.gather [hbm4b:s14+s4], $0x80, v3, vm0, $0xb8;
	[tilespmem:$0x16080] =	vst v63  }
0x8b: {  	s26 =	simm.s32 $0x0;
	_ =	swait.ge @!p0 [sflag:s16], $0x800  }
0x8c: {  	s28 =	sand.u32 $0x70, s26;
	s26 =	sand.u32 $0x3C00, s26;
	[sflag:s16] =	ssyncset.done @!p0 $0x0  }
0x8d: {  	s26 =	sor.u32 s28, s26;
	[sflag:s16] =	ssyncadd.s32 @!p0 $0xFFFFF800  }
0x8e: {  	v3 =	vld [tilespmem:s26+$0x5100]  }
0x8f: {  	v51 =	vld [tilespmem:s26+$0x5080]  }
0x90: {  	v5 =	vld [tilespmem:s26+$0x5180]  }
0x91: {  	v6 =	vld [tilespmem:s26+$0x5200]  }
0x92: {  	v7 =	vld [tilespmem:s26+$0x5280]  }
0x93: {  	v8 =	vld [tilespmem:s26+$0x5300]  }
0x94: {  	v52 =	vld [tilespmem:s26+$0x5380];
	v9 =	vmax.f32 v51, v3;
	v3 =	vmin.f32 v51, v3  }
0x95: {  	v53 =	vld [tilespmem:s26+$0x5400];
	v9 =	vmax.f32 v9, v5;
	v3 =	vmin.f32 v3, v5  }
0x96: {  	v54 =	vld [tilespmem:s26+$0x9080];
	v9 =	vmax.f32 v9, v6;
	v3 =	vmin.f32 v3, v6  }
0x97: {  	v55 =	vld [tilespmem:s26+$0x9100];
	v9 =	vmax.f32 v9, v7;
	v3 =	vmin.f32 v3, v7  }
0x98: {  	v56 =	vld [tilespmem:s26+$0x9180];
	v9 =	vmax.f32 v9, v8;
	v3 =	vmin.f32 v3, v8  }
0x99: {  	v57 =	vld [tilespmem:s26+$0x9200];
	v9 =	vmax.f32 v9, v52;
	v3 =	vmin.f32 v3, v52  }
0x9a: {  	v58 =	vld [tilespmem:s26+$0x9280];
	v9 =	vmax.f32 v9, v53;
	v3 =	vmin.f32 v3, v53  }
0x9b: {  	v59 =	vld [tilespmem:s26+$0x9300];
	v9 =	vmax.f32 v9, v54;
	v3 =	vmin.f32 v3, v54  }
0x9c: {  	v60 =	vld [tilespmem:s26+$0x9380];
	v9 =	vmax.f32 v9, v55;
	v3 =	vmin.f32 v3, v55  }
0x9d: {  	v61 =	vld [tilespmem:s26+$0x9400];
	v9 =	vmax.f32 v9, v56;
	v3 =	vmin.f32 v3, v56  }
0x9e: {  	v62 =	vld [tilespmem:s26+$0x1080];
	v9 =	vmax.f32 v9, v57;
	v3 =	vmin.f32 v3, v57  }
0x9f: {  	v9 =	vmax.f32 v9, v58;
	v3 =	vmin.f32 v3, v58  }
0xa0: {  	v63 =	vmax.f32 v9, v59;
	v3 =	vmin.f32 v3, v59  }
0xa1: {  	v5 =	vmax.f32 v63, v60;
	v3 =	vmin.f32 v3, v60  }
0xa2: {  	v5 =	vmax.f32 v5, v61;
	v3 =	vmin.f32 v3, v61  }
0xa3: {  	v5 =	vsub.f32 v5, v62;
	v3 =	vsub.f32 v62, v3  }
0xa4: {  	s30 =	simm.s32 $0x10;
	s28 =	simm.s32 $0x80  }
0xa5: {  	s29 =	sand.u32 $0x3C00, s28;
	s16 =	sand.u32 $0x70, s30;
	s26 =	simm.s32 $0x15080;
	v3 =	vmax.f32 v5, v3  }
0xa6: {  	s16 =	sor.u32 s16, s29;
	s29 =	simm.s32 $0x20;
	[tilespmem:s26+$0x0] =	vst v3  }
.LBB2_3:
0xa7: {  	p1 =	sne.s32 s29, $0x7F0;
	v3 =	vld [tilespmem:s16+$0x5100]  }
0xa8: {  	v4 =	vld [tilespmem:s16+$0x5080]  }
0xa9: {  	v5 =	vld [tilespmem:s16+$0x5180]  }
0xaa: {  	v6 =	vld [tilespmem:s16+$0x5200]  }
0xab: {  	v7 =	vld [tilespmem:s16+$0x5280]  }
0xac: {  	v8 =	vld [tilespmem:s16+$0x5300]  }
0xad: {  	v9 =	vmax.f32 v4, v3;
	v3 =	vmin.f32 v4, v3;
	v4 =	vld [tilespmem:s16+$0x5380]  }
0xae: {  	v9 =	vmax.f32 v9, v5;
	v3 =	vmin.f32 v3, v5;
	v5 =	vld [tilespmem:s16+$0x5400]  }
0xaf: {  	v9 =	vmax.f32 v9, v6;
	v3 =	vmin.f32 v3, v6;
	v6 =	vld [tilespmem:s16+$0x9080]  }
0xb0: {  	v9 =	vmax.f32 v9, v7;
	v3 =	vmin.f32 v3, v7;
	v7 =	vld [tilespmem:s16+$0x9100]  }
0xb1: {  	v9 =	vmax.f32 v9, v8;
	v3 =	vmin.f32 v3, v8;
	v8 =	vld [tilespmem:s16+$0x9180]  }
0xb2: {  	v9 =	vmax.f32 v9, v4;
	v3 =	vmin.f32 v3, v4;
	v4 =	vld [tilespmem:s16+$0x9200]  }
0xb3: {  	v9 =	vmax.f32 v9, v5;
	v3 =	vmin.f32 v3, v5;
	v5 =	vld [tilespmem:s16+$0x9280]  }
0xb4: {  	v9 =	vmax.f32 v9, v6;
	v3 =	vmin.f32 v3, v6;
	v6 =	vld [tilespmem:s16+$0x9300]  }
0xb5: {  	v9 =	vmax.f32 v9, v7;
	v3 =	vmin.f32 v3, v7;
	v7 =	vld [tilespmem:s16+$0x9380]  }
0xb6: {  	v9 =	vmax.f32 v9, v8;
	v3 =	vmin.f32 v3, v8;
	v8 =	vld [tilespmem:s16+$0x9400]  }
0xb7: {  	v9 =	vmax.f32 v9, v4;
	v3 =	vmin.f32 v3, v4;
	v4 =	vld [tilespmem:s16+$0x1080]  }
0xb8: {  	v9 =	vmax.f32 v9, v5;
	v3 =	vmin.f32 v3, v5  }
0xb9: {  	v5 =	vmax.f32 v9, v6;
	v3 =	vmin.f32 v3, v6  }
0xba: {  	v5 =	vmax.f32 v5, v7;
	v3 =	vmin.f32 v3, v7  }
.Ltmp0:
0xbb: {  	v5 =	vmax.f32 v5, v8;
	v3 =	vmin.f32 v3, v8;
	(pc) =	sbr.rel @p1 .LBB2_3-.Ltmp0, $4  }
0xbc: {  	v5 =	vsub.f32 v5, v4;
	v3 =	vsub.f32 v4, v3  }
0xbd: {  	s28 =	sadd.s32 $0x80, s28  }
0xbe: {  	s26 =	sadd.s32 $0x10, s26;
	s30 =	sand.u32 $0x3C00, s28;
	s16 =	sand.u32 $0x70, s29;
	v3 =	vmax.f32 v5, v3  }
0xbf: {  	s29 =	sadd.s32 $0x10, s29;
	s16 =	sor.u32 s16, s30;
	[tilespmem:s26+$0x0] =	vst v3  }
0xc0: {  	v3 =	vld [tilespmem:s16+$0x5100]  }
0xc1: {  	v4 =	vld [tilespmem:s16+$0x5080]  }
0xc2: {  	v5 =	vld [tilespmem:s16+$0x5180]  }
0xc3: {  	v6 =	vld [tilespmem:s16+$0x5200]  }
0xc4: {  	v7 =	vld [tilespmem:s16+$0x5280]  }
0xc5: {  	v8 =	vld [tilespmem:s16+$0x5300]  }
0xc6: {  	v33 =	vld [tilespmem:s16+$0x5380];
	v9 =	vmax.f32 v4, v3;
	v3 =	vmin.f32 v4, v3  }
0xc7: {  	v34 =	vld [tilespmem:s16+$0x5400];
	v9 =	vmax.f32 v9, v5;
	v3 =	vmin.f32 v3, v5  }
0xc8: {  	v35 =	vld [tilespmem:s16+$0x9080];
	v9 =	vmax.f32 v9, v6;
	v3 =	vmin.f32 v3, v6  }
0xc9: {  	v36 =	vld [tilespmem:s16+$0x9100];
	v9 =	vmax.f32 v9, v7;
	v3 =	vmin.f32 v3, v7  }
0xca: {  	v37 =	vld [tilespmem:s16+$0x9180];
	v9 =	vmax.f32 v9, v8;
	v3 =	vmin.f32 v3, v8  }
0xcb: {  	v38 =	vld [tilespmem:s16+$0x9200];
	v9 =	vmax.f32 v9, v33;
	v3 =	vmin.f32 v3, v33  }
0xcc: {  	v39 =	vld [tilespmem:s16+$0x9280];
	v9 =	vmax.f32 v9, v34;
	v3 =	vmin.f32 v3, v34  }
0xcd: {  	v40 =	vld [tilespmem:s16+$0x9300];
	v9 =	vmax.f32 v9, v35;
	v3 =	vmin.f32 v3, v35  }
0xce: {  	v41 =	vld [tilespmem:s16+$0x9380];
	v9 =	vmax.f32 v9, v36;
	v3 =	vmin.f32 v3, v36  }
0xcf: {  	v42 =	vld [tilespmem:s16+$0x9400];
	v9 =	vmax.f32 v9, v37;
	v3 =	vmin.f32 v3, v37  }
0xd0: {  	v43 =	vld [tilespmem:s16+$0x1080];
	v9 =	vmax.f32 v9, v38;
	v3 =	vmin.f32 v3, v38  }
0xd1: {  	v9 =	vmax.f32 v9, v39;
	v3 =	vmin.f32 v3, v39  }
0xd2: {  	v44 =	vmax.f32 v9, v40;
	v3 =	vmin.f32 v3, v40  }
0xd3: {  	v5 =	vmax.f32 v44, v41;
	v3 =	vmin.f32 v3, v41  }
0xd4: {  	v5 =	vmax.f32 v5, v42;
	v3 =	vmin.f32 v3, v42  }
0xd5: {  	v5 =	vsub.f32 v5, v43;
	v3 =	vsub.f32 v43, v3  }
0xd6: {  	s30 =	rddreg [dreg:$0x5]  }
0xd7: {  	s26 =	sadd.s32 $0x10, s26;
	s16 =	sor.u32 s30, s21;
	v3 =	vmax.f32 v5, v3  }
0xd8: {  	s21 =	sshll.u32 s16, $0x8;
	[tilespmem:s26+$0x0] =	vst v3;
	s26 =	rddreg [dreg:$0x3]  }
0xd9: {  	s16 =	sadd.s32 s26, s21  }
0xda: {  	[hbm4b:s16+s22] =	stream.strided.scatter [tilespmem:s3], [sflag:$0x5], $0x800, s23, s22, $0x38;
	[tilespmem:$0x16080] =	vst v63  }
0xdb: {  	_ =	swait.ge [sflag:s5], $0x8000  }
0xdc: {  	[sflag:s5] =	ssyncset.done $0x0  }
0xdd: {  	[sflag:s5] =	ssyncadd.s32 $0xFFFF8000  }
0xde: {  	v3 =	vld [tilespmem:s25+$0x100];
	_ =	sdelay $0x4  }
0xdf: {  	v45 =	vshll.u32 v3, $0x4  }
0xe0: {  	v3 =	vand.u32 $0x7, v3;
	v4 =	vand.u32 $0xFFFFFF80, v45  }
0xe1: {  	v3 =	vor.u32 v3, v4  }
0xe2: {  	v4 =	vperm.xlane v3, v0;
	_ =	sdelay $0x1  }
0xe3: {  	v4 =	vadd.s32 v1, v4;
	_ =	sdelay $0x3  }
0xe4: {  	s30 =	simm.s32 $0x5080  }
0xe5: {  	[tilespmem:s30], [sflag:$0x3] =	stream.indirect_vreg.gather [hbm4b:s2+s4], $0x80, v4, vm0, $0xb8;
	[tilespmem:$0x16080] =	vst v63  }
0xe6: {  	s26 =	simm.s32 $0x5880  }
0xe7: {  	[tilespmem:s26], [sflag:$0x3] =	stream.indirect_vreg.gather [hbm4b:s8+s4], $0x80, v4, vm0, $0xb8;
	[tilespmem:$0x16080] =	vst v63  }
0xe8: {  	s30 =	simm.s32 $0x6080  }
0xe9: {  	[tilespmem:s30], [sflag:$0x3] =	stream.indirect_vreg.gather [hbm4b:s9+s4], $0x80, v4, vm0, $0xb8;
	[tilespmem:$0x16080] =	vst v63  }
0xea: {  	s26 =	simm.s32 $0x6880  }
0xeb: {  	[tilespmem:s26], [sflag:$0x3] =	stream.indirect_vreg.gather [hbm4b:s10+s4], $0x80, v4, vm0, $0xb8;
	[tilespmem:$0x16080] =	vst v63  }
0xec: {  	s30 =	simm.s32 $0x7080  }
0xed: {  	[tilespmem:s30], [sflag:$0x3] =	stream.indirect_vreg.gather [hbm4b:s11+s4], $0x80, v4, vm0, $0xb8;
	[tilespmem:$0x16080] =	vst v63  }
0xee: {  	v3 =	vperm.xlane v3, v2;
	s26 =	simm.s32 $0x7880  }
0xef: {  	[tilespmem:s26], [sflag:$0x3] =	stream.indirect_vreg.gather [hbm4b:s12+s4], $0x80, v4, vm0, $0xb8;
	[tilespmem:$0x16080] =	vst v63  }
0xf0: {  	v3 =	vadd.s32 v1, v3;
	s30 =	simm.s32 $0x8080  }
0xf1: {  	[tilespmem:s30], [sflag:$0x3] =	stream.indirect_vreg.gather [hbm4b:s13+s4], $0x80, v4, vm0, $0xb8;
	[tilespmem:$0x16080] =	vst v63  }
0xf2: {  	s26 =	simm.s32 $0x8880  }
0xf3: {  	[tilespmem:s26], [sflag:$0x3] =	stream.indirect_vreg.gather [hbm4b:s14+s4], $0x80, v4, vm0, $0xb8;
	[tilespmem:$0x16080] =	vst v63  }
0xf4: {  	s30 =	simm.s32 $0x9080  }
0xf5: {  	[tilespmem:s30], [sflag:$0x3] =	stream.indirect_vreg.gather [hbm4b:s2+s4], $0x80, v3, vm0, $0xb8;
	[tilespmem:$0x16080] =	vst v63  }
0xf6: {  	s26 =	simm.s32 $0x9880  }
0xf7: {  	[tilespmem:s26], [sflag:$0x3] =	stream.indirect_vreg.gather [hbm4b:s8+s4], $0x80, v3, vm0, $0xb8;
	[tilespmem:$0x16080] =	vst v63  }
0xf8: {  	s30 =	simm.s32 $0xA080  }
0xf9: {  	[tilespmem:s30], [sflag:$0x3] =	stream.indirect_vreg.gather [hbm4b:s9+s4], $0x80, v3, vm0, $0xb8;
	[tilespmem:$0x16080] =	vst v63  }
0xfa: {  	s26 =	simm.s32 $0xA880  }
0xfb: {  	[tilespmem:s26], [sflag:$0x3] =	stream.indirect_vreg.gather [hbm4b:s10+s4], $0x80, v3, vm0, $0xb8;
	[tilespmem:$0x16080] =	vst v63  }
0xfc: {  	s30 =	simm.s32 $0xB080  }
0xfd: {  	[tilespmem:s30], [sflag:$0x3] =	stream.indirect_vreg.gather [hbm4b:s11+s4], $0x80, v3, vm0, $0xb8;
	[tilespmem:$0x16080] =	vst v63  }
0xfe: {  	s26 =	simm.s32 $0xB880  }
0xff: {  	[tilespmem:s26], [sflag:$0x3] =	stream.indirect_vreg.gather [hbm4b:s12+s4], $0x80, v3, vm0, $0xb8;
	[tilespmem:$0x16080] =	vst v63  }
0x100: {  	s30 =	simm.s32 $0xC080  }
0x101: {  	[tilespmem:s30], [sflag:$0x3] =	stream.indirect_vreg.gather [hbm4b:s13+s4], $0x80, v3, vm0, $0xb8;
	[tilespmem:$0x16080] =	vst v63  }
0x102: {  	s16 =	simm.s32 @!p0 $0x6;
	s26 =	simm.s32 $0xC880  }
0x103: {  	[tilespmem:s26], [sflag:$0x3] =	stream.indirect_vreg.gather [hbm4b:s14+s4], $0x80, v3, vm0, $0xb8;
	[tilespmem:$0x16080] =	vst v63  }
0x104: {  	s30 =	simm.s32 $0x0;
	_ =	swait.ge @!p0 [sflag:s16], $0x800  }
0x105: {  	s28 =	sand.u32 $0x70, s30;
	s26 =	sand.u32 $0x3C00, s30;
	[sflag:s16] =	ssyncset.done @!p0 $0x0  }
0x106: {  	s26 =	sor.u32 s28, s26;
	[sflag:s16] =	ssyncadd.s32 @!p0 $0xFFFFF800  }
0x107: {  	v3 =	vld [tilespmem:s26+$0xD100]  }
0x108: {  	v46 =	vld [tilespmem:s26+$0xD080]  }
0x109: {  	v47 =	vld [tilespmem:s26+$0xD180]  }
0x10a: {  	v48 =	vld [tilespmem:s26+$0xD200]  }
0x10b: {  	v49 =	vld [tilespmem:s26+$0xD280]  }
0x10c: {  	v50 =	vld [tilespmem:s26+$0xD300]  }
0x10d: {  	v52 =	vld [tilespmem:s26+$0xD380];
	v51 =	vmax.f32 v46, v3;
	v3 =	vmin.f32 v46, v3  }
0x10e: {  	v53 =	vld [tilespmem:s26+$0xD400];
	v9 =	vmax.f32 v51, v47;
	v3 =	vmin.f32 v3, v47  }
0x10f: {  	v54 =	vld [tilespmem:s26+$0x11080];
	v9 =	vmax.f32 v9, v48;
	v3 =	vmin.f32 v3, v48  }
0x110: {  	v55 =	vld [tilespmem:s26+$0x11100];
	v9 =	vmax.f32 v9, v49;
	v3 =	vmin.f32 v3, v49  }
0x111: {  	v56 =	vld [tilespmem:s26+$0x11180];
	v9 =	vmax.f32 v9, v50;
	v3 =	vmin.f32 v3, v50  }
0x112: {  	v57 =	vld [tilespmem:s26+$0x11200];
	v9 =	vmax.f32 v9, v52;
	v3 =	vmin.f32 v3, v52  }
0x113: {  	v58 =	vld [tilespmem:s26+$0x11280];
	v9 =	vmax.f32 v9, v53;
	v3 =	vmin.f32 v3, v53  }
0x114: {  	v59 =	vld [tilespmem:s26+$0x11300];
	v9 =	vmax.f32 v9, v54;
	v3 =	vmin.f32 v3, v54  }
0x115: {  	v60 =	vld [tilespmem:s26+$0x11380];
	v9 =	vmax.f32 v9, v55;
	v3 =	vmin.f32 v3, v55  }
0x116: {  	v61 =	vld [tilespmem:s26+$0x11400];
	v9 =	vmax.f32 v9, v56;
	v3 =	vmin.f32 v3, v56  }
0x117: {  	v62 =	vld [tilespmem:s26+$0x1100];
	v9 =	vmax.f32 v9, v57;
	v3 =	vmin.f32 v3, v57  }
0x118: {  	v9 =	vmax.f32 v9, v58;
	v3 =	vmin.f32 v3, v58  }
0x119: {  	v63 =	vmax.f32 v9, v59;
	v3 =	vmin.f32 v3, v59  }
0x11a: {  	v5 =	vmax.f32 v63, v60;
	v3 =	vmin.f32 v3, v60  }
0x11b: {  	v5 =	vmax.f32 v5, v61;
	v3 =	vmin.f32 v3, v61  }
0x11c: {  	v5 =	vsub.f32 v5, v62;
	v3 =	vsub.f32 v62, v3  }
0x11d: {  	s30 =	simm.s32 $0x10;
	s28 =	simm.s32 $0x80  }
0x11e: {  	s29 =	sand.u32 $0x3C00, s28;
	s16 =	sand.u32 $0x70, s30;
	s26 =	simm.s32 $0x15880;
	v3 =	vmax.f32 v5, v3  }
0x11f: {  	s16 =	sor.u32 s16, s29;
	s29 =	simm.s32 $0x20;
	[tilespmem:s26+$0x0] =	vst v3  }
.LBB2_5:
0x120: {  	p0 =	sne.s32 s29, $0x7F0;
	v3 =	vld [tilespmem:s16+$0xD100]  }
0x121: {  	v4 =	vld [tilespmem:s16+$0xD080]  }
0x122: {  	v5 =	vld [tilespmem:s16+$0xD180]  }
0x123: {  	v6 =	vld [tilespmem:s16+$0xD200]  }
0x124: {  	v7 =	vld [tilespmem:s16+$0xD280]  }
0x125: {  	v8 =	vld [tilespmem:s16+$0xD300]  }
0x126: {  	v9 =	vmax.f32 v4, v3;
	v3 =	vmin.f32 v4, v3;
	v4 =	vld [tilespmem:s16+$0xD380]  }
0x127: {  	v9 =	vmax.f32 v9, v5;
	v3 =	vmin.f32 v3, v5;
	v5 =	vld [tilespmem:s16+$0xD400]  }
0x128: {  	v9 =	vmax.f32 v9, v6;
	v3 =	vmin.f32 v3, v6;
	v6 =	vld [tilespmem:s16+$0x11080]  }
0x129: {  	v9 =	vmax.f32 v9, v7;
	v3 =	vmin.f32 v3, v7;
	v7 =	vld [tilespmem:s16+$0x11100]  }
0x12a: {  	v9 =	vmax.f32 v9, v8;
	v3 =	vmin.f32 v3, v8;
	v8 =	vld [tilespmem:s16+$0x11180]  }
0x12b: {  	v9 =	vmax.f32 v9, v4;
	v3 =	vmin.f32 v3, v4;
	v4 =	vld [tilespmem:s16+$0x11200]  }
0x12c: {  	v9 =	vmax.f32 v9, v5;
	v3 =	vmin.f32 v3, v5;
	v5 =	vld [tilespmem:s16+$0x11280]  }
0x12d: {  	v9 =	vmax.f32 v9, v6;
	v3 =	vmin.f32 v3, v6;
	v6 =	vld [tilespmem:s16+$0x11300]  }
0x12e: {  	v9 =	vmax.f32 v9, v7;
	v3 =	vmin.f32 v3, v7;
	v7 =	vld [tilespmem:s16+$0x11380]  }
0x12f: {  	v9 =	vmax.f32 v9, v8;
	v3 =	vmin.f32 v3, v8;
	v8 =	vld [tilespmem:s16+$0x11400]  }
0x130: {  	v9 =	vmax.f32 v9, v4;
	v3 =	vmin.f32 v3, v4;
	v4 =	vld [tilespmem:s16+$0x1100]  }
0x131: {  	v9 =	vmax.f32 v9, v5;
	v3 =	vmin.f32 v3, v5  }
0x132: {  	v5 =	vmax.f32 v9, v6;
	v3 =	vmin.f32 v3, v6  }
0x133: {  	v5 =	vmax.f32 v5, v7;
	v3 =	vmin.f32 v3, v7  }
.Ltmp1:
0x134: {  	v5 =	vmax.f32 v5, v8;
	v3 =	vmin.f32 v3, v8;
	(pc) =	sbr.rel @p0 .LBB2_5-.Ltmp1, $4  }
0x135: {  	v5 =	vsub.f32 v5, v4;
	v3 =	vsub.f32 v4, v3  }
0x136: {  	s28 =	sadd.s32 $0x80, s28  }
0x137: {  	s26 =	sadd.s32 $0x10, s26;
	s30 =	sand.u32 $0x3C00, s28;
	s16 =	sand.u32 $0x70, s29;
	v3 =	vmax.f32 v5, v3  }
0x138: {  	s29 =	sadd.s32 $0x10, s29;
	s16 =	sor.u32 s16, s30;
	[tilespmem:s26+$0x0] =	vst v3  }
0x139: {  	v3 =	vld [tilespmem:s16+$0xD100]  }
0x13a: {  	v4 =	vld [tilespmem:s16+$0xD080]  }
0x13b: {  	v5 =	vld [tilespmem:s16+$0xD180]  }
0x13c: {  	v6 =	vld [tilespmem:s16+$0xD200]  }
0x13d: {  	v7 =	vld [tilespmem:s16+$0xD280]  }
0x13e: {  	v8 =	vld [tilespmem:s16+$0xD300]  }
0x13f: {  	v33 =	vld [tilespmem:s16+$0xD380];
	v9 =	vmax.f32 v4, v3;
	v3 =	vmin.f32 v4, v3  }
0x140: {  	v34 =	vld [tilespmem:s16+$0xD400];
	v9 =	vmax.f32 v9, v5;
	v3 =	vmin.f32 v3, v5  }
0x141: {  	v35 =	vld [tilespmem:s16+$0x11080];
	v9 =	vmax.f32 v9, v6;
	v3 =	vmin.f32 v3, v6  }
0x142: {  	v36 =	vld [tilespmem:s16+$0x11100];
	v9 =	vmax.f32 v9, v7;
	v3 =	vmin.f32 v3, v7  }
0x143: {  	v37 =	vld [tilespmem:s16+$0x11180];
	v9 =	vmax.f32 v9, v8;
	v3 =	vmin.f32 v3, v8  }
0x144: {  	v38 =	vld [tilespmem:s16+$0x11200];
	v9 =	vmax.f32 v9, v33;
	v3 =	vmin.f32 v3, v33  }
0x145: {  	v39 =	vld [tilespmem:s16+$0x11280];
	v9 =	vmax.f32 v9, v34;
	v3 =	vmin.f32 v3, v34  }
0x146: {  	v40 =	vld [tilespmem:s16+$0x11300];
	v9 =	vmax.f32 v9, v35;
	v3 =	vmin.f32 v3, v35  }
0x147: {  	v41 =	vld [tilespmem:s16+$0x11380];
	v9 =	vmax.f32 v9, v36;
	v3 =	vmin.f32 v3, v36  }
0x148: {  	v42 =	vld [tilespmem:s16+$0x11400];
	v9 =	vmax.f32 v9, v37;
	v3 =	vmin.f32 v3, v37  }
0x149: {  	v43 =	vld [tilespmem:s16+$0x1100];
	v9 =	vmax.f32 v9, v38;
	v3 =	vmin.f32 v3, v38  }
0x14a: {  	v9 =	vmax.f32 v9, v39;
	v3 =	vmin.f32 v3, v39  }
0x14b: {  	v44 =	vmax.f32 v9, v40;
	v3 =	vmin.f32 v3, v40  }
0x14c: {  	v5 =	vmax.f32 v44, v41;
	v3 =	vmin.f32 v3, v41  }
0x14d: {  	v5 =	vmax.f32 v5, v42;
	v3 =	vmin.f32 v3, v42  }
0x14e: {  	v5 =	vsub.f32 v5, v43;
	v3 =	vsub.f32 v43, v3;
	_ =	sdelay $0x1  }
0x14f: {  	s30 =	sadd.s32 $0x10, s26;
	s26 =	rddreg [dreg:$0x8];
	v3 =	vmax.f32 v5, v3  }
0x150: {  	s16 =	sadd.s32 s21, s26;
	[tilespmem:s30+$0x0] =	vst v3  }
0x151: {  	[hbm4b:s16+s22] =	stream.strided.scatter [tilespmem:s15], [sflag:$0x6], $0x800, s23, s22, $0x38;
	[tilespmem:$0x16080] =	vst v63  }
0x152: {  	_ =	swait.ge [sflag:s17], $0x8000  }
0x153: {  	[sflag:s17] =	ssyncset.done $0x0  }
0x154: {  	[sflag:s17] =	ssyncadd.s32 $0xFFFF8000  }
0x155: {  	v3 =	vld [tilespmem:s25+$0x180];
	_ =	sdelay $0x4  }
0x156: {  	v45 =	vshll.u32 v3, $0x4  }
0x157: {  	v3 =	vand.u32 $0x7, v3;
	v4 =	vand.u32 $0xFFFFFF80, v45  }
0x158: {  	v3 =	vor.u32 v3, v4  }
0x159: {  	v4 =	vperm.xlane v3, v0;
	_ =	sdelay $0x1  }
0x15a: {  	v4 =	vadd.s32 v1, v4;
	_ =	sdelay $0x3  }
0x15b: {  	s30 =	simm.s32 $0xD080;
	s16 =	simm.s32 $0x0  }
0x15c: {  	[tilespmem:s30], [sflag:$0x4] =	stream.indirect_vreg.gather [hbm4b:s2+s16], $0x80, v4, vm0, $0xb8;
	[tilespmem:$0x16080] =	vst v63  }
0x15d: {  	s30 =	simm.s32 $0xD880  }
0x15e: {  	[tilespmem:s30], [sflag:$0x4] =	stream.indirect_vreg.gather [hbm4b:s8+s16], $0x80, v4, vm0, $0xb8;
	[tilespmem:$0x16080] =	vst v63  }
0x15f: {  	s30 =	simm.s32 $0xE080  }
0x160: {  	[tilespmem:s30], [sflag:$0x4] =	stream.indirect_vreg.gather [hbm4b:s9+s16], $0x80, v4, vm0, $0xb8;
	[tilespmem:$0x16080] =	vst v63  }
0x161: {  	s30 =	simm.s32 $0xE880  }
0x162: {  	[tilespmem:s30], [sflag:$0x4] =	stream.indirect_vreg.gather [hbm4b:s10+s16], $0x80, v4, vm0, $0xb8;
	[tilespmem:$0x16080] =	vst v63  }
0x163: {  	s30 =	simm.s32 $0xF080  }
0x164: {  	[tilespmem:s30], [sflag:$0x4] =	stream.indirect_vreg.gather [hbm4b:s11+s16], $0x80, v4, vm0, $0xb8;
	[tilespmem:$0x16080] =	vst v63  }
0x165: {  	v3 =	vperm.xlane v3, v2;
	s30 =	simm.s32 $0xF880  }
0x166: {  	[tilespmem:s30], [sflag:$0x4] =	stream.indirect_vreg.gather [hbm4b:s12+s16], $0x80, v4, vm0, $0xb8;
	[tilespmem:$0x16080] =	vst v63  }
0x167: {  	v3 =	vadd.s32 v1, v3;
	s30 =	simm.s32 $0x10080  }
0x168: {  	[tilespmem:s30], [sflag:$0x4] =	stream.indirect_vreg.gather [hbm4b:s13+s16], $0x80, v4, vm0, $0xb8;
	[tilespmem:$0x16080] =	vst v63  }
0x169: {  	s30 =	simm.s32 $0x10880  }
0x16a: {  	[tilespmem:s30], [sflag:$0x4] =	stream.indirect_vreg.gather [hbm4b:s14+s16], $0x80, v4, vm0, $0xb8;
	[tilespmem:$0x16080] =	vst v63  }
0x16b: {  	s30 =	simm.s32 $0x11080  }
0x16c: {  	[tilespmem:s30], [sflag:$0x4] =	stream.indirect_vreg.gather [hbm4b:s2+s16], $0x80, v3, vm0, $0xb8;
	[tilespmem:$0x16080] =	vst v63  }
0x16d: {  	s30 =	simm.s32 $0x11880  }
0x16e: {  	[tilespmem:s30], [sflag:$0x4] =	stream.indirect_vreg.gather [hbm4b:s8+s16], $0x80, v3, vm0, $0xb8;
	[tilespmem:$0x16080] =	vst v63  }
0x16f: {  	_ = 	snop  }
0x170: {  	[tilespmem:s31], [sflag:$0x4] =	stream.indirect_vreg.gather [hbm4b:s9+s16], $0x80, v3, vm0, $0xb8;
	[tilespmem:$0x16080] =	vst v63  }
0x171: {  	_ = 	snop  }
0x172: {  	[tilespmem:s0], [sflag:$0x4] =	stream.indirect_vreg.gather [hbm4b:s10+s16], $0x80, v3, vm0, $0xb8;
	[tilespmem:$0x16080] =	vst v63  }
0x173: {  	_ = 	snop  }
0x174: {  	[tilespmem:s1], [sflag:$0x4] =	stream.indirect_vreg.gather [hbm4b:s11+s16], $0x80, v3, vm0, $0xb8;
	[tilespmem:$0x16080] =	vst v63  }
0x175: {  	_ = 	snop  }
0x176: {  	[tilespmem:s24], [sflag:$0x4] =	stream.indirect_vreg.gather [hbm4b:s12+s16], $0x80, v3, vm0, $0xb8;
	[tilespmem:$0x16080] =	vst v63  }
0x177: {  	_ = 	snop  }
0x178: {  	[tilespmem:s6], [sflag:$0x4] =	stream.indirect_vreg.gather [hbm4b:s13+s16], $0x80, v3, vm0, $0xb8;
	[tilespmem:$0x16080] =	vst v63  }
0x179: {  	_ = 	snop  }
0x17a: {  	[tilespmem:s7], [sflag:$0x4] =	stream.indirect_vreg.gather [hbm4b:s14+s16], $0x80, v3, vm0, $0xb8;
	[tilespmem:$0x16080] =	vst v63  }
0x17b: {  	_ =	swait.ge [sflag:s18], $0x800  }
0x17c: {  	s30 =	sand.u32 $0x70, s16;
	s16 =	sand.u32 $0x3C00, s16;
	[sflag:s18] =	ssyncset.done $0x0  }
0x17d: {  	s16 =	sor.u32 s30, s16;
	[sflag:s18] =	ssyncadd.s32 $0xFFFFF800  }
0x17e: {  	v3 =	vld [tilespmem:s16+$0x5100]  }
0x17f: {  	v46 =	vld [tilespmem:s16+$0x5080]  }
0x180: {  	v47 =	vld [tilespmem:s16+$0x5180]  }
0x181: {  	v48 =	vld [tilespmem:s16+$0x5200]  }
0x182: {  	v49 =	vld [tilespmem:s16+$0x5280]  }
0x183: {  	v50 =	vld [tilespmem:s16+$0x5300]  }
0x184: {  	v52 =	vld [tilespmem:s16+$0x5380];
	v51 =	vmax.f32 v46, v3;
	v3 =	vmin.f32 v46, v3  }
0x185: {  	v53 =	vld [tilespmem:s16+$0x5400];
	v9 =	vmax.f32 v51, v47;
	v3 =	vmin.f32 v3, v47  }
0x186: {  	v54 =	vld [tilespmem:s16+$0x9080];
	v9 =	vmax.f32 v9, v48;
	v3 =	vmin.f32 v3, v48  }
0x187: {  	v55 =	vld [tilespmem:s16+$0x9100];
	v9 =	vmax.f32 v9, v49;
	v3 =	vmin.f32 v3, v49  }
0x188: {  	v56 =	vld [tilespmem:s16+$0x9180];
	v9 =	vmax.f32 v9, v50;
	v3 =	vmin.f32 v3, v50  }
0x189: {  	v57 =	vld [tilespmem:s16+$0x9200];
	v9 =	vmax.f32 v9, v52;
	v3 =	vmin.f32 v3, v52  }
0x18a: {  	v58 =	vld [tilespmem:s16+$0x9280];
	v9 =	vmax.f32 v9, v53;
	v3 =	vmin.f32 v3, v53  }
0x18b: {  	v59 =	vld [tilespmem:s16+$0x9300];
	v9 =	vmax.f32 v9, v54;
	v3 =	vmin.f32 v3, v54  }
0x18c: {  	v60 =	vld [tilespmem:s16+$0x9380];
	v9 =	vmax.f32 v9, v55;
	v3 =	vmin.f32 v3, v55  }
0x18d: {  	v61 =	vld [tilespmem:s16+$0x9400];
	v9 =	vmax.f32 v9, v56;
	v3 =	vmin.f32 v3, v56  }
0x18e: {  	v62 =	vld [tilespmem:s16+$0x1180];
	v9 =	vmax.f32 v9, v57;
	v3 =	vmin.f32 v3, v57  }
0x18f: {  	v9 =	vmax.f32 v9, v58;
	v3 =	vmin.f32 v3, v58  }
0x190: {  	v63 =	vmax.f32 v9, v59;
	v3 =	vmin.f32 v3, v59  }
0x191: {  	v5 =	vmax.f32 v63, v60;
	v3 =	vmin.f32 v3, v60  }
0x192: {  	v5 =	vmax.f32 v5, v61;
	v3 =	vmin.f32 v3, v61  }
0x193: {  	v5 =	vsub.f32 v5, v62;
	v3 =	vsub.f32 v62, v3  }
0x194: {  	s28 =	simm.s32 $0x80;
	s30 =	simm.s32 $0x10  }
0x195: {  	s26 =	simm.s32 $0x15080;
	s29 =	sand.u32 $0x3C00, s28;
	s16 =	sand.u32 $0x70, s30;
	v3 =	vmax.f32 v5, v3  }
0x196: {  	s16 =	sor.u32 s16, s29;
	s29 =	simm.s32 $0x20;
	[tilespmem:s26+$0x0] =	vst v3  }
.LBB2_7:
0x197: {  	p0 =	sne.s32 s29, $0x7F0;
	v3 =	vld [tilespmem:s16+$0x5100]  }
0x198: {  	v4 =	vld [tilespmem:s16+$0x5080]  }
0x199: {  	v5 =	vld [tilespmem:s16+$0x5180]  }
0x19a: {  	v6 =	vld [tilespmem:s16+$0x5200]  }
0x19b: {  	v7 =	vld [tilespmem:s16+$0x5280]  }
0x19c: {  	v8 =	vld [tilespmem:s16+$0x5300]  }
0x19d: {  	v9 =	vmax.f32 v4, v3;
	v3 =	vmin.f32 v4, v3;
	v4 =	vld [tilespmem:s16+$0x5380]  }
0x19e: {  	v9 =	vmax.f32 v9, v5;
	v3 =	vmin.f32 v3, v5;
	v5 =	vld [tilespmem:s16+$0x5400]  }
0x19f: {  	v9 =	vmax.f32 v9, v6;
	v3 =	vmin.f32 v3, v6;
	v6 =	vld [tilespmem:s16+$0x9080]  }
0x1a0: {  	v9 =	vmax.f32 v9, v7;
	v3 =	vmin.f32 v3, v7;
	v7 =	vld [tilespmem:s16+$0x9100]  }
0x1a1: {  	v9 =	vmax.f32 v9, v8;
	v3 =	vmin.f32 v3, v8;
	v8 =	vld [tilespmem:s16+$0x9180]  }
0x1a2: {  	v9 =	vmax.f32 v9, v4;
	v3 =	vmin.f32 v3, v4;
	v4 =	vld [tilespmem:s16+$0x9200]  }
0x1a3: {  	v9 =	vmax.f32 v9, v5;
	v3 =	vmin.f32 v3, v5;
	v5 =	vld [tilespmem:s16+$0x9280]  }
0x1a4: {  	v9 =	vmax.f32 v9, v6;
	v3 =	vmin.f32 v3, v6;
	v6 =	vld [tilespmem:s16+$0x9300]  }
0x1a5: {  	v9 =	vmax.f32 v9, v7;
	v3 =	vmin.f32 v3, v7;
	v7 =	vld [tilespmem:s16+$0x9380]  }
0x1a6: {  	v9 =	vmax.f32 v9, v8;
	v3 =	vmin.f32 v3, v8;
	v8 =	vld [tilespmem:s16+$0x9400]  }
0x1a7: {  	v9 =	vmax.f32 v9, v4;
	v3 =	vmin.f32 v3, v4;
	v4 =	vld [tilespmem:s16+$0x1180]  }
0x1a8: {  	v9 =	vmax.f32 v9, v5;
	v3 =	vmin.f32 v3, v5  }
0x1a9: {  	v5 =	vmax.f32 v9, v6;
	v3 =	vmin.f32 v3, v6  }
0x1aa: {  	v5 =	vmax.f32 v5, v7;
	v3 =	vmin.f32 v3, v7  }
.Ltmp2:
0x1ab: {  	v5 =	vmax.f32 v5, v8;
	v3 =	vmin.f32 v3, v8;
	(pc) =	sbr.rel @p0 .LBB2_7-.Ltmp2, $4  }
0x1ac: {  	v5 =	vsub.f32 v5, v4;
	v3 =	vsub.f32 v4, v3  }
0x1ad: {  	s28 =	sadd.s32 $0x80, s28  }
0x1ae: {  	s26 =	sadd.s32 $0x10, s26;
	s30 =	sand.u32 $0x3C00, s28;
	s16 =	sand.u32 $0x70, s29;
	v3 =	vmax.f32 v5, v3  }
0x1af: {  	s29 =	sadd.s32 $0x10, s29;
	s16 =	sor.u32 s16, s30;
	[tilespmem:s26+$0x0] =	vst v3  }
0x1b0: {  	v3 =	vld [tilespmem:s16+$0x5100]  }
0x1b1: {  	v4 =	vld [tilespmem:s16+$0x5080]  }
0x1b2: {  	v5 =	vld [tilespmem:s16+$0x5180]  }
0x1b3: {  	v6 =	vld [tilespmem:s16+$0x5200]  }
0x1b4: {  	v7 =	vld [tilespmem:s16+$0x5280]  }
0x1b5: {  	v8 =	vld [tilespmem:s16+$0x5300]  }
0x1b6: {  	v33 =	vld [tilespmem:s16+$0x5380];
	v9 =	vmax.f32 v4, v3;
	v3 =	vmin.f32 v4, v3  }
0x1b7: {  	v34 =	vld [tilespmem:s16+$0x5400];
	v9 =	vmax.f32 v9, v5;
	v3 =	vmin.f32 v3, v5  }
0x1b8: {  	v35 =	vld [tilespmem:s16+$0x9080];
	v9 =	vmax.f32 v9, v6;
	v3 =	vmin.f32 v3, v6  }
0x1b9: {  	v36 =	vld [tilespmem:s16+$0x9100];
	v9 =	vmax.f32 v9, v7;
	v3 =	vmin.f32 v3, v7  }
0x1ba: {  	v37 =	vld [tilespmem:s16+$0x9180];
	v9 =	vmax.f32 v9, v8;
	v3 =	vmin.f32 v3, v8  }
0x1bb: {  	v38 =	vld [tilespmem:s16+$0x9200];
	v9 =	vmax.f32 v9, v33;
	v3 =	vmin.f32 v3, v33  }
0x1bc: {  	v39 =	vld [tilespmem:s16+$0x9280];
	v9 =	vmax.f32 v9, v34;
	v3 =	vmin.f32 v3, v34  }
0x1bd: {  	v40 =	vld [tilespmem:s16+$0x9300];
	v9 =	vmax.f32 v9, v35;
	v3 =	vmin.f32 v3, v35  }
0x1be: {  	v41 =	vld [tilespmem:s16+$0x9380];
	v9 =	vmax.f32 v9, v36;
	v3 =	vmin.f32 v3, v36  }
0x1bf: {  	v42 =	vld [tilespmem:s16+$0x9400];
	v9 =	vmax.f32 v9, v37;
	v3 =	vmin.f32 v3, v37  }
0x1c0: {  	v43 =	vld [tilespmem:s16+$0x1180];
	v9 =	vmax.f32 v9, v38;
	v3 =	vmin.f32 v3, v38  }
0x1c1: {  	v9 =	vmax.f32 v9, v39;
	v3 =	vmin.f32 v3, v39  }
0x1c2: {  	v44 =	vmax.f32 v9, v40;
	v3 =	vmin.f32 v3, v40  }
0x1c3: {  	v5 =	vmax.f32 v44, v41;
	v3 =	vmin.f32 v3, v41  }
0x1c4: {  	v5 =	vmax.f32 v5, v42;
	v3 =	vmin.f32 v3, v42  }
0x1c5: {  	v5 =	vsub.f32 v5, v43;
	v3 =	vsub.f32 v43, v3;
	_ =	sdelay $0x1  }
0x1c6: {  	s30 =	sadd.s32 $0x10, s26;
	s26 =	rddreg [dreg:$0x9];
	v3 =	vmax.f32 v5, v3  }
0x1c7: {  	s16 =	sadd.s32 s21, s26;
	[tilespmem:s30+$0x0] =	vst v3  }
0x1c8: {  	[hbm4b:s16+s22] =	stream.strided.scatter [tilespmem:s3], [sflag:$0x5], $0x800, s23, s22, $0x38;
	[tilespmem:$0x16080] =	vst v63  }
0x1c9: {  	_ =	swait.ge [sflag:s5], $0x8000  }
0x1ca: {  	[sflag:s5] =	ssyncset.done $0x0  }
0x1cb: {  	[sflag:s5] =	ssyncadd.s32 $0xFFFF8000  }
0x1cc: {  	v3 =	vld [tilespmem:s25+$0x200];
	_ =	sdelay $0x4  }
0x1cd: {  	v45 =	vshll.u32 v3, $0x4  }
0x1ce: {  	v3 =	vand.u32 $0x7, v3;
	v4 =	vand.u32 $0xFFFFFF80, v45  }
0x1cf: {  	v3 =	vor.u32 v3, v4  }
0x1d0: {  	v4 =	vperm.xlane v3, v0;
	_ =	sdelay $0x1  }
0x1d1: {  	v4 =	vadd.s32 v1, v4;
	_ =	sdelay $0x3  }
0x1d2: {  	s30 =	simm.s32 $0x5080;
	s16 =	simm.s32 $0x0  }
0x1d3: {  	[tilespmem:s30], [sflag:$0x3] =	stream.indirect_vreg.gather [hbm4b:s2+s16], $0x80, v4, vm0, $0xb8;
	[tilespmem:$0x16080] =	vst v63  }
0x1d4: {  	s30 =	simm.s32 $0x5880  }
0x1d5: {  	[tilespmem:s30], [sflag:$0x3] =	stream.indirect_vreg.gather [hbm4b:s8+s16], $0x80, v4, vm0, $0xb8;
	[tilespmem:$0x16080] =	vst v63  }
0x1d6: {  	s30 =	simm.s32 $0x6080  }
0x1d7: {  	[tilespmem:s30], [sflag:$0x3] =	stream.indirect_vreg.gather [hbm4b:s9+s16], $0x80, v4, vm0, $0xb8;
	[tilespmem:$0x16080] =	vst v63  }
0x1d8: {  	s30 =	simm.s32 $0x6880  }
0x1d9: {  	[tilespmem:s30], [sflag:$0x3] =	stream.indirect_vreg.gather [hbm4b:s10+s16], $0x80, v4, vm0, $0xb8;
	[tilespmem:$0x16080] =	vst v63  }
0x1da: {  	s30 =	simm.s32 $0x7080  }
0x1db: {  	[tilespmem:s30], [sflag:$0x3] =	stream.indirect_vreg.gather [hbm4b:s11+s16], $0x80, v4, vm0, $0xb8;
	[tilespmem:$0x16080] =	vst v63  }
0x1dc: {  	v3 =	vperm.xlane v3, v2;
	s30 =	simm.s32 $0x7880  }
0x1dd: {  	[tilespmem:s30], [sflag:$0x3] =	stream.indirect_vreg.gather [hbm4b:s12+s16], $0x80, v4, vm0, $0xb8;
	[tilespmem:$0x16080] =	vst v63  }
0x1de: {  	v3 =	vadd.s32 v1, v3;
	s30 =	simm.s32 $0x8080  }
0x1df: {  	[tilespmem:s30], [sflag:$0x3] =	stream.indirect_vreg.gather [hbm4b:s13+s16], $0x80, v4, vm0, $0xb8;
	[tilespmem:$0x16080] =	vst v63  }
0x1e0: {  	s30 =	simm.s32 $0x8880  }
0x1e1: {  	[tilespmem:s30], [sflag:$0x3] =	stream.indirect_vreg.gather [hbm4b:s14+s16], $0x80, v4, vm0, $0xb8;
	[tilespmem:$0x16080] =	vst v63  }
0x1e2: {  	s30 =	simm.s32 $0x9080  }
0x1e3: {  	[tilespmem:s30], [sflag:$0x3] =	stream.indirect_vreg.gather [hbm4b:s2+s16], $0x80, v3, vm0, $0xb8;
	[tilespmem:$0x16080] =	vst v63  }
0x1e4: {  	s30 =	simm.s32 $0x9880  }
0x1e5: {  	[tilespmem:s30], [sflag:$0x3] =	stream.indirect_vreg.gather [hbm4b:s8+s16], $0x80, v3, vm0, $0xb8;
	[tilespmem:$0x16080] =	vst v63  }
0x1e6: {  	s30 =	simm.s32 $0xA080  }
0x1e7: {  	[tilespmem:s30], [sflag:$0x3] =	stream.indirect_vreg.gather [hbm4b:s9+s16], $0x80, v3, vm0, $0xb8;
	[tilespmem:$0x16080] =	vst v63  }
0x1e8: {  	s30 =	simm.s32 $0xA880  }
0x1e9: {  	[tilespmem:s30], [sflag:$0x3] =	stream.indirect_vreg.gather [hbm4b:s10+s16], $0x80, v3, vm0, $0xb8;
	[tilespmem:$0x16080] =	vst v63  }
0x1ea: {  	s30 =	simm.s32 $0xB080  }
0x1eb: {  	[tilespmem:s30], [sflag:$0x3] =	stream.indirect_vreg.gather [hbm4b:s11+s16], $0x80, v3, vm0, $0xb8;
	[tilespmem:$0x16080] =	vst v63  }
0x1ec: {  	s30 =	simm.s32 $0xB880  }
0x1ed: {  	[tilespmem:s30], [sflag:$0x3] =	stream.indirect_vreg.gather [hbm4b:s12+s16], $0x80, v3, vm0, $0xb8;
	[tilespmem:$0x16080] =	vst v63  }
0x1ee: {  	s30 =	simm.s32 $0xC080  }
0x1ef: {  	[tilespmem:s30], [sflag:$0x3] =	stream.indirect_vreg.gather [hbm4b:s13+s16], $0x80, v3, vm0, $0xb8;
	[tilespmem:$0x16080] =	vst v63  }
0x1f0: {  	s30 =	simm.s32 $0xC880  }
0x1f1: {  	[tilespmem:s30], [sflag:$0x3] =	stream.indirect_vreg.gather [hbm4b:s14+s16], $0x80, v3, vm0, $0xb8;
	[tilespmem:$0x16080] =	vst v63  }
0x1f2: {  	_ =	swait.ge [sflag:s19], $0x800  }
0x1f3: {  	s30 =	sand.u32 $0x70, s16;
	s16 =	sand.u32 $0x3C00, s16;
	[sflag:s19] =	ssyncset.done $0x0  }
0x1f4: {  	s16 =	sor.u32 s30, s16;
	[sflag:s19] =	ssyncadd.s32 $0xFFFFF800  }
0x1f5: {  	v3 =	vld [tilespmem:s16+$0xD100]  }
0x1f6: {  	v46 =	vld [tilespmem:s16+$0xD080]  }
0x1f7: {  	v47 =	vld [tilespmem:s16+$0xD180]  }
0x1f8: {  	v48 =	vld [tilespmem:s16+$0xD200]  }
0x1f9: {  	v49 =	vld [tilespmem:s16+$0xD280]  }
0x1fa: {  	v50 =	vld [tilespmem:s16+$0xD300]  }
0x1fb: {  	v52 =	vld [tilespmem:s16+$0xD380];
	v51 =	vmax.f32 v46, v3;
	v3 =	vmin.f32 v46, v3  }
0x1fc: {  	v53 =	vld [tilespmem:s16+$0xD400];
	v9 =	vmax.f32 v51, v47;
	v3 =	vmin.f32 v3, v47  }
0x1fd: {  	v54 =	vld [tilespmem:s16+$0x11080];
	v9 =	vmax.f32 v9, v48;
	v3 =	vmin.f32 v3, v48  }
0x1fe: {  	v55 =	vld [tilespmem:s16+$0x11100];
	v9 =	vmax.f32 v9, v49;
	v3 =	vmin.f32 v3, v49  }
0x1ff: {  	v56 =	vld [tilespmem:s16+$0x11180];
	v9 =	vmax.f32 v9, v50;
	v3 =	vmin.f32 v3, v50  }
0x200: {  	v57 =	vld [tilespmem:s16+$0x11200];
	v9 =	vmax.f32 v9, v52;
	v3 =	vmin.f32 v3, v52  }
0x201: {  	v58 =	vld [tilespmem:s16+$0x11280];
	v9 =	vmax.f32 v9, v53;
	v3 =	vmin.f32 v3, v53  }
0x202: {  	v59 =	vld [tilespmem:s16+$0x11300];
	v9 =	vmax.f32 v9, v54;
	v3 =	vmin.f32 v3, v54  }
0x203: {  	v60 =	vld [tilespmem:s16+$0x11380];
	v9 =	vmax.f32 v9, v55;
	v3 =	vmin.f32 v3, v55  }
0x204: {  	v61 =	vld [tilespmem:s16+$0x11400];
	v9 =	vmax.f32 v9, v56;
	v3 =	vmin.f32 v3, v56  }
0x205: {  	v62 =	vld [tilespmem:s16+$0x1200];
	v9 =	vmax.f32 v9, v57;
	v3 =	vmin.f32 v3, v57  }
0x206: {  	v9 =	vmax.f32 v9, v58;
	v3 =	vmin.f32 v3, v58  }
0x207: {  	v63 =	vmax.f32 v9, v59;
	v3 =	vmin.f32 v3, v59  }
0x208: {  	v5 =	vmax.f32 v63, v60;
	v3 =	vmin.f32 v3, v60  }
0x209: {  	v5 =	vmax.f32 v5, v61;
	v3 =	vmin.f32 v3, v61  }
0x20a: {  	v5 =	vsub.f32 v5, v62;
	v3 =	vsub.f32 v62, v3  }
0x20b: {  	s28 =	simm.s32 $0x80;
	s30 =	simm.s32 $0x10  }
0x20c: {  	s26 =	simm.s32 $0x15880;
	s29 =	sand.u32 $0x3C00, s28;
	s16 =	sand.u32 $0x70, s30;
	v3 =	vmax.f32 v5, v3  }
0x20d: {  	s16 =	sor.u32 s16, s29;
	s29 =	simm.s32 $0x20;
	[tilespmem:s26+$0x0] =	vst v3  }
.LBB2_9:
0x20e: {  	p0 =	sne.s32 s29, $0x7F0;
	v3 =	vld [tilespmem:s16+$0xD100]  }
0x20f: {  	v4 =	vld [tilespmem:s16+$0xD080]  }
0x210: {  	v5 =	vld [tilespmem:s16+$0xD180]  }
0x211: {  	v6 =	vld [tilespmem:s16+$0xD200]  }
0x212: {  	v7 =	vld [tilespmem:s16+$0xD280]  }
0x213: {  	v8 =	vld [tilespmem:s16+$0xD300]  }
0x214: {  	v9 =	vmax.f32 v4, v3;
	v3 =	vmin.f32 v4, v3;
	v4 =	vld [tilespmem:s16+$0xD380]  }
0x215: {  	v9 =	vmax.f32 v9, v5;
	v3 =	vmin.f32 v3, v5;
	v5 =	vld [tilespmem:s16+$0xD400]  }
0x216: {  	v9 =	vmax.f32 v9, v6;
	v3 =	vmin.f32 v3, v6;
	v6 =	vld [tilespmem:s16+$0x11080]  }
0x217: {  	v9 =	vmax.f32 v9, v7;
	v3 =	vmin.f32 v3, v7;
	v7 =	vld [tilespmem:s16+$0x11100]  }
0x218: {  	v9 =	vmax.f32 v9, v8;
	v3 =	vmin.f32 v3, v8;
	v8 =	vld [tilespmem:s16+$0x11180]  }
0x219: {  	v9 =	vmax.f32 v9, v4;
	v3 =	vmin.f32 v3, v4;
	v4 =	vld [tilespmem:s16+$0x11200]  }
0x21a: {  	v9 =	vmax.f32 v9, v5;
	v3 =	vmin.f32 v3, v5;
	v5 =	vld [tilespmem:s16+$0x11280]  }
0x21b: {  	v9 =	vmax.f32 v9, v6;
	v3 =	vmin.f32 v3, v6;
	v6 =	vld [tilespmem:s16+$0x11300]  }
0x21c: {  	v9 =	vmax.f32 v9, v7;
	v3 =	vmin.f32 v3, v7;
	v7 =	vld [tilespmem:s16+$0x11380]  }
0x21d: {  	v9 =	vmax.f32 v9, v8;
	v3 =	vmin.f32 v3, v8;
	v8 =	vld [tilespmem:s16+$0x11400]  }
0x21e: {  	v9 =	vmax.f32 v9, v4;
	v3 =	vmin.f32 v3, v4;
	v4 =	vld [tilespmem:s16+$0x1200]  }
0x21f: {  	v9 =	vmax.f32 v9, v5;
	v3 =	vmin.f32 v3, v5  }
0x220: {  	v5 =	vmax.f32 v9, v6;
	v3 =	vmin.f32 v3, v6  }
0x221: {  	v5 =	vmax.f32 v5, v7;
	v3 =	vmin.f32 v3, v7  }
.Ltmp3:
0x222: {  	v5 =	vmax.f32 v5, v8;
	v3 =	vmin.f32 v3, v8;
	(pc) =	sbr.rel @p0 .LBB2_9-.Ltmp3, $4  }
0x223: {  	v5 =	vsub.f32 v5, v4;
	v3 =	vsub.f32 v4, v3  }
0x224: {  	s28 =	sadd.s32 $0x80, s28  }
0x225: {  	s26 =	sadd.s32 $0x10, s26;
	s30 =	sand.u32 $0x3C00, s28;
	s16 =	sand.u32 $0x70, s29;
	v3 =	vmax.f32 v5, v3  }
0x226: {  	s29 =	sadd.s32 $0x10, s29;
	s16 =	sor.u32 s16, s30;
	[tilespmem:s26+$0x0] =	vst v3  }
0x227: {  	v3 =	vld [tilespmem:s16+$0xD100]  }
0x228: {  	v4 =	vld [tilespmem:s16+$0xD080]  }
0x229: {  	v5 =	vld [tilespmem:s16+$0xD180]  }
0x22a: {  	v6 =	vld [tilespmem:s16+$0xD200]  }
0x22b: {  	v7 =	vld [tilespmem:s16+$0xD280]  }
0x22c: {  	v8 =	vld [tilespmem:s16+$0xD300]  }
0x22d: {  	v33 =	vld [tilespmem:s16+$0xD380];
	v9 =	vmax.f32 v4, v3;
	v3 =	vmin.f32 v4, v3  }
0x22e: {  	v34 =	vld [tilespmem:s16+$0xD400];
	v9 =	vmax.f32 v9, v5;
	v3 =	vmin.f32 v3, v5  }
0x22f: {  	v35 =	vld [tilespmem:s16+$0x11080];
	v9 =	vmax.f32 v9, v6;
	v3 =	vmin.f32 v3, v6  }
0x230: {  	v36 =	vld [tilespmem:s16+$0x11100];
	v9 =	vmax.f32 v9, v7;
	v3 =	vmin.f32 v3, v7  }
0x231: {  	v37 =	vld [tilespmem:s16+$0x11180];
	v9 =	vmax.f32 v9, v8;
	v3 =	vmin.f32 v3, v8  }
0x232: {  	v38 =	vld [tilespmem:s16+$0x11200];
	v9 =	vmax.f32 v9, v33;
	v3 =	vmin.f32 v3, v33  }
0x233: {  	v39 =	vld [tilespmem:s16+$0x11280];
	v9 =	vmax.f32 v9, v34;
	v3 =	vmin.f32 v3, v34  }
0x234: {  	v40 =	vld [tilespmem:s16+$0x11300];
	v9 =	vmax.f32 v9, v35;
	v3 =	vmin.f32 v3, v35  }
0x235: {  	v41 =	vld [tilespmem:s16+$0x11380];
	v9 =	vmax.f32 v9, v36;
	v3 =	vmin.f32 v3, v36  }
0x236: {  	v42 =	vld [tilespmem:s16+$0x11400];
	v9 =	vmax.f32 v9, v37;
	v3 =	vmin.f32 v3, v37  }
0x237: {  	v43 =	vld [tilespmem:s16+$0x1200];
	v9 =	vmax.f32 v9, v38;
	v3 =	vmin.f32 v3, v38  }
0x238: {  	v9 =	vmax.f32 v9, v39;
	v3 =	vmin.f32 v3, v39  }
0x239: {  	v44 =	vmax.f32 v9, v40;
	v3 =	vmin.f32 v3, v40  }
0x23a: {  	v5 =	vmax.f32 v44, v41;
	v3 =	vmin.f32 v3, v41  }
0x23b: {  	v5 =	vmax.f32 v5, v42;
	v3 =	vmin.f32 v3, v42  }
0x23c: {  	v5 =	vsub.f32 v5, v43;
	v3 =	vsub.f32 v43, v3;
	_ =	sdelay $0x1  }
0x23d: {  	s30 =	sadd.s32 $0x10, s26;
	s26 =	rddreg [dreg:$0xa];
	v3 =	vmax.f32 v5, v3  }
0x23e: {  	s16 =	sadd.s32 s21, s26;
	[tilespmem:s30+$0x0] =	vst v3  }
0x23f: {  	[hbm4b:s16+s22] =	stream.strided.scatter [tilespmem:s15], [sflag:$0x6], $0x800, s23, s22, $0x38;
	[tilespmem:$0x16080] =	vst v63  }
0x240: {  	_ =	swait.ge [sflag:s17], $0x8000  }
0x241: {  	[sflag:s17] =	ssyncset.done $0x0  }
0x242: {  	[sflag:s17] =	ssyncadd.s32 $0xFFFF8000  }
0x243: {  	v3 =	vld [tilespmem:s25+$0x280];
	_ =	sdelay $0x4  }
0x244: {  	v45 =	vshll.u32 v3, $0x4  }
0x245: {  	v3 =	vand.u32 $0x7, v3;
	v4 =	vand.u32 $0xFFFFFF80, v45  }
0x246: {  	v3 =	vor.u32 v3, v4  }
0x247: {  	v4 =	vperm.xlane v3, v0;
	_ =	sdelay $0x1  }
0x248: {  	v4 =	vadd.s32 v1, v4;
	_ =	sdelay $0x3  }
0x249: {  	s30 =	simm.s32 $0xD080;
	s16 =	simm.s32 $0x0  }
0x24a: {  	[tilespmem:s30], [sflag:$0x4] =	stream.indirect_vreg.gather [hbm4b:s2+s16], $0x80, v4, vm0, $0xb8;
	[tilespmem:$0x16080] =	vst v63  }
0x24b: {  	s30 =	simm.s32 $0xD880  }
0x24c: {  	[tilespmem:s30], [sflag:$0x4] =	stream.indirect_vreg.gather [hbm4b:s8+s16], $0x80, v4, vm0, $0xb8;
	[tilespmem:$0x16080] =	vst v63  }
0x24d: {  	s30 =	simm.s32 $0xE080  }
0x24e: {  	[tilespmem:s30], [sflag:$0x4] =	stream.indirect_vreg.gather [hbm4b:s9+s16], $0x80, v4, vm0, $0xb8;
	[tilespmem:$0x16080] =	vst v63  }
0x24f: {  	s30 =	simm.s32 $0xE880  }
0x250: {  	[tilespmem:s30], [sflag:$0x4] =	stream.indirect_vreg.gather [hbm4b:s10+s16], $0x80, v4, vm0, $0xb8;
	[tilespmem:$0x16080] =	vst v63  }
0x251: {  	s30 =	simm.s32 $0xF080  }
0x252: {  	[tilespmem:s30], [sflag:$0x4] =	stream.indirect_vreg.gather [hbm4b:s11+s16], $0x80, v4, vm0, $0xb8;
	[tilespmem:$0x16080] =	vst v63  }
0x253: {  	v3 =	vperm.xlane v3, v2;
	s30 =	simm.s32 $0xF880  }
0x254: {  	[tilespmem:s30], [sflag:$0x4] =	stream.indirect_vreg.gather [hbm4b:s12+s16], $0x80, v4, vm0, $0xb8;
	[tilespmem:$0x16080] =	vst v63  }
0x255: {  	v3 =	vadd.s32 v1, v3;
	s30 =	simm.s32 $0x10080  }
0x256: {  	[tilespmem:s30], [sflag:$0x4] =	stream.indirect_vreg.gather [hbm4b:s13+s16], $0x80, v4, vm0, $0xb8;
	[tilespmem:$0x16080] =	vst v63  }
0x257: {  	s30 =	simm.s32 $0x10880  }
0x258: {  	[tilespmem:s30], [sflag:$0x4] =	stream.indirect_vreg.gather [hbm4b:s14+s16], $0x80, v4, vm0, $0xb8;
	[tilespmem:$0x16080] =	vst v63  }
0x259: {  	s30 =	simm.s32 $0x11080  }
0x25a: {  	[tilespmem:s30], [sflag:$0x4] =	stream.indirect_vreg.gather [hbm4b:s2+s16], $0x80, v3, vm0, $0xb8;
	[tilespmem:$0x16080] =	vst v63  }
0x25b: {  	s30 =	simm.s32 $0x11880  }
0x25c: {  	[tilespmem:s30], [sflag:$0x4] =	stream.indirect_vreg.gather [hbm4b:s8+s16], $0x80, v3, vm0, $0xb8;
	[tilespmem:$0x16080] =	vst v63  }
0x25d: {  	_ = 	snop  }
0x25e: {  	[tilespmem:s31], [sflag:$0x4] =	stream.indirect_vreg.gather [hbm4b:s9+s16], $0x80, v3, vm0, $0xb8;
	[tilespmem:$0x16080] =	vst v63  }
0x25f: {  	_ = 	snop  }
0x260: {  	[tilespmem:s0], [sflag:$0x4] =	stream.indirect_vreg.gather [hbm4b:s10+s16], $0x80, v3, vm0, $0xb8;
	[tilespmem:$0x16080] =	vst v63  }
0x261: {  	_ = 	snop  }
0x262: {  	[tilespmem:s1], [sflag:$0x4] =	stream.indirect_vreg.gather [hbm4b:s11+s16], $0x80, v3, vm0, $0xb8;
	[tilespmem:$0x16080] =	vst v63  }
0x263: {  	_ = 	snop  }
0x264: {  	[tilespmem:s24], [sflag:$0x4] =	stream.indirect_vreg.gather [hbm4b:s12+s16], $0x80, v3, vm0, $0xb8;
	[tilespmem:$0x16080] =	vst v63  }
0x265: {  	_ = 	snop  }
0x266: {  	[tilespmem:s6], [sflag:$0x4] =	stream.indirect_vreg.gather [hbm4b:s13+s16], $0x80, v3, vm0, $0xb8;
	[tilespmem:$0x16080] =	vst v63  }
0x267: {  	_ = 	snop  }
0x268: {  	[tilespmem:s7], [sflag:$0x4] =	stream.indirect_vreg.gather [hbm4b:s14+s16], $0x80, v3, vm0, $0xb8;
	[tilespmem:$0x16080] =	vst v63  }
0x269: {  	_ =	swait.ge [sflag:s18], $0x800  }
0x26a: {  	s30 =	sand.u32 $0x70, s16;
	s16 =	sand.u32 $0x3C00, s16;
	[sflag:s18] =	ssyncset.done $0x0  }
0x26b: {  	s16 =	sor.u32 s30, s16;
	[sflag:s18] =	ssyncadd.s32 $0xFFFFF800  }
0x26c: {  	v3 =	vld [tilespmem:s16+$0x5100]  }
0x26d: {  	v46 =	vld [tilespmem:s16+$0x5080]  }
0x26e: {  	v47 =	vld [tilespmem:s16+$0x5180]  }
0x26f: {  	v48 =	vld [tilespmem:s16+$0x5200]  }
0x270: {  	v49 =	vld [tilespmem:s16+$0x5280]  }
0x271: {  	v50 =	vld [tilespmem:s16+$0x5300]  }
0x272: {  	v52 =	vld [tilespmem:s16+$0x5380];
	v51 =	vmax.f32 v46, v3;
	v3 =	vmin.f32 v46, v3  }
0x273: {  	v53 =	vld [tilespmem:s16+$0x5400];
	v9 =	vmax.f32 v51, v47;
	v3 =	vmin.f32 v3, v47  }
0x274: {  	v54 =	vld [tilespmem:s16+$0x9080];
	v9 =	vmax.f32 v9, v48;
	v3 =	vmin.f32 v3, v48  }
0x275: {  	v55 =	vld [tilespmem:s16+$0x9100];
	v9 =	vmax.f32 v9, v49;
	v3 =	vmin.f32 v3, v49  }
0x276: {  	v56 =	vld [tilespmem:s16+$0x9180];
	v9 =	vmax.f32 v9, v50;
	v3 =	vmin.f32 v3, v50  }
0x277: {  	v57 =	vld [tilespmem:s16+$0x9200];
	v9 =	vmax.f32 v9, v52;
	v3 =	vmin.f32 v3, v52  }
0x278: {  	v58 =	vld [tilespmem:s16+$0x9280];
	v9 =	vmax.f32 v9, v53;
	v3 =	vmin.f32 v3, v53  }
0x279: {  	v59 =	vld [tilespmem:s16+$0x9300];
	v9 =	vmax.f32 v9, v54;
	v3 =	vmin.f32 v3, v54  }
0x27a: {  	v60 =	vld [tilespmem:s16+$0x9380];
	v9 =	vmax.f32 v9, v55;
	v3 =	vmin.f32 v3, v55  }
0x27b: {  	v61 =	vld [tilespmem:s16+$0x9400];
	v9 =	vmax.f32 v9, v56;
	v3 =	vmin.f32 v3, v56  }
0x27c: {  	v62 =	vld [tilespmem:s16+$0x1280];
	v9 =	vmax.f32 v9, v57;
	v3 =	vmin.f32 v3, v57  }
0x27d: {  	v9 =	vmax.f32 v9, v58;
	v3 =	vmin.f32 v3, v58  }
0x27e: {  	v63 =	vmax.f32 v9, v59;
	v3 =	vmin.f32 v3, v59  }
0x27f: {  	v5 =	vmax.f32 v63, v60;
	v3 =	vmin.f32 v3, v60  }
0x280: {  	v5 =	vmax.f32 v5, v61;
	v3 =	vmin.f32 v3, v61  }
0x281: {  	v5 =	vsub.f32 v5, v62;
	v3 =	vsub.f32 v62, v3  }
0x282: {  	s28 =	simm.s32 $0x80;
	s30 =	simm.s32 $0x10  }
0x283: {  	s26 =	simm.s32 $0x15080;
	s29 =	sand.u32 $0x3C00, s28;
	s16 =	sand.u32 $0x70, s30;
	v3 =	vmax.f32 v5, v3  }
0x284: {  	s16 =	sor.u32 s16, s29;
	s29 =	simm.s32 $0x20;
	[tilespmem:s26+$0x0] =	vst v3  }
.LBB2_11:
0x285: {  	p0 =	sne.s32 s29, $0x7F0;
	v3 =	vld [tilespmem:s16+$0x5100]  }
0x286: {  	v4 =	vld [tilespmem:s16+$0x5080]  }
0x287: {  	v5 =	vld [tilespmem:s16+$0x5180]  }
0x288: {  	v6 =	vld [tilespmem:s16+$0x5200]  }
0x289: {  	v7 =	vld [tilespmem:s16+$0x5280]  }
0x28a: {  	v8 =	vld [tilespmem:s16+$0x5300]  }
0x28b: {  	v9 =	vmax.f32 v4, v3;
	v3 =	vmin.f32 v4, v3;
	v4 =	vld [tilespmem:s16+$0x5380]  }
0x28c: {  	v9 =	vmax.f32 v9, v5;
	v3 =	vmin.f32 v3, v5;
	v5 =	vld [tilespmem:s16+$0x5400]  }
0x28d: {  	v9 =	vmax.f32 v9, v6;
	v3 =	vmin.f32 v3, v6;
	v6 =	vld [tilespmem:s16+$0x9080]  }
0x28e: {  	v9 =	vmax.f32 v9, v7;
	v3 =	vmin.f32 v3, v7;
	v7 =	vld [tilespmem:s16+$0x9100]  }
0x28f: {  	v9 =	vmax.f32 v9, v8;
	v3 =	vmin.f32 v3, v8;
	v8 =	vld [tilespmem:s16+$0x9180]  }
0x290: {  	v9 =	vmax.f32 v9, v4;
	v3 =	vmin.f32 v3, v4;
	v4 =	vld [tilespmem:s16+$0x9200]  }
0x291: {  	v9 =	vmax.f32 v9, v5;
	v3 =	vmin.f32 v3, v5;
	v5 =	vld [tilespmem:s16+$0x9280]  }
0x292: {  	v9 =	vmax.f32 v9, v6;
	v3 =	vmin.f32 v3, v6;
	v6 =	vld [tilespmem:s16+$0x9300]  }
0x293: {  	v9 =	vmax.f32 v9, v7;
	v3 =	vmin.f32 v3, v7;
	v7 =	vld [tilespmem:s16+$0x9380]  }
0x294: {  	v9 =	vmax.f32 v9, v8;
	v3 =	vmin.f32 v3, v8;
	v8 =	vld [tilespmem:s16+$0x9400]  }
0x295: {  	v9 =	vmax.f32 v9, v4;
	v3 =	vmin.f32 v3, v4;
	v4 =	vld [tilespmem:s16+$0x1280]  }
0x296: {  	v9 =	vmax.f32 v9, v5;
	v3 =	vmin.f32 v3, v5  }
0x297: {  	v5 =	vmax.f32 v9, v6;
	v3 =	vmin.f32 v3, v6  }
0x298: {  	v5 =	vmax.f32 v5, v7;
	v3 =	vmin.f32 v3, v7  }
.Ltmp4:
0x299: {  	v5 =	vmax.f32 v5, v8;
	v3 =	vmin.f32 v3, v8;
	(pc) =	sbr.rel @p0 .LBB2_11-.Ltmp4, $4  }
0x29a: {  	v5 =	vsub.f32 v5, v4;
	v3 =	vsub.f32 v4, v3  }
0x29b: {  	s28 =	sadd.s32 $0x80, s28  }
0x29c: {  	s26 =	sadd.s32 $0x10, s26;
	s30 =	sand.u32 $0x3C00, s28;
	s16 =	sand.u32 $0x70, s29;
	v3 =	vmax.f32 v5, v3  }
0x29d: {  	s29 =	sadd.s32 $0x10, s29;
	s16 =	sor.u32 s16, s30;
	[tilespmem:s26+$0x0] =	vst v3  }
0x29e: {  	v3 =	vld [tilespmem:s16+$0x5100]  }
0x29f: {  	v4 =	vld [tilespmem:s16+$0x5080]  }
0x2a0: {  	v5 =	vld [tilespmem:s16+$0x5180]  }
0x2a1: {  	v6 =	vld [tilespmem:s16+$0x5200]  }
0x2a2: {  	v7 =	vld [tilespmem:s16+$0x5280]  }
0x2a3: {  	v8 =	vld [tilespmem:s16+$0x5300]  }
0x2a4: {  	v33 =	vld [tilespmem:s16+$0x5380];
	v9 =	vmax.f32 v4, v3;
	v3 =	vmin.f32 v4, v3  }
0x2a5: {  	v34 =	vld [tilespmem:s16+$0x5400];
	v9 =	vmax.f32 v9, v5;
	v3 =	vmin.f32 v3, v5  }
0x2a6: {  	v35 =	vld [tilespmem:s16+$0x9080];
	v9 =	vmax.f32 v9, v6;
	v3 =	vmin.f32 v3, v6  }
0x2a7: {  	v36 =	vld [tilespmem:s16+$0x9100];
	v9 =	vmax.f32 v9, v7;
	v3 =	vmin.f32 v3, v7  }
0x2a8: {  	v37 =	vld [tilespmem:s16+$0x9180];
	v9 =	vmax.f32 v9, v8;
	v3 =	vmin.f32 v3, v8  }
0x2a9: {  	v38 =	vld [tilespmem:s16+$0x9200];
	v9 =	vmax.f32 v9, v33;
	v3 =	vmin.f32 v3, v33  }
0x2aa: {  	v39 =	vld [tilespmem:s16+$0x9280];
	v9 =	vmax.f32 v9, v34;
	v3 =	vmin.f32 v3, v34  }
0x2ab: {  	v40 =	vld [tilespmem:s16+$0x9300];
	v9 =	vmax.f32 v9, v35;
	v3 =	vmin.f32 v3, v35  }
0x2ac: {  	v41 =	vld [tilespmem:s16+$0x9380];
	v9 =	vmax.f32 v9, v36;
	v3 =	vmin.f32 v3, v36  }
0x2ad: {  	v42 =	vld [tilespmem:s16+$0x9400];
	v9 =	vmax.f32 v9, v37;
	v3 =	vmin.f32 v3, v37  }
0x2ae: {  	v43 =	vld [tilespmem:s16+$0x1280];
	v9 =	vmax.f32 v9, v38;
	v3 =	vmin.f32 v3, v38  }
0x2af: {  	v9 =	vmax.f32 v9, v39;
	v3 =	vmin.f32 v3, v39  }
0x2b0: {  	v44 =	vmax.f32 v9, v40;
	v3 =	vmin.f32 v3, v40  }
0x2b1: {  	v5 =	vmax.f32 v44, v41;
	v3 =	vmin.f32 v3, v41  }
0x2b2: {  	v5 =	vmax.f32 v5, v42;
	v3 =	vmin.f32 v3, v42  }
0x2b3: {  	v5 =	vsub.f32 v5, v43;
	v3 =	vsub.f32 v43, v3;
	_ =	sdelay $0x1  }
0x2b4: {  	s30 =	sadd.s32 $0x10, s26;
	s26 =	rddreg [dreg:$0xb];
	v3 =	vmax.f32 v5, v3  }
0x2b5: {  	s16 =	sadd.s32 s21, s26;
	[tilespmem:s30+$0x0] =	vst v3  }
0x2b6: {  	[hbm4b:s16+s22] =	stream.strided.scatter [tilespmem:s3], [sflag:$0x5], $0x800, s23, s22, $0x38;
	[tilespmem:$0x16080] =	vst v63  }
0x2b7: {  	_ =	swait.ge [sflag:s5], $0x8000  }
0x2b8: {  	[sflag:s5] =	ssyncset.done $0x0  }
0x2b9: {  	[sflag:s5] =	ssyncadd.s32 $0xFFFF8000  }
0x2ba: {  	v3 =	vld [tilespmem:s25+$0x300];
	_ =	sdelay $0x4  }
0x2bb: {  	v45 =	vshll.u32 v3, $0x4  }
0x2bc: {  	v3 =	vand.u32 $0x7, v3;
	v4 =	vand.u32 $0xFFFFFF80, v45  }
0x2bd: {  	v3 =	vor.u32 v3, v4  }
0x2be: {  	v4 =	vperm.xlane v3, v0;
	_ =	sdelay $0x1  }
0x2bf: {  	v4 =	vadd.s32 v1, v4;
	_ =	sdelay $0x3  }
0x2c0: {  	s30 =	simm.s32 $0x5080;
	s16 =	simm.s32 $0x0  }
0x2c1: {  	[tilespmem:s30], [sflag:$0x3] =	stream.indirect_vreg.gather [hbm4b:s2+s16], $0x80, v4, vm0, $0xb8;
	[tilespmem:$0x16080] =	vst v63  }
0x2c2: {  	s30 =	simm.s32 $0x5880  }
0x2c3: {  	[tilespmem:s30], [sflag:$0x3] =	stream.indirect_vreg.gather [hbm4b:s8+s16], $0x80, v4, vm0, $0xb8;
	[tilespmem:$0x16080] =	vst v63  }
0x2c4: {  	s30 =	simm.s32 $0x6080  }
0x2c5: {  	[tilespmem:s30], [sflag:$0x3] =	stream.indirect_vreg.gather [hbm4b:s9+s16], $0x80, v4, vm0, $0xb8;
	[tilespmem:$0x16080] =	vst v63  }
0x2c6: {  	s30 =	simm.s32 $0x6880  }
0x2c7: {  	[tilespmem:s30], [sflag:$0x3] =	stream.indirect_vreg.gather [hbm4b:s10+s16], $0x80, v4, vm0, $0xb8;
	[tilespmem:$0x16080] =	vst v63  }
0x2c8: {  	s30 =	simm.s32 $0x7080  }
0x2c9: {  	[tilespmem:s30], [sflag:$0x3] =	stream.indirect_vreg.gather [hbm4b:s11+s16], $0x80, v4, vm0, $0xb8;
	[tilespmem:$0x16080] =	vst v63  }
0x2ca: {  	v3 =	vperm.xlane v3, v2;
	s30 =	simm.s32 $0x7880  }
0x2cb: {  	[tilespmem:s30], [sflag:$0x3] =	stream.indirect_vreg.gather [hbm4b:s12+s16], $0x80, v4, vm0, $0xb8;
	[tilespmem:$0x16080] =	vst v63  }
0x2cc: {  	v3 =	vadd.s32 v1, v3;
	s30 =	simm.s32 $0x8080  }
0x2cd: {  	[tilespmem:s30], [sflag:$0x3] =	stream.indirect_vreg.gather [hbm4b:s13+s16], $0x80, v4, vm0, $0xb8;
	[tilespmem:$0x16080] =	vst v63  }
0x2ce: {  	s30 =	simm.s32 $0x8880  }
0x2cf: {  	[tilespmem:s30], [sflag:$0x3] =	stream.indirect_vreg.gather [hbm4b:s14+s16], $0x80, v4, vm0, $0xb8;
	[tilespmem:$0x16080] =	vst v63  }
0x2d0: {  	s30 =	simm.s32 $0x9080  }
0x2d1: {  	[tilespmem:s30], [sflag:$0x3] =	stream.indirect_vreg.gather [hbm4b:s2+s16], $0x80, v3, vm0, $0xb8;
	[tilespmem:$0x16080] =	vst v63  }
0x2d2: {  	s30 =	simm.s32 $0x9880  }
0x2d3: {  	[tilespmem:s30], [sflag:$0x3] =	stream.indirect_vreg.gather [hbm4b:s8+s16], $0x80, v3, vm0, $0xb8;
	[tilespmem:$0x16080] =	vst v63  }
0x2d4: {  	s30 =	simm.s32 $0xA080  }
0x2d5: {  	[tilespmem:s30], [sflag:$0x3] =	stream.indirect_vreg.gather [hbm4b:s9+s16], $0x80, v3, vm0, $0xb8;
	[tilespmem:$0x16080] =	vst v63  }
0x2d6: {  	s30 =	simm.s32 $0xA880  }
0x2d7: {  	[tilespmem:s30], [sflag:$0x3] =	stream.indirect_vreg.gather [hbm4b:s10+s16], $0x80, v3, vm0, $0xb8;
	[tilespmem:$0x16080] =	vst v63  }
0x2d8: {  	s30 =	simm.s32 $0xB080  }
0x2d9: {  	[tilespmem:s30], [sflag:$0x3] =	stream.indirect_vreg.gather [hbm4b:s11+s16], $0x80, v3, vm0, $0xb8;
	[tilespmem:$0x16080] =	vst v63  }
0x2da: {  	s30 =	simm.s32 $0xB880  }
0x2db: {  	[tilespmem:s30], [sflag:$0x3] =	stream.indirect_vreg.gather [hbm4b:s12+s16], $0x80, v3, vm0, $0xb8;
	[tilespmem:$0x16080] =	vst v63  }
0x2dc: {  	s30 =	simm.s32 $0xC080  }
0x2dd: {  	[tilespmem:s30], [sflag:$0x3] =	stream.indirect_vreg.gather [hbm4b:s13+s16], $0x80, v3, vm0, $0xb8;
	[tilespmem:$0x16080] =	vst v63  }
0x2de: {  	s30 =	simm.s32 $0xC880  }
0x2df: {  	[tilespmem:s30], [sflag:$0x3] =	stream.indirect_vreg.gather [hbm4b:s14+s16], $0x80, v3, vm0, $0xb8;
	[tilespmem:$0x16080] =	vst v63  }
0x2e0: {  	_ =	swait.ge [sflag:s19], $0x800  }
0x2e1: {  	s30 =	sand.u32 $0x70, s16;
	s16 =	sand.u32 $0x3C00, s16;
	[sflag:s19] =	ssyncset.done $0x0  }
0x2e2: {  	s16 =	sor.u32 s30, s16;
	[sflag:s19] =	ssyncadd.s32 $0xFFFFF800  }
0x2e3: {  	v3 =	vld [tilespmem:s16+$0xD100]  }
0x2e4: {  	v46 =	vld [tilespmem:s16+$0xD080]  }
0x2e5: {  	v47 =	vld [tilespmem:s16+$0xD180]  }
0x2e6: {  	v48 =	vld [tilespmem:s16+$0xD200]  }
0x2e7: {  	v49 =	vld [tilespmem:s16+$0xD280]  }
0x2e8: {  	v50 =	vld [tilespmem:s16+$0xD300]  }
0x2e9: {  	v52 =	vld [tilespmem:s16+$0xD380];
	v51 =	vmax.f32 v46, v3;
	v3 =	vmin.f32 v46, v3  }
0x2ea: {  	v53 =	vld [tilespmem:s16+$0xD400];
	v9 =	vmax.f32 v51, v47;
	v3 =	vmin.f32 v3, v47  }
0x2eb: {  	v54 =	vld [tilespmem:s16+$0x11080];
	v9 =	vmax.f32 v9, v48;
	v3 =	vmin.f32 v3, v48  }
0x2ec: {  	v55 =	vld [tilespmem:s16+$0x11100];
	v9 =	vmax.f32 v9, v49;
	v3 =	vmin.f32 v3, v49  }
0x2ed: {  	v56 =	vld [tilespmem:s16+$0x11180];
	v9 =	vmax.f32 v9, v50;
	v3 =	vmin.f32 v3, v50  }
0x2ee: {  	v57 =	vld [tilespmem:s16+$0x11200];
	v9 =	vmax.f32 v9, v52;
	v3 =	vmin.f32 v3, v52  }
0x2ef: {  	v58 =	vld [tilespmem:s16+$0x11280];
	v9 =	vmax.f32 v9, v53;
	v3 =	vmin.f32 v3, v53  }
0x2f0: {  	v59 =	vld [tilespmem:s16+$0x11300];
	v9 =	vmax.f32 v9, v54;
	v3 =	vmin.f32 v3, v54  }
0x2f1: {  	v60 =	vld [tilespmem:s16+$0x11380];
	v9 =	vmax.f32 v9, v55;
	v3 =	vmin.f32 v3, v55  }
0x2f2: {  	v61 =	vld [tilespmem:s16+$0x11400];
	v9 =	vmax.f32 v9, v56;
	v3 =	vmin.f32 v3, v56  }
0x2f3: {  	v62 =	vld [tilespmem:s16+$0x1300];
	v9 =	vmax.f32 v9, v57;
	v3 =	vmin.f32 v3, v57  }
0x2f4: {  	v9 =	vmax.f32 v9, v58;
	v3 =	vmin.f32 v3, v58  }
0x2f5: {  	v63 =	vmax.f32 v9, v59;
	v3 =	vmin.f32 v3, v59  }
0x2f6: {  	v5 =	vmax.f32 v63, v60;
	v3 =	vmin.f32 v3, v60  }
0x2f7: {  	v5 =	vmax.f32 v5, v61;
	v3 =	vmin.f32 v3, v61  }
0x2f8: {  	v5 =	vsub.f32 v5, v62;
	v3 =	vsub.f32 v62, v3  }
0x2f9: {  	s28 =	simm.s32 $0x80;
	s30 =	simm.s32 $0x10  }
0x2fa: {  	s26 =	simm.s32 $0x15880;
	s29 =	sand.u32 $0x3C00, s28;
	s16 =	sand.u32 $0x70, s30;
	v3 =	vmax.f32 v5, v3  }
0x2fb: {  	s16 =	sor.u32 s16, s29;
	s29 =	simm.s32 $0x20;
	[tilespmem:s26+$0x0] =	vst v3  }
.LBB2_13:
0x2fc: {  	p0 =	sne.s32 s29, $0x7F0;
	v3 =	vld [tilespmem:s16+$0xD100]  }
0x2fd: {  	v4 =	vld [tilespmem:s16+$0xD080]  }
0x2fe: {  	v5 =	vld [tilespmem:s16+$0xD180]  }
0x2ff: {  	v6 =	vld [tilespmem:s16+$0xD200]  }
0x300: {  	v7 =	vld [tilespmem:s16+$0xD280]  }
0x301: {  	v8 =	vld [tilespmem:s16+$0xD300]  }
0x302: {  	v9 =	vmax.f32 v4, v3;
	v3 =	vmin.f32 v4, v3;
	v4 =	vld [tilespmem:s16+$0xD380]  }
0x303: {  	v9 =	vmax.f32 v9, v5;
	v3 =	vmin.f32 v3, v5;
	v5 =	vld [tilespmem:s16+$0xD400]  }
0x304: {  	v9 =	vmax.f32 v9, v6;
	v3 =	vmin.f32 v3, v6;
	v6 =	vld [tilespmem:s16+$0x11080]  }
0x305: {  	v9 =	vmax.f32 v9, v7;
	v3 =	vmin.f32 v3, v7;
	v7 =	vld [tilespmem:s16+$0x11100]  }
0x306: {  	v9 =	vmax.f32 v9, v8;
	v3 =	vmin.f32 v3, v8;
	v8 =	vld [tilespmem:s16+$0x11180]  }
0x307: {  	v9 =	vmax.f32 v9, v4;
	v3 =	vmin.f32 v3, v4;
	v4 =	vld [tilespmem:s16+$0x11200]  }
0x308: {  	v9 =	vmax.f32 v9, v5;
	v3 =	vmin.f32 v3, v5;
	v5 =	vld [tilespmem:s16+$0x11280]  }
0x309: {  	v9 =	vmax.f32 v9, v6;
	v3 =	vmin.f32 v3, v6;
	v6 =	vld [tilespmem:s16+$0x11300]  }
0x30a: {  	v9 =	vmax.f32 v9, v7;
	v3 =	vmin.f32 v3, v7;
	v7 =	vld [tilespmem:s16+$0x11380]  }
0x30b: {  	v9 =	vmax.f32 v9, v8;
	v3 =	vmin.f32 v3, v8;
	v8 =	vld [tilespmem:s16+$0x11400]  }
0x30c: {  	v9 =	vmax.f32 v9, v4;
	v3 =	vmin.f32 v3, v4;
	v4 =	vld [tilespmem:s16+$0x1300]  }
0x30d: {  	v9 =	vmax.f32 v9, v5;
	v3 =	vmin.f32 v3, v5  }
0x30e: {  	v5 =	vmax.f32 v9, v6;
	v3 =	vmin.f32 v3, v6  }
0x30f: {  	v5 =	vmax.f32 v5, v7;
	v3 =	vmin.f32 v3, v7  }
.Ltmp5:
0x310: {  	v5 =	vmax.f32 v5, v8;
	v3 =	vmin.f32 v3, v8;
	(pc) =	sbr.rel @p0 .LBB2_13-.Ltmp5, $4  }
0x311: {  	v5 =	vsub.f32 v5, v4;
	v3 =	vsub.f32 v4, v3  }
0x312: {  	s28 =	sadd.s32 $0x80, s28  }
0x313: {  	s26 =	sadd.s32 $0x10, s26;
	s30 =	sand.u32 $0x3C00, s28;
	s16 =	sand.u32 $0x70, s29;
	v3 =	vmax.f32 v5, v3  }
0x314: {  	s29 =	sadd.s32 $0x10, s29;
	s16 =	sor.u32 s16, s30;
	[tilespmem:s26+$0x0] =	vst v3  }
0x315: {  	v3 =	vld [tilespmem:s16+$0xD100]  }
0x316: {  	v4 =	vld [tilespmem:s16+$0xD080]  }
0x317: {  	v5 =	vld [tilespmem:s16+$0xD180]  }
0x318: {  	v6 =	vld [tilespmem:s16+$0xD200]  }
0x319: {  	v7 =	vld [tilespmem:s16+$0xD280]  }
0x31a: {  	v8 =	vld [tilespmem:s16+$0xD300]  }
0x31b: {  	v33 =	vld [tilespmem:s16+$0xD380];
	v9 =	vmax.f32 v4, v3;
	v3 =	vmin.f32 v4, v3  }
0x31c: {  	v34 =	vld [tilespmem:s16+$0xD400];
	v9 =	vmax.f32 v9, v5;
	v3 =	vmin.f32 v3, v5  }
0x31d: {  	v35 =	vld [tilespmem:s16+$0x11080];
	v9 =	vmax.f32 v9, v6;
	v3 =	vmin.f32 v3, v6  }
0x31e: {  	v36 =	vld [tilespmem:s16+$0x11100];
	v9 =	vmax.f32 v9, v7;
	v3 =	vmin.f32 v3, v7  }
0x31f: {  	v37 =	vld [tilespmem:s16+$0x11180];
	v9 =	vmax.f32 v9, v8;
	v3 =	vmin.f32 v3, v8  }
0x320: {  	v38 =	vld [tilespmem:s16+$0x11200];
	v9 =	vmax.f32 v9, v33;
	v3 =	vmin.f32 v3, v33  }
0x321: {  	v39 =	vld [tilespmem:s16+$0x11280];
	v9 =	vmax.f32 v9, v34;
	v3 =	vmin.f32 v3, v34  }
0x322: {  	v40 =	vld [tilespmem:s16+$0x11300];
	v9 =	vmax.f32 v9, v35;
	v3 =	vmin.f32 v3, v35  }
0x323: {  	v41 =	vld [tilespmem:s16+$0x11380];
	v9 =	vmax.f32 v9, v36;
	v3 =	vmin.f32 v3, v36  }
0x324: {  	v42 =	vld [tilespmem:s16+$0x11400];
	v9 =	vmax.f32 v9, v37;
	v3 =	vmin.f32 v3, v37  }
0x325: {  	v43 =	vld [tilespmem:s16+$0x1300];
	v9 =	vmax.f32 v9, v38;
	v3 =	vmin.f32 v3, v38  }
0x326: {  	v9 =	vmax.f32 v9, v39;
	v3 =	vmin.f32 v3, v39  }
0x327: {  	v44 =	vmax.f32 v9, v40;
	v3 =	vmin.f32 v3, v40  }
0x328: {  	v5 =	vmax.f32 v44, v41;
	v3 =	vmin.f32 v3, v41  }
0x329: {  	v5 =	vmax.f32 v5, v42;
	v3 =	vmin.f32 v3, v42  }
0x32a: {  	v5 =	vsub.f32 v5, v43;
	v3 =	vsub.f32 v43, v3;
	_ =	sdelay $0x1  }
0x32b: {  	s30 =	sadd.s32 $0x10, s26;
	s26 =	rddreg [dreg:$0xc];
	v3 =	vmax.f32 v5, v3  }
0x32c: {  	s16 =	sadd.s32 s21, s26;
	[tilespmem:s30+$0x0] =	vst v3  }
0x32d: {  	[hbm4b:s16+s22] =	stream.strided.scatter [tilespmem:s15], [sflag:$0x6], $0x800, s23, s22, $0x38;
	[tilespmem:$0x16080] =	vst v63  }
0x32e: {  	_ =	swait.ge [sflag:s17], $0x8000  }
0x32f: {  	[sflag:s17] =	ssyncset.done $0x0  }
0x330: {  	[sflag:s17] =	ssyncadd.s32 $0xFFFF8000  }
0x331: {  	v3 =	vld [tilespmem:s25+$0x380];
	_ =	sdelay $0x4  }
0x332: {  	v45 =	vshll.u32 v3, $0x4  }
0x333: {  	v3 =	vand.u32 $0x7, v3;
	v4 =	vand.u32 $0xFFFFFF80, v45  }
0x334: {  	v3 =	vor.u32 v3, v4  }
0x335: {  	v4 =	vperm.xlane v3, v0;
	_ =	sdelay $0x1  }
0x336: {  	v4 =	vadd.s32 v1, v4;
	_ =	sdelay $0x3  }
0x337: {  	s30 =	simm.s32 $0xD080;
	s16 =	simm.s32 $0x0  }
0x338: {  	[tilespmem:s30], [sflag:$0x4] =	stream.indirect_vreg.gather [hbm4b:s2+s16], $0x80, v4, vm0, $0xb8;
	[tilespmem:$0x16080] =	vst v63  }
0x339: {  	s30 =	simm.s32 $0xD880  }
0x33a: {  	[tilespmem:s30], [sflag:$0x4] =	stream.indirect_vreg.gather [hbm4b:s8+s16], $0x80, v4, vm0, $0xb8;
	[tilespmem:$0x16080] =	vst v63  }
0x33b: {  	s30 =	simm.s32 $0xE080  }
0x33c: {  	[tilespmem:s30], [sflag:$0x4] =	stream.indirect_vreg.gather [hbm4b:s9+s16], $0x80, v4, vm0, $0xb8;
	[tilespmem:$0x16080] =	vst v63  }
0x33d: {  	s30 =	simm.s32 $0xE880  }
0x33e: {  	[tilespmem:s30], [sflag:$0x4] =	stream.indirect_vreg.gather [hbm4b:s10+s16], $0x80, v4, vm0, $0xb8;
	[tilespmem:$0x16080] =	vst v63  }
0x33f: {  	s30 =	simm.s32 $0xF080  }
0x340: {  	[tilespmem:s30], [sflag:$0x4] =	stream.indirect_vreg.gather [hbm4b:s11+s16], $0x80, v4, vm0, $0xb8;
	[tilespmem:$0x16080] =	vst v63  }
0x341: {  	v3 =	vperm.xlane v3, v2;
	s30 =	simm.s32 $0xF880  }
0x342: {  	[tilespmem:s30], [sflag:$0x4] =	stream.indirect_vreg.gather [hbm4b:s12+s16], $0x80, v4, vm0, $0xb8;
	[tilespmem:$0x16080] =	vst v63  }
0x343: {  	v3 =	vadd.s32 v1, v3;
	s30 =	simm.s32 $0x10080  }
0x344: {  	[tilespmem:s30], [sflag:$0x4] =	stream.indirect_vreg.gather [hbm4b:s13+s16], $0x80, v4, vm0, $0xb8;
	[tilespmem:$0x16080] =	vst v63  }
0x345: {  	s30 =	simm.s32 $0x10880  }
0x346: {  	[tilespmem:s30], [sflag:$0x4] =	stream.indirect_vreg.gather [hbm4b:s14+s16], $0x80, v4, vm0, $0xb8;
	[tilespmem:$0x16080] =	vst v63  }
0x347: {  	s30 =	simm.s32 $0x11080  }
0x348: {  	[tilespmem:s30], [sflag:$0x4] =	stream.indirect_vreg.gather [hbm4b:s2+s16], $0x80, v3, vm0, $0xb8;
	[tilespmem:$0x16080] =	vst v63  }
0x349: {  	s30 =	simm.s32 $0x11880  }
0x34a: {  	[tilespmem:s30], [sflag:$0x4] =	stream.indirect_vreg.gather [hbm4b:s8+s16], $0x80, v3, vm0, $0xb8;
	[tilespmem:$0x16080] =	vst v63  }
0x34b: {  	_ = 	snop  }
0x34c: {  	[tilespmem:s31], [sflag:$0x4] =	stream.indirect_vreg.gather [hbm4b:s9+s16], $0x80, v3, vm0, $0xb8;
	[tilespmem:$0x16080] =	vst v63  }
0x34d: {  	_ = 	snop  }
0x34e: {  	[tilespmem:s0], [sflag:$0x4] =	stream.indirect_vreg.gather [hbm4b:s10+s16], $0x80, v3, vm0, $0xb8;
	[tilespmem:$0x16080] =	vst v63  }
0x34f: {  	_ = 	snop  }
0x350: {  	[tilespmem:s1], [sflag:$0x4] =	stream.indirect_vreg.gather [hbm4b:s11+s16], $0x80, v3, vm0, $0xb8;
	[tilespmem:$0x16080] =	vst v63  }
0x351: {  	_ = 	snop  }
0x352: {  	[tilespmem:s24], [sflag:$0x4] =	stream.indirect_vreg.gather [hbm4b:s12+s16], $0x80, v3, vm0, $0xb8;
	[tilespmem:$0x16080] =	vst v63  }
0x353: {  	_ = 	snop  }
0x354: {  	[tilespmem:s6], [sflag:$0x4] =	stream.indirect_vreg.gather [hbm4b:s13+s16], $0x80, v3, vm0, $0xb8;
	[tilespmem:$0x16080] =	vst v63  }
0x355: {  	_ = 	snop  }
0x356: {  	[tilespmem:s7], [sflag:$0x4] =	stream.indirect_vreg.gather [hbm4b:s14+s16], $0x80, v3, vm0, $0xb8;
	[tilespmem:$0x16080] =	vst v63  }
0x357: {  	_ =	swait.ge [sflag:s18], $0x800  }
0x358: {  	s30 =	sand.u32 $0x70, s16;
	s16 =	sand.u32 $0x3C00, s16;
	[sflag:s18] =	ssyncset.done $0x0  }
0x359: {  	s16 =	sor.u32 s30, s16;
	[sflag:s18] =	ssyncadd.s32 $0xFFFFF800  }
0x35a: {  	v3 =	vld [tilespmem:s16+$0x5100]  }
0x35b: {  	v46 =	vld [tilespmem:s16+$0x5080]  }
0x35c: {  	v47 =	vld [tilespmem:s16+$0x5180]  }
0x35d: {  	v48 =	vld [tilespmem:s16+$0x5200]  }
0x35e: {  	v49 =	vld [tilespmem:s16+$0x5280]  }
0x35f: {  	v50 =	vld [tilespmem:s16+$0x5300]  }
0x360: {  	v52 =	vld [tilespmem:s16+$0x5380];
	v51 =	vmax.f32 v46, v3;
	v3 =	vmin.f32 v46, v3  }
0x361: {  	v53 =	vld [tilespmem:s16+$0x5400];
	v9 =	vmax.f32 v51, v47;
	v3 =	vmin.f32 v3, v47  }
0x362: {  	v54 =	vld [tilespmem:s16+$0x9080];
	v9 =	vmax.f32 v9, v48;
	v3 =	vmin.f32 v3, v48  }
0x363: {  	v55 =	vld [tilespmem:s16+$0x9100];
	v9 =	vmax.f32 v9, v49;
	v3 =	vmin.f32 v3, v49  }
0x364: {  	v56 =	vld [tilespmem:s16+$0x9180];
	v9 =	vmax.f32 v9, v50;
	v3 =	vmin.f32 v3, v50  }
0x365: {  	v57 =	vld [tilespmem:s16+$0x9200];
	v9 =	vmax.f32 v9, v52;
	v3 =	vmin.f32 v3, v52  }
0x366: {  	v58 =	vld [tilespmem:s16+$0x9280];
	v9 =	vmax.f32 v9, v53;
	v3 =	vmin.f32 v3, v53  }
0x367: {  	v59 =	vld [tilespmem:s16+$0x9300];
	v9 =	vmax.f32 v9, v54;
	v3 =	vmin.f32 v3, v54  }
0x368: {  	v60 =	vld [tilespmem:s16+$0x9380];
	v9 =	vmax.f32 v9, v55;
	v3 =	vmin.f32 v3, v55  }
0x369: {  	v61 =	vld [tilespmem:s16+$0x9400];
	v9 =	vmax.f32 v9, v56;
	v3 =	vmin.f32 v3, v56  }
0x36a: {  	v62 =	vld [tilespmem:s16+$0x1380];
	v9 =	vmax.f32 v9, v57;
	v3 =	vmin.f32 v3, v57  }
0x36b: {  	v9 =	vmax.f32 v9, v58;
	v3 =	vmin.f32 v3, v58  }
0x36c: {  	v63 =	vmax.f32 v9, v59;
	v3 =	vmin.f32 v3, v59  }
0x36d: {  	v5 =	vmax.f32 v63, v60;
	v3 =	vmin.f32 v3, v60  }
0x36e: {  	v5 =	vmax.f32 v5, v61;
	v3 =	vmin.f32 v3, v61  }
0x36f: {  	v5 =	vsub.f32 v5, v62;
	v3 =	vsub.f32 v62, v3  }
0x370: {  	s28 =	simm.s32 $0x80;
	s30 =	simm.s32 $0x10  }
0x371: {  	s26 =	simm.s32 $0x15080;
	s29 =	sand.u32 $0x3C00, s28;
	s16 =	sand.u32 $0x70, s30;
	v3 =	vmax.f32 v5, v3  }
0x372: {  	s16 =	sor.u32 s16, s29;
	s29 =	simm.s32 $0x20;
	[tilespmem:s26+$0x0] =	vst v3  }
.LBB2_15:
0x373: {  	p0 =	sne.s32 s29, $0x7F0;
	v3 =	vld [tilespmem:s16+$0x5100]  }
0x374: {  	v4 =	vld [tilespmem:s16+$0x5080]  }
0x375: {  	v5 =	vld [tilespmem:s16+$0x5180]  }
0x376: {  	v6 =	vld [tilespmem:s16+$0x5200]  }
0x377: {  	v7 =	vld [tilespmem:s16+$0x5280]  }
0x378: {  	v8 =	vld [tilespmem:s16+$0x5300]  }
0x379: {  	v9 =	vmax.f32 v4, v3;
	v3 =	vmin.f32 v4, v3;
	v4 =	vld [tilespmem:s16+$0x5380]  }
0x37a: {  	v9 =	vmax.f32 v9, v5;
	v3 =	vmin.f32 v3, v5;
	v5 =	vld [tilespmem:s16+$0x5400]  }
0x37b: {  	v9 =	vmax.f32 v9, v6;
	v3 =	vmin.f32 v3, v6;
	v6 =	vld [tilespmem:s16+$0x9080]  }
0x37c: {  	v9 =	vmax.f32 v9, v7;
	v3 =	vmin.f32 v3, v7;
	v7 =	vld [tilespmem:s16+$0x9100]  }
0x37d: {  	v9 =	vmax.f32 v9, v8;
	v3 =	vmin.f32 v3, v8;
	v8 =	vld [tilespmem:s16+$0x9180]  }
0x37e: {  	v9 =	vmax.f32 v9, v4;
	v3 =	vmin.f32 v3, v4;
	v4 =	vld [tilespmem:s16+$0x9200]  }
0x37f: {  	v9 =	vmax.f32 v9, v5;
	v3 =	vmin.f32 v3, v5;
	v5 =	vld [tilespmem:s16+$0x9280]  }
0x380: {  	v9 =	vmax.f32 v9, v6;
	v3 =	vmin.f32 v3, v6;
	v6 =	vld [tilespmem:s16+$0x9300]  }
0x381: {  	v9 =	vmax.f32 v9, v7;
	v3 =	vmin.f32 v3, v7;
	v7 =	vld [tilespmem:s16+$0x9380]  }
0x382: {  	v9 =	vmax.f32 v9, v8;
	v3 =	vmin.f32 v3, v8;
	v8 =	vld [tilespmem:s16+$0x9400]  }
0x383: {  	v9 =	vmax.f32 v9, v4;
	v3 =	vmin.f32 v3, v4;
	v4 =	vld [tilespmem:s16+$0x1380]  }
0x384: {  	v9 =	vmax.f32 v9, v5;
	v3 =	vmin.f32 v3, v5  }
0x385: {  	v5 =	vmax.f32 v9, v6;
	v3 =	vmin.f32 v3, v6  }
0x386: {  	v5 =	vmax.f32 v5, v7;
	v3 =	vmin.f32 v3, v7  }
.Ltmp6:
0x387: {  	v5 =	vmax.f32 v5, v8;
	v3 =	vmin.f32 v3, v8;
	(pc) =	sbr.rel @p0 .LBB2_15-.Ltmp6, $4  }
0x388: {  	v5 =	vsub.f32 v5, v4;
	v3 =	vsub.f32 v4, v3  }
0x389: {  	s28 =	sadd.s32 $0x80, s28  }
0x38a: {  	s26 =	sadd.s32 $0x10, s26;
	s30 =	sand.u32 $0x3C00, s28;
	s16 =	sand.u32 $0x70, s29;
	v3 =	vmax.f32 v5, v3  }
0x38b: {  	s29 =	sadd.s32 $0x10, s29;
	s16 =	sor.u32 s16, s30;
	[tilespmem:s26+$0x0] =	vst v3  }
0x38c: {  	v3 =	vld [tilespmem:s16+$0x5100]  }
0x38d: {  	v4 =	vld [tilespmem:s16+$0x5080]  }
0x38e: {  	v5 =	vld [tilespmem:s16+$0x5180]  }
0x38f: {  	v6 =	vld [tilespmem:s16+$0x5200]  }
0x390: {  	v7 =	vld [tilespmem:s16+$0x5280]  }
0x391: {  	v8 =	vld [tilespmem:s16+$0x5300]  }
0x392: {  	v34 =	vld [tilespmem:s16+$0x5380];
	v9 =	vmax.f32 v4, v3;
	v3 =	vmin.f32 v4, v3  }
0x393: {  	v35 =	vld [tilespmem:s16+$0x5400];
	v9 =	vmax.f32 v9, v5;
	v3 =	vmin.f32 v3, v5  }
0x394: {  	v36 =	vld [tilespmem:s16+$0x9080];
	v9 =	vmax.f32 v9, v6;
	v3 =	vmin.f32 v3, v6  }
0x395: {  	v37 =	vld [tilespmem:s16+$0x9100];
	v9 =	vmax.f32 v9, v7;
	v3 =	vmin.f32 v3, v7  }
0x396: {  	v38 =	vld [tilespmem:s16+$0x9180];
	v9 =	vmax.f32 v9, v8;
	v3 =	vmin.f32 v3, v8  }
0x397: {  	v39 =	vld [tilespmem:s16+$0x9200];
	v9 =	vmax.f32 v9, v34;
	v3 =	vmin.f32 v3, v34  }
0x398: {  	v40 =	vld [tilespmem:s16+$0x9280];
	v9 =	vmax.f32 v9, v35;
	v3 =	vmin.f32 v3, v35  }
0x399: {  	v41 =	vld [tilespmem:s16+$0x9300];
	v9 =	vmax.f32 v9, v36;
	v3 =	vmin.f32 v3, v36  }
0x39a: {  	v42 =	vld [tilespmem:s16+$0x9380];
	v9 =	vmax.f32 v9, v37;
	v3 =	vmin.f32 v3, v37  }
0x39b: {  	v43 =	vld [tilespmem:s16+$0x9400];
	v9 =	vmax.f32 v9, v38;
	v3 =	vmin.f32 v3, v38  }
0x39c: {  	v44 =	vld [tilespmem:s16+$0x1380];
	v9 =	vmax.f32 v9, v39;
	v3 =	vmin.f32 v3, v39  }
0x39d: {  	v9 =	vmax.f32 v9, v40;
	v3 =	vmin.f32 v3, v40  }
0x39e: {  	v45 =	vmax.f32 v9, v41;
	v3 =	vmin.f32 v3, v41  }
0x39f: {  	v5 =	vmax.f32 v45, v42;
	v3 =	vmin.f32 v3, v42  }
0x3a0: {  	v5 =	vmax.f32 v5, v43;
	v3 =	vmin.f32 v3, v43  }
0x3a1: {  	v5 =	vsub.f32 v5, v44;
	v3 =	vsub.f32 v44, v3;
	_ =	sdelay $0x1  }
0x3a2: {  	s26 =	sadd.s32 $0x10, s26;
	s30 =	rddreg [dreg:$0xd];
	v3 =	vmax.f32 v5, v3  }
0x3a3: {  	s16 =	sadd.s32 s21, s30;
	[tilespmem:s26+$0x0] =	vst v3  }
0x3a4: {  	[hbm4b:s16+s22] =	stream.strided.scatter [tilespmem:s3], [sflag:$0x5], $0x800, s23, s22, $0x38;
	[tilespmem:$0x16080] =	vst v63  }
0x3a5: {  	_ =	swait.ge [sflag:s5], $0x8000  }
0x3a6: {  	[sflag:s5] =	ssyncset.done $0x0  }
0x3a7: {  	p0 =	seq.s32 s20, $0x3;
	[sflag:s5] =	ssyncadd.s32 $0xFFFF8000  }
0x3a8: {  	v3 =	vld @!p0 [tilespmem:s25+$0x400];
	_ =	sdelay $0x4  }
0x3a9: {  	v4 =	vshll.u32 @!p0 v3, $0x4  }
0x3aa: {  	v5 =	vlaneseq.u32 @!p0;
	v3 =	vand.u32 @!p0 $0x7, v3;
	v4 =	vand.u32 @!p0 $0xFFFFFF80, v4  }
0x3ab: {  	v6 =	vshrl.u32 @!p0 v5, $0x3;
	v3 =	vor.u32 @!p0 v3, v4;
	v4 =	vand.u32 @!p0 $0x7, v5  }
0x3ac: {  	v6 =	vmul.u32 @!p0 $0x8, v6;
	v4 =	vperm.xlane @!p0 v3, v4;
	_ =	sdelay $0x1  }
0x3ad: {  	v4 =	vadd.s32 @!p0 v6, v4;
	_ =	sdelay $0x3  }
0x3ae: {  	vm1 =	vmmov @!p0 $0xffff;
	s16 =	simm.s32 @!p0 $0x0;
	s25 =	simm.s32 @!p0 $0x5080  }
0x3af: {  	[tilespmem:s25], [sflag:$0x3] =	stream.indirect_vreg.gather @!p0 [hbm4b:s2+s16], $0x80, v4, vm1, $0xb8;
	[tilespmem:$0x16080] =	vst v63  }
0x3b0: {  	s25 =	simm.s32 @!p0 $0x5880  }
0x3b1: {  	[tilespmem:s25], [sflag:$0x3] =	stream.indirect_vreg.gather @!p0 [hbm4b:s8+s16], $0x80, v4, vm1, $0xb8;
	[tilespmem:$0x16080] =	vst v63  }
0x3b2: {  	s25 =	simm.s32 @!p0 $0x6080  }
0x3b3: {  	[tilespmem:s25], [sflag:$0x3] =	stream.indirect_vreg.gather @!p0 [hbm4b:s9+s16], $0x80, v4, vm1, $0xb8;
	[tilespmem:$0x16080] =	vst v63  }
0x3b4: {  	s25 =	simm.s32 @!p0 $0x6880  }
0x3b5: {  	[tilespmem:s25], [sflag:$0x3] =	stream.indirect_vreg.gather @!p0 [hbm4b:s10+s16], $0x80, v4, vm1, $0xb8;
	[tilespmem:$0x16080] =	vst v63  }
0x3b6: {  	s25 =	simm.s32 @!p0 $0x7080  }
0x3b7: {  	v5 =	vor.u32 @!p0 $0x8, v5;
	[tilespmem:s25], [sflag:$0x3] =	stream.indirect_vreg.gather @!p0 [hbm4b:s11+s16], $0x80, v4, vm1, $0xb8;
	[tilespmem:$0x16080] =	vst v63  }
0x3b8: {  	v3 =	vperm.xlane @!p0 v3, v5;
	s25 =	simm.s32 @!p0 $0x7880  }
0x3b9: {  	[tilespmem:s25], [sflag:$0x3] =	stream.indirect_vreg.gather @!p0 [hbm4b:s12+s16], $0x80, v4, vm1, $0xb8;
	[tilespmem:$0x16080] =	vst v63  }
0x3ba: {  	v3 =	vadd.s32 @!p0 v6, v3;
	s25 =	simm.s32 @!p0 $0x8080  }
0x3bb: {  	[tilespmem:s25], [sflag:$0x3] =	stream.indirect_vreg.gather @!p0 [hbm4b:s13+s16], $0x80, v4, vm1, $0xb8;
	[tilespmem:$0x16080] =	vst v63  }
0x3bc: {  	s25 =	simm.s32 @!p0 $0x8880  }
0x3bd: {  	[tilespmem:s25], [sflag:$0x3] =	stream.indirect_vreg.gather @!p0 [hbm4b:s14+s16], $0x80, v4, vm1, $0xb8;
	[tilespmem:$0x16080] =	vst v63  }
0x3be: {  	s25 =	simm.s32 @!p0 $0x9080  }
0x3bf: {  	[tilespmem:s25], [sflag:$0x3] =	stream.indirect_vreg.gather @!p0 [hbm4b:s2+s16], $0x80, v3, vm1, $0xb8;
	[tilespmem:$0x16080] =	vst v63  }
0x3c0: {  	s25 =	simm.s32 @!p0 $0x9880  }
0x3c1: {  	[tilespmem:s25], [sflag:$0x3] =	stream.indirect_vreg.gather @!p0 [hbm4b:s8+s16], $0x80, v3, vm1, $0xb8;
	[tilespmem:$0x16080] =	vst v63  }
0x3c2: {  	s25 =	simm.s32 @!p0 $0xA080  }
0x3c3: {  	[tilespmem:s25], [sflag:$0x3] =	stream.indirect_vreg.gather @!p0 [hbm4b:s9+s16], $0x80, v3, vm1, $0xb8;
	[tilespmem:$0x16080] =	vst v63  }
0x3c4: {  	s25 =	simm.s32 @!p0 $0xA880  }
0x3c5: {  	[tilespmem:s25], [sflag:$0x3] =	stream.indirect_vreg.gather @!p0 [hbm4b:s10+s16], $0x80, v3, vm1, $0xb8;
	[tilespmem:$0x16080] =	vst v63  }
0x3c6: {  	s25 =	simm.s32 @!p0 $0xB080  }
0x3c7: {  	[tilespmem:s25], [sflag:$0x3] =	stream.indirect_vreg.gather @!p0 [hbm4b:s11+s16], $0x80, v3, vm1, $0xb8;
	[tilespmem:$0x16080] =	vst v63  }
0x3c8: {  	s25 =	simm.s32 @!p0 $0xB880  }
0x3c9: {  	[tilespmem:s25], [sflag:$0x3] =	stream.indirect_vreg.gather @!p0 [hbm4b:s12+s16], $0x80, v3, vm1, $0xb8;
	[tilespmem:$0x16080] =	vst v63  }
0x3ca: {  	s25 =	simm.s32 @!p0 $0xC080  }
0x3cb: {  	[tilespmem:s25], [sflag:$0x3] =	stream.indirect_vreg.gather @!p0 [hbm4b:s13+s16], $0x80, v3, vm1, $0xb8;
	[tilespmem:$0x16080] =	vst v63  }
0x3cc: {  	s25 =	simm.s32 @!p0 $0xC880  }
0x3cd: {  	[tilespmem:s25], [sflag:$0x3] =	stream.indirect_vreg.gather @!p0 [hbm4b:s14+s16], $0x80, v3, vm1, $0xb8;
	[tilespmem:$0x16080] =	vst v63  }
0x3ce: {  	s25 =	simm.s32 $0x0;
	_ =	swait.ge [sflag:s19], $0x800  }
0x3cf: {  	s26 =	sand.u32 $0x70, s25;
	s30 =	sand.u32 $0x3C00, s25;
	[sflag:s19] =	ssyncset.done $0x0  }
0x3d0: {  	s16 =	sor.u32 s26, s30;
	[sflag:s19] =	ssyncadd.s32 $0xFFFFF800  }
0x3d1: {  	v3 =	vld [tilespmem:s16+$0xD100]  }
0x3d2: {  	v46 =	vld [tilespmem:s16+$0xD080]  }
0x3d3: {  	v47 =	vld [tilespmem:s16+$0xD180]  }
0x3d4: {  	s30 =	sand.u32 $0x7, s25;
	v48 =	vld [tilespmem:s16+$0xD200]  }
0x3d5: {  	s26 =	sshll.u32 s30, $0x4;
	v49 =	vld [tilespmem:s16+$0xD280]  }
0x3d6: {  	s26 =	sadd.s32 $0x0, s26;
	v50 =	vld [tilespmem:s16+$0xD300]  }
0x3d7: {  	v52 =	vld [tilespmem:s16+$0xD380];
	s26 =	sor.u32 $0x380, s26;
	v51 =	vmax.f32 v46, v3;
	v3 =	vmin.f32 v46, v3  }
0x3d8: {  	v53 =	vld [tilespmem:s26+$0xD080];
	v9 =	vmax.f32 v51, v47;
	v3 =	vmin.f32 v3, v47  }
0x3d9: {  	v54 =	vld [tilespmem:s16+$0x11080];
	v9 =	vmax.f32 v9, v48;
	v3 =	vmin.f32 v3, v48  }
0x3da: {  	v55 =	vld [tilespmem:s16+$0x11100];
	v9 =	vmax.f32 v9, v49;
	v3 =	vmin.f32 v3, v49  }
0x3db: {  	v56 =	vld [tilespmem:s16+$0x11180];
	v9 =	vmax.f32 v9, v50;
	v3 =	vmin.f32 v3, v50  }
0x3dc: {  	v57 =	vld [tilespmem:s16+$0x11200];
	v9 =	vmax.f32 v9, v52;
	v3 =	vmin.f32 v3, v52  }
0x3dd: {  	v58 =	vld [tilespmem:s16+$0x11280];
	v9 =	vmax.f32 v9, v53;
	v3 =	vmin.f32 v3, v53  }
0x3de: {  	v59 =	vld [tilespmem:s16+$0x11300];
	v9 =	vmax.f32 v9, v54;
	v3 =	vmin.f32 v3, v54  }
0x3df: {  	v60 =	vld [tilespmem:s16+$0x11380];
	v9 =	vmax.f32 v9, v55;
	v3 =	vmin.f32 v3, v55  }
0x3e0: {  	v61 =	vld [tilespmem:s16+$0x11400];
	v9 =	vmax.f32 v9, v56;
	v3 =	vmin.f32 v3, v56  }
0x3e1: {  	v62 =	vld [tilespmem:s26+$0x1080];
	v9 =	vmax.f32 v9, v57;
	v3 =	vmin.f32 v3, v57  }
0x3e2: {  	v9 =	vmax.f32 v9, v58;
	v3 =	vmin.f32 v3, v58  }
0x3e3: {  	v63 =	vmax.f32 v9, v59;
	v3 =	vmin.f32 v3, v59  }
0x3e4: {  	v5 =	vmax.f32 v63, v60;
	v3 =	vmin.f32 v3, v60  }
0x3e5: {  	v5 =	vmax.f32 v5, v61;
	v3 =	vmin.f32 v3, v61  }
0x3e6: {  	v5 =	vsub.f32 v5, v62;
	v3 =	vsub.f32 v62, v3  }
0x3e7: {  	s28 =	simm.s32 $0x80;
	s30 =	simm.s32 $0x10  }
0x3e8: {  	s29 =	sand.u32 $0x3C00, s28;
	s16 =	sand.u32 $0x70, s30;
	s26 =	simm.s32 $0x15880;
	v3 =	vmax.f32 v5, v3  }
0x3e9: {  	s16 =	sor.u32 s16, s29;
	s29 =	simm.s32 $0x20;
	[tilespmem:s26+$0x0] =	vst v3  }
.LBB2_17:
0x3ea: {  	p0 =	sne.s32 s29, $0x7F0;
	v3 =	vld [tilespmem:s16+$0xD100]  }
0x3eb: {  	v4 =	vld [tilespmem:s16+$0xD080]  }
0x3ec: {  	s25 =	sadd.s32 $0x1, s25;
	v5 =	vld [tilespmem:s16+$0xD180]  }
0x3ed: {  	s30 =	sand.u32 $0x7, s25;
	v6 =	vld [tilespmem:s16+$0xD200]  }
0x3ee: {  	s30 =	sshll.u32 s30, $0x4;
	v7 =	vld [tilespmem:s16+$0xD280]  }
0x3ef: {  	s30 =	sadd.s32 s30, s28;
	v8 =	vld [tilespmem:s16+$0xD300]  }
0x3f0: {  	s30 =	sor.u32 $0x380, s30;
	v9 =	vmax.f32 v4, v3;
	v3 =	vmin.f32 v4, v3;
	v4 =	vld [tilespmem:s16+$0xD380]  }
0x3f1: {  	v9 =	vmax.f32 v9, v5;
	v3 =	vmin.f32 v3, v5;
	v5 =	vld [tilespmem:s30+$0xD080]  }
0x3f2: {  	v9 =	vmax.f32 v9, v6;
	v3 =	vmin.f32 v3, v6;
	v6 =	vld [tilespmem:s16+$0x11080]  }
0x3f3: {  	v9 =	vmax.f32 v9, v7;
	v3 =	vmin.f32 v3, v7;
	v7 =	vld [tilespmem:s16+$0x11100]  }
0x3f4: {  	v9 =	vmax.f32 v9, v8;
	v3 =	vmin.f32 v3, v8;
	v8 =	vld [tilespmem:s16+$0x11180]  }
0x3f5: {  	v9 =	vmax.f32 v9, v4;
	v3 =	vmin.f32 v3, v4;
	v4 =	vld [tilespmem:s16+$0x11200]  }
0x3f6: {  	v9 =	vmax.f32 v9, v5;
	v3 =	vmin.f32 v3, v5;
	v5 =	vld [tilespmem:s16+$0x11280]  }
0x3f7: {  	v9 =	vmax.f32 v9, v6;
	v3 =	vmin.f32 v3, v6;
	v6 =	vld [tilespmem:s16+$0x11300]  }
0x3f8: {  	v9 =	vmax.f32 v9, v7;
	v3 =	vmin.f32 v3, v7;
	v7 =	vld [tilespmem:s16+$0x11380]  }
0x3f9: {  	v9 =	vmax.f32 v9, v8;
	v3 =	vmin.f32 v3, v8;
	v8 =	vld [tilespmem:s16+$0x11400]  }
0x3fa: {  	v9 =	vmax.f32 v9, v4;
	v3 =	vmin.f32 v3, v4;
	v4 =	vld [tilespmem:s30+$0x1080]  }
0x3fb: {  	v9 =	vmax.f32 v9, v5;
	v3 =	vmin.f32 v3, v5  }
0x3fc: {  	v5 =	vmax.f32 v9, v6;
	v3 =	vmin.f32 v3, v6  }
0x3fd: {  	v5 =	vmax.f32 v5, v7;
	v3 =	vmin.f32 v3, v7  }
.Ltmp7:
0x3fe: {  	v5 =	vmax.f32 v5, v8;
	v3 =	vmin.f32 v3, v8;
	(pc) =	sbr.rel @p0 .LBB2_17-.Ltmp7, $4  }
0x3ff: {  	v5 =	vsub.f32 v5, v4;
	v3 =	vsub.f32 v4, v3  }
0x400: {  	s28 =	sadd.s32 $0x80, s28  }
0x401: {  	s26 =	sadd.s32 $0x10, s26;
	s16 =	sand.u32 $0x70, s29;
	s30 =	sand.u32 $0x3C00, s28;
	v3 =	vmax.f32 v5, v3  }
0x402: {  	s29 =	sadd.s32 $0x10, s29;
	s16 =	sor.u32 s16, s30;
	[tilespmem:s26+$0x0] =	vst v3  }
0x403: {  	v3 =	vld [tilespmem:s16+$0xD100]  }
0x404: {  	v4 =	vld [tilespmem:s16+$0xD080]  }
0x405: {  	v5 =	vld [tilespmem:s16+$0xD180];
	s25 =	sadd.s32 $0x1, s25  }
0x406: {  	v6 =	vld [tilespmem:s16+$0xD200];
	s25 =	sand.u32 $0x7, s25  }
0x407: {  	v7 =	vld [tilespmem:s16+$0xD280];
	s25 =	sshll.u32 s25, $0x4  }
0x408: {  	v8 =	vld [tilespmem:s16+$0xD300];
	s25 =	sadd.s32 s25, s28  }
0x409: {  	v52 =	vld [tilespmem:s16+$0xD380];
	s25 =	sor.u32 $0x380, s25;
	v9 =	vmax.f32 v4, v3;
	v3 =	vmin.f32 v4, v3  }
0x40a: {  	v53 =	vld [tilespmem:s25+$0xD080];
	v9 =	vmax.f32 v9, v5;
	v3 =	vmin.f32 v3, v5  }
0x40b: {  	v54 =	vld [tilespmem:s16+$0x11080];
	v9 =	vmax.f32 v9, v6;
	v3 =	vmin.f32 v3, v6  }
0x40c: {  	v55 =	vld [tilespmem:s16+$0x11100];
	v9 =	vmax.f32 v9, v7;
	v3 =	vmin.f32 v3, v7  }
0x40d: {  	v56 =	vld [tilespmem:s16+$0x11180];
	v9 =	vmax.f32 v9, v8;
	v3 =	vmin.f32 v3, v8  }
0x40e: {  	v57 =	vld [tilespmem:s16+$0x11200];
	v9 =	vmax.f32 v9, v52;
	v3 =	vmin.f32 v3, v52  }
0x40f: {  	v58 =	vld [tilespmem:s16+$0x11280];
	v9 =	vmax.f32 v9, v53;
	v3 =	vmin.f32 v3, v53  }
0x410: {  	v59 =	vld [tilespmem:s16+$0x11300];
	v9 =	vmax.f32 v9, v54;
	v3 =	vmin.f32 v3, v54  }
0x411: {  	v60 =	vld [tilespmem:s16+$0x11380];
	v9 =	vmax.f32 v9, v55;
	v3 =	vmin.f32 v3, v55  }
0x412: {  	v61 =	vld [tilespmem:s16+$0x11400];
	v9 =	vmax.f32 v9, v56;
	v3 =	vmin.f32 v3, v56  }
0x413: {  	v62 =	vld [tilespmem:s25+$0x1080];
	v9 =	vmax.f32 v9, v57;
	v3 =	vmin.f32 v3, v57  }
0x414: {  	v9 =	vmax.f32 v9, v58;
	v3 =	vmin.f32 v3, v58  }
0x415: {  	v63 =	vmax.f32 v9, v59;
	v3 =	vmin.f32 v3, v59  }
0x416: {  	s20 =	sadd.s32 $0x1, s20;
	v5 =	vmax.f32 v63, v60;
	v3 =	vmin.f32 v3, v60  }
0x417: {  	p0 =	sne.s32 s20, $0x4;
	v5 =	vmax.f32 v5, v61;
	v3 =	vmin.f32 v3, v61  }
.Ltmp8:
0x418: {  	v5 =	vsub.f32 v5, v62;
	v3 =	vsub.f32 v62, v3;
	(pc) =	sbr.rel @p0 .LBB2_2-.Ltmp8, $4  }
0x419: {  	_ = 	snop  }
0x41a: {  	s29 =	sadd.s32 $0x10, s26;
	s30 =	rddreg [dreg:$0xe];
	v3 =	vmax.f32 v5, v3  }
0x41b: {  	s16 =	sadd.s32 s21, s30;
	[tilespmem:s29+$0x0] =	vst v3  }
0x41c: {  	[hbm4b:s16+s22] =	stream.strided.scatter [tilespmem:s15], [sflag:$0x6], $0x800, s23, s22, $0x38;
	[tilespmem:$0x16080] =	vst v63  }
0x41d: {  	_ =	swait.ge [sflag:s18], $0x800  }
0x41e: {  	[sflag:s18] =	ssyncset.done $0x0  }
0x41f: {  	[sflag:s18] =	ssyncadd.s32 $0xFFFFF800  }
0x420: {  	_ =	swait.ge [sflag:s19], $0x800  }
0x421: {  	s20 =	rddreg [dreg:$0x10]  }
0x422: {  	s16 =	rddreg [dreg:$0xf];
	s20 =	sadd.s32 $0x1, s20  }
0x423: {  	p0 =	sne.s32 s20, s16  }
.Ltmp9:
0x424: {  	_ = 	snop;
	(pc) =	sbr.rel @p0 .LBB2_1-.Ltmp9, $3  }
0x425: {  	_ =	sdelay $0x1  }
0x426: {  	[sflag:s19] =	ssyncset.done $0x0  }
0x427: {  	[sflag:s19] =	ssyncadd.s32 $0xFFFFF800  }
0x428: {  	_ =	sfence.sel $0x180000  }
0x429: {  	[bflag:$0x0] =	sbarrier.arrive $0xFFFF  }
0x42a: {  	_ =	strace $0x90000047  }
0x42b: {  	s0 =	stileid.u32;
	[bflag:$0x2] =	sbarrier.arrive $0xFFFF  }
0x42c: {  	p0 =	sne.s32 s0, $0x0;
	s0 =	rddreg [dreg:$0x4]  }
0x42d: {  	s0 =	sadd.s32 @!p0 $0x100000, s0  }
0x42e: {  	[sflag:s0] =	ssyncadd.tile.s32 @!p0 $0x1;
	_ =	shalt  }
.Lfunc_end2:
_tile_overlayer_lowered:
.L_overlay_start_2:
0x42f: {  	(tag) =	ssettag $0x2  }
0x430: {  	s0 =	rddreg [dreg:$0x0];
	s2 =	stileid.u32  }
0x431: {  	s1 =	rddreg [dreg:$0x1];
	p0 =	sne.s32 s2, $0x0  }
0x432: {  	s3 =	rddreg [dreg:$0x2];
	[bflag:$0x3] =	sbarrier.arrive $0xFFFF;
	s2 =	simm.s32 @!p0 $0x1C07  }
0x433: {  	[timem:s3], [sflag:s2] =	dma.local @!p0 [hbm:s0], s1  }
0x434: {  	s0 =	simm.s32 @!p0 $0x7  }
0x435: {  	_ =	swait.ge @!p0 [sflag:s0], s1  }
0x436: {  	s1 =	ssub.s32 @!p0 $0x0, s1;
	[sflag:s0] =	ssyncset.done @!p0 $0x0  }
0x437: {  	[sflag:s0] =	ssyncadd.s32 @!p0 s1  }
0x438: {  	[bflag:$0x3] =	sbarrier.arrive $0xFFFF  }
0x439: {  	_ =	shalt  }

</sc_bundles>
